<compile_context>
chip_gen: v7x
topology: tpu7x:2x2x1
jax: 0.10.2.dev20260603
libtpu: 0.0.44.dev20260713+nightly
codegen_flags: <defaults>
</compile_context>

<pallas_src>
import jax
import jax.numpy as jnp
from jax import lax
from jax.experimental import pallas as pl
from jax.experimental.pallas import tpu as pltpu
from jax.experimental.pallas import tpu_sc as plsc

BS = 2
C = 96
H = W = 384
NPIX = H * W
ACC_PER_TILE = NPIX // 16
TRASH = NPIX
TRASH_WORDS = 4096
ACC_WORDS = NPIX + TRASH_WORDS
PX_PER_TILE = NPIX // 16
GROUPS = PX_PER_TILE // 16
ROWS_PER_TILE = H // 16
CLIP_HI = 385.0

CHUNKS = (0, 72, 240, 408, 576)


def _sc_body(g_hbm, out_hbm, gv,
             i00, i01, i10, i11, w00, w01, w10, w11,
             zbuf, rbuf, acc, sem):
    c = lax.axis_index("c")
    s = lax.axis_index("s")

    rA = pl.multiple_of(c * (2 * H) + s * ROWS_PER_TILE, 8)
    rB = pl.multiple_of(c * (2 * H) + H + s * ROWS_PER_TILE, 8)
    ld0 = pltpu.make_async_copy(g_hbm.at[pl.ds(rA, ROWS_PER_TILE)],
                                gv.at[pl.ds(0, ROWS_PER_TILE)], sem)
    ld1 = pltpu.make_async_copy(g_hbm.at[pl.ds(rB, ROWS_PER_TILE)],
                                gv.at[pl.ds(ROWS_PER_TILE, ROWS_PER_TILE)],
                                sem)
    ld0.start()
    ld1.start()

    def _zero(k, _):
        zbuf[pl.ds(k * 16, 16)] = jnp.zeros((16,), jnp.float32)
        return _
    lax.fori_loop(0, ACC_PER_TILE // 16, _zero, None)
    pltpu.sync_copy(zbuf, acc.at[pl.ds(s * ACC_PER_TILE, ACC_PER_TILE)])

    plsc.subcore_barrier()
    ld0.wait()
    ld1.wait()

    lane = lax.iota(jnp.int32, 16)

    def _compute(g, _):
        col = g * 16
        trash = (TRASH + (col & (TRASH_WORDS - 16))) + lane
        gr = g // ROWS_PER_TILE
        gc = (g % ROWS_PER_TILE) * 16
        gi = gv[gr, pl.ds(gc, 16)]
        gj = gv[gr + ROWS_PER_TILE, pl.ds(gc, 16)]
        ti = jnp.minimum(jnp.maximum(gi * 192.0 + 193.0, 0.0), CLIP_HI)
        tj = jnp.minimum(jnp.maximum(gj * 192.0 + 193.0, 0.0), CLIP_HI)
        li = ti.astype(jnp.int32)
        lj = tj.astype(jnp.int32)
        fi = ti - li.astype(jnp.float32)
        fj = tj - lj.astype(jnp.float32)
        base = li * W + lj - (W + 1)
        mi0 = jnp.logical_and(li >= 1, li <= H)
        mi1 = li <= H - 1
        mj0 = jnp.logical_and(lj >= 1, lj <= W)
        mj1 = lj <= W - 1
        i00[pl.ds(col, 16)] = jnp.where(mi0 & mj0, base, trash)
        i01[pl.ds(col, 16)] = jnp.where(mi0 & mj1, base + 1, trash)
        i10[pl.ds(col, 16)] = jnp.where(mi1 & mj0, base + W, trash)
        i11[pl.ds(col, 16)] = jnp.where(mi1 & mj1, base + (W + 1), trash)
        a0 = 1.0 - fi
        b0 = 1.0 - fj
        w00[pl.ds(col, 16)] = a0 * b0
        w01[pl.ds(col, 16)] = a0 * fj
        w10[pl.ds(col, 16)] = fi * b0
        w11[pl.ds(col, 16)] = fi * fj
        return _

    descs = []
    for k in range(len(CHUNKS) - 1):
        lo, hi = CHUNKS[k], CHUNKS[k + 1]
        lax.fori_loop(lo, hi, _compute, None)
        sl = pl.ds(lo * 16, (hi - lo) * 16)
        for iv, wv in ((i00, w00), (i01, w01), (i10, w10), (i11, w11)):
            descs.append(
                pltpu.async_copy(wv.at[sl], acc.at[iv.at[sl]], sem, add=True))
    for d in descs:
        d.wait()

    plsc.subcore_barrier()

    rdescs = []
    for r in range(ROWS_PER_TILE):
        rdescs.append(pltpu.async_copy(
            acc.at[pl.ds(s * ACC_PER_TILE + r * W, W)], rbuf.at[r], sem))
    for d in rdescs:
        d.wait()
    row0 = pl.multiple_of(c * H + s * ROWS_PER_TILE, ROWS_PER_TILE)
    pltpu.sync_copy(rbuf, out_hbm.at[pl.ds(row0, ROWS_PER_TILE)])


_sc_scatter = pl.kernel(
    _sc_body,
    out_type=jax.ShapeDtypeStruct((BS * H, W), jnp.float32),
    mesh=plsc.VectorSubcoreMesh(core_axis_name="c", subcore_axis_name="s"),
    scratch_types=[
        pltpu.VMEM((2 * ROWS_PER_TILE, W), jnp.float32),
        pltpu.VMEM((PX_PER_TILE,), jnp.int32),
        pltpu.VMEM((PX_PER_TILE,), jnp.int32),
        pltpu.VMEM((PX_PER_TILE,), jnp.int32),
        pltpu.VMEM((PX_PER_TILE,), jnp.int32),
        pltpu.VMEM((PX_PER_TILE,), jnp.float32),
        pltpu.VMEM((PX_PER_TILE,), jnp.float32),
        pltpu.VMEM((PX_PER_TILE,), jnp.float32),
        pltpu.VMEM((PX_PER_TILE,), jnp.float32),
        pltpu.VMEM((ACC_PER_TILE,), jnp.float32),
        pltpu.VMEM((ROWS_PER_TILE, W), jnp.float32),
        pltpu.VMEM_SHARED((ACC_WORDS,), jnp.float32),
        pltpu.SemaphoreType.DMA,
    ],
)


CB = 8


def _bcast_body(b_ref, o_ref, s0, s1, sem):
    descs = []
    for b, s in ((0, s0), (1, s1)):
        s[...] = jnp.broadcast_to(b_ref[pl.ds(b * H, H), :][None], (CB, H, W))
        for c in range(0, C, CB):
            d = pltpu.make_async_copy(s, o_ref.at[b, pl.ds(c, CB)], sem)
            d.start()
            descs.append(d)
    for d in descs:
        d.wait()


def kernel(x, inv_grid):
    g = jnp.transpose(inv_grid, (0, 3, 1, 2)).reshape(BS * 2 * H, W)
    bacc = _sc_scatter(g)

    out = pl.pallas_call(
        _bcast_body,
        in_specs=[pl.BlockSpec(memory_space=pltpu.VMEM)],
        out_specs=pl.BlockSpec(memory_space=pltpu.MemorySpace.HBM),
        out_shape=jax.ShapeDtypeStruct((BS, C, H, W), x.dtype),
        scratch_shapes=[
            pltpu.VMEM((CB, H, W), jnp.float32),
            pltpu.VMEM((CB, H, W), jnp.float32),
            pltpu.SemaphoreType.DMA,
        ],
    )(bacc)
    return out

# --- scband reference (transcript-rebuilt; emitter-appended) ---
"""Pipeline reference for scband-inv-grid-sampler-denominator-65712999629447 (READ-ONLY COPY).

The authoritative reference and input builder live on the scoring server;
editing this copy changes nothing except your own understanding.
"""

import jax, jax.numpy as jnp
import numpy as np


def setup_inputs(seed: int = 0) -> dict:
    key = jax.random.key(seed)
    k1, k2 = jax.random.split(key)
    x = jax.random.normal(k1, (2, 96, 384, 384), dtype=jnp.float32)
    inv_grid = jax.random.normal(k2, (2, 384, 384, 2), dtype=jnp.float32)
    return {"x": x, "inv_grid": inv_grid}


def reference(x, inv_grid):
    eps = 1e-10
    bs, C, h, w = x.shape
    g = (inv_grid + 1.0) / 2.0
    gi = g[..., 0] * h
    gj = g[..., 1] * w
    gi = jnp.clip(gi + 1.0, 0.0, h + 1 - 2 * eps)
    gj = jnp.clip(gj + 1.0, 0.0, w + 1 - 2 * eps)
    Hn, Wn = inv_grid.shape[1], inv_grid.shape[2]
    gi = gi.reshape(-1)
    gj = gj.reshape(-1)
    li = gi.astype(jnp.int32)
    lj = gj.astype(jnp.int32)
    b_idx = jnp.repeat(jnp.arange(bs, dtype=jnp.int32), Hn * Wn)
    B_acc = jnp.zeros((bs, h + 3, w + 3), dtype=x.dtype)
    for di in range(2):
        ci = (li + di).astype(gi.dtype)
        wi = jnp.maximum(1.0 - jnp.abs(gi - ci), 0.0)
        for dj in range(2):
            cj = (lj + dj).astype(gj.dtype)
            wgt = wi * jnp.maximum(1.0 - jnp.abs(gj - cj), 0.0)
            B_acc = B_acc.at[b_idx, li + di, lj + dj].add(wgt)
    B = jnp.broadcast_to(B_acc[:, None, :, :], (bs, C, h + 3, w + 3))
    return B[..., 1:h + 1, 1:w + 1]

if __name__ == "__main__":
    import jax
    _d = setup_inputs()
    print(jax.jit(kernel)(*tuple(_d.values())))

</pallas_src>

<mosaic_0001>
#map = affine_map<(d0, d1) -> (0, 0)>
module attributes {stable_mosaic.version = 14 : i64} {
  func.func @_sc_body(%arg0: i32, %arg1: i32, %arg2: memref<1536x384xf32, #tpu.memory_space<hbm>>, %arg3: memref<768x384xf32, #tpu.memory_space<hbm>>, %arg4: memref<48x384xf32, #tpu.memory_space<vmem>>, %arg5: memref<9216xi32, #tpu.memory_space<vmem>>, %arg6: memref<9216xi32, #tpu.memory_space<vmem>>, %arg7: memref<9216xi32, #tpu.memory_space<vmem>>, %arg8: memref<9216xi32, #tpu.memory_space<vmem>>, %arg9: memref<9216xf32, #tpu.memory_space<vmem>>, %arg10: memref<9216xf32, #tpu.memory_space<vmem>>, %arg11: memref<9216xf32, #tpu.memory_space<vmem>>, %arg12: memref<9216xf32, #tpu.memory_space<vmem>>, %arg13: memref<9216xf32, #tpu.memory_space<vmem>>, %arg14: memref<24x384xf32, #tpu.memory_space<vmem>>, %arg15: memref<151552xf32, #tpu.memory_space<vmem_shared>>, %arg16: memref<!tpu.dma_semaphore, #tpu.memory_space<semaphore_mem>>) attributes {dimension_semantics = [#tpu.dimension_semantics<core_parallel>, #tpu.dimension_semantics<subcore_parallel>], iteration_bounds = array<i64: 2, 16>, scalar_prefetch = 0 : i64, scratch_operands = 13 : i64, tpu.core_type = #tpu.core_type<sc_vector_subcore>, window_params = [{transform_indices = #map}, {transform_indices = #map}]} {
    %mul3A = arith.constant 768 : i32
    %mul3A_0 = arith.muli %arg0, %mul3A : i32
    %mul3A_1 = arith.constant 24 : i32
    %mul3A_2 = arith.muli %arg1, %mul3A_1 : i32
    %add3A = arith.addi %mul3A_0, %mul3A_2 : i32
    %multiple_of3A = tpu.assume_multiple %add3A, 8 : i32
    %mul3A_3 = arith.constant 768 : i32
    %mul3A_4 = arith.muli %arg0, %mul3A_3 : i32
    %add3A_5 = arith.constant 384 : i32
    %add3A_6 = arith.addi %mul3A_4, %add3A_5 : i32
    %mul3A_7 = arith.constant 24 : i32
    %mul3A_8 = arith.muli %arg1, %mul3A_7 : i32
    %add3A_9 = arith.addi %add3A_6, %mul3A_8 : i32
    %multiple_of3A_10 = tpu.assume_multiple %add3A_9, 8 : i32
    %dma_start3A = arith.constant 0 : i32
    %dma_start3A_11 = arith.constant 0 : i32
    %dma_start3A_12 = tpu.memref_slice %arg4[%dma_start3A, %dma_start3A_11] : memref<48x384xf32, #tpu.memory_space<vmem>> -> memref<24x384xf32, #tpu.memory_space<vmem>>
    %dma_start3A_13 = arith.constant 0 : i32
    %dma_start3A_14 = tpu.memref_slice %arg2[%multiple_of3A, %dma_start3A_13] : memref<1536x384xf32, #tpu.memory_space<hbm>> -> memref<24x384xf32, #tpu.memory_space<hbm>>
    %dma_start3A_15 = arith.constant 0 : i32
    %dma_start3A_16 = arith.constant 0 : i32
    %dma_start3A_17 = tpu.memref_slice %arg4[%dma_start3A_15, %dma_start3A_16] : memref<48x384xf32, #tpu.memory_space<vmem>> -> memref<24x384xf32, #tpu.memory_space<vmem>>
    %dma_start3A_18 = arith.constant 0 : i32
    %dma_start3A_19 = tpu.memref_slice %arg2[%multiple_of3A, %dma_start3A_18] : memref<1536x384xf32, #tpu.memory_space<hbm>> -> memref<24x384xf32, #tpu.memory_space<hbm>>
    tpu.enqueue_dma source(%dma_start3A_19 : memref<24x384xf32, #tpu.memory_space<hbm>>) target(%dma_start3A_17 : memref<24x384xf32, #tpu.memory_space<vmem>>) target_semaphore(%arg16 : memref<!tpu.dma_semaphore, #tpu.memory_space<semaphore_mem>>)
    %dma_start3A_20 = arith.constant 24 : i32
    %dma_start3A_21 = arith.constant 0 : i32
    %dma_start3A_22 = tpu.memref_slice %arg4[%dma_start3A_20, %dma_start3A_21] : memref<48x384xf32, #tpu.memory_space<vmem>> -> memref<24x384xf32, #tpu.memory_space<vmem>>
    %dma_start3A_23 = arith.constant 0 : i32
    %dma_start3A_24 = tpu.memref_slice %arg2[%multiple_of3A_10, %dma_start3A_23] : memref<1536x384xf32, #tpu.memory_space<hbm>> -> memref<24x384xf32, #tpu.memory_space<hbm>>
    %dma_start3A_25 = arith.constant 24 : i32
    %dma_start3A_26 = arith.constant 0 : i32
    %dma_start3A_27 = tpu.memref_slice %arg4[%dma_start3A_25, %dma_start3A_26] : memref<48x384xf32, #tpu.memory_space<vmem>> -> memref<24x384xf32, #tpu.memory_space<vmem>>
    %dma_start3A_28 = arith.constant 0 : i32
    %dma_start3A_29 = tpu.memref_slice %arg2[%multiple_of3A_10, %dma_start3A_28] : memref<1536x384xf32, #tpu.memory_space<hbm>> -> memref<24x384xf32, #tpu.memory_space<hbm>>
    tpu.enqueue_dma source(%dma_start3A_29 : memref<24x384xf32, #tpu.memory_space<hbm>>) target(%dma_start3A_27 : memref<24x384xf32, #tpu.memory_space<vmem>>) target_semaphore(%arg16 : memref<!tpu.dma_semaphore, #tpu.memory_space<semaphore_mem>>)
    %scan3A = arith.constant 0 : i32
    %scan3A_30 = arith.constant 576 : i32
    %scan3A_31 = arith.addi %scan3A, %scan3A_30 : i32
    %scan3A_32 = arith.constant 1 : i32
    scf.for %scan3A_802 = %scan3A to %scan3A_31 step %scan3A_32  : i32 {
      %broadcast_in_dim3A = arith.constant 0.000000e+00 : f32
      %broadcast_in_dim3A_803 = vector.broadcast %broadcast_in_dim3A : f32 to vector<16xf32>
      %mul3A_804 = arith.constant 16 : i32
      %mul3A_805 = arith.muli %scan3A_802, %mul3A_804 : i32
      %swap3A = arith.index_cast %mul3A_805 : i32 to index
      %swap3A_806 = tpu.vector_load %arg13[%swap3A] {strides = array<i32>} : memref<9216xf32, #tpu.memory_space<vmem>>, vector<16xf32>,
      %swap3A_807 = vector.shape_cast %swap3A_806 : vector<16xf32> to vector<16xf32>
      %swap3A_808 = vector.shape_cast %broadcast_in_dim3A_803 : vector<16xf32> to vector<16xf32>
      tpu.vector_store %arg13[%swap3A], %swap3A_808 {strides = array<i32>} : memref<9216xf32, #tpu.memory_space<vmem>>, vector<16xf32>,
    }
    %scan3A_33 = arith.constant 576 : i32
    %mul3A_34 = arith.constant 9216 : i32
    %mul3A_35 = arith.muli %arg1, %mul3A_34 : i32
    "tpu.region"() ({
      %run_scoped3A = tpu.sem_alloc : memref<!tpu.dma_semaphore, #tpu.memory_space<semaphore_mem>>
      %dma_start3A_802 = tpu.memref_slice %arg15[%mul3A_35] : memref<151552xf32, #tpu.memory_space<vmem_shared>> -> memref<9216xf32, #tpu.memory_space<vmem_shared>>
      %dma_start3A_803 = tpu.memref_slice %arg15[%mul3A_35] : memref<151552xf32, #tpu.memory_space<vmem_shared>> -> memref<9216xf32, #tpu.memory_space<vmem_shared>>
      tpu.enqueue_dma source(%arg13 : memref<9216xf32, #tpu.memory_space<vmem>>) target(%dma_start3A_803 : memref<9216xf32, #tpu.memory_space<vmem_shared>>) target_semaphore(%run_scoped3A : memref<!tpu.dma_semaphore, #tpu.memory_space<semaphore_mem>>)
      %dma_wait3A_804 = tpu.memref_slice %arg15[%mul3A_35] : memref<151552xf32, #tpu.memory_space<vmem_shared>> -> memref<9216xf32, #tpu.memory_space<vmem_shared>>
      %dma_wait3A_805 = tpu.memref_slice %arg15[%mul3A_35] : memref<151552xf32, #tpu.memory_space<vmem_shared>> -> memref<9216xf32, #tpu.memory_space<vmem_shared>>
      tpu.wait_dma2 semaphore(%run_scoped3A : memref<!tpu.dma_semaphore, #tpu.memory_space<semaphore_mem>>) src(%arg13 : memref<9216xf32, #tpu.memory_space<vmem>>) dst(%dma_wait3A_805 : memref<9216xf32, #tpu.memory_space<vmem_shared>>)
      tpu.yield
    }) : () -> ()
    %barrier3A = arith.constant 0 : index
    tpu.barrier barrier_id(%barrier3A)
    %dma_wait3A = arith.constant 0 : i32
    %dma_wait3A_36 = arith.constant 0 : i32
    %dma_wait3A_37 = tpu.memref_slice %arg4[%dma_wait3A, %dma_wait3A_36] : memref<48x384xf32, #tpu.memory_space<vmem>> -> memref<24x384xf32, #tpu.memory_space<vmem>>
    %dma_wait3A_38 = arith.constant 0 : i32
    %dma_wait3A_39 = tpu.memref_slice %arg2[%multiple_of3A, %dma_wait3A_38] : memref<1536x384xf32, #tpu.memory_space<hbm>> -> memref<24x384xf32, #tpu.memory_space<hbm>>
    %dma_wait3A_40 = arith.constant 0 : i32
    %dma_wait3A_41 = arith.constant 0 : i32
    %dma_wait3A_42 = tpu.memref_slice %arg4[%dma_wait3A_40, %dma_wait3A_41] : memref<48x384xf32, #tpu.memory_space<vmem>> -> memref<24x384xf32, #tpu.memory_space<vmem>>
    %dma_wait3A_43 = arith.constant 0 : i32
    %dma_wait3A_44 = tpu.memref_slice %arg2[%multiple_of3A, %dma_wait3A_43] : memref<1536x384xf32, #tpu.memory_space<hbm>> -> memref<24x384xf32, #tpu.memory_space<hbm>>
    tpu.wait_dma2 semaphore(%arg16 : memref<!tpu.dma_semaphore, #tpu.memory_space<semaphore_mem>>) src(%dma_wait3A_44 : memref<24x384xf32, #tpu.memory_space<hbm>>) dst(%dma_wait3A_42 : memref<24x384xf32, #tpu.memory_space<vmem>>)
    %dma_wait3A_45 = arith.constant 24 : i32
    %dma_wait3A_46 = arith.constant 0 : i32
    %dma_wait3A_47 = tpu.memref_slice %arg4[%dma_wait3A_45, %dma_wait3A_46] : memref<48x384xf32, #tpu.memory_space<vmem>> -> memref<24x384xf32, #tpu.memory_space<vmem>>
    %dma_wait3A_48 = arith.constant 0 : i32
    %dma_wait3A_49 = tpu.memref_slice %arg2[%multiple_of3A_10, %dma_wait3A_48] : memref<1536x384xf32, #tpu.memory_space<hbm>> -> memref<24x384xf32, #tpu.memory_space<hbm>>
    %dma_wait3A_50 = arith.constant 24 : i32
    %dma_wait3A_51 = arith.constant 0 : i32
    %dma_wait3A_52 = tpu.memref_slice %arg4[%dma_wait3A_50, %dma_wait3A_51] : memref<48x384xf32, #tpu.memory_space<vmem>> -> memref<24x384xf32, #tpu.memory_space<vmem>>
    %dma_wait3A_53 = arith.constant 0 : i32
    %dma_wait3A_54 = tpu.memref_slice %arg2[%multiple_of3A_10, %dma_wait3A_53] : memref<1536x384xf32, #tpu.memory_space<hbm>> -> memref<24x384xf32, #tpu.memory_space<hbm>>
    tpu.wait_dma2 semaphore(%arg16 : memref<!tpu.dma_semaphore, #tpu.memory_space<semaphore_mem>>) src(%dma_wait3A_54 : memref<24x384xf32, #tpu.memory_space<hbm>>) dst(%dma_wait3A_52 : memref<24x384xf32, #tpu.memory_space<vmem>>)
    %iota3A = tpu.iota {dimensions = array<i32: 0>} : vector<16xi32>
    %scan3A_55 = arith.constant 0 : i32
    %scan3A_56 = arith.constant 72 : i32
    %scan3A_57 = arith.addi %scan3A_55, %scan3A_56 : i32
    %scan3A_58 = arith.constant 1 : i32
    scf.for %scan3A_802 = %scan3A_55 to %scan3A_57 step %scan3A_58  : i32 {
      %mul3A_803 = arith.constant 16 : i32
      %mul3A_804 = arith.muli %scan3A_802, %mul3A_803 : i32
      %and3A = arith.constant 4080 : i32
      %and3A_805 = arith.andi %mul3A_804, %and3A : i32
      %add3A_806 = arith.constant 147456 : i32
      %add3A_807 = arith.addi %add3A_806, %and3A_805 : i32
      %add3A_808 = vector.broadcast %add3A_807 : i32 to vector<16xi32>
      %add3A_809 = arith.addi %add3A_808, %iota3A : vector<16xi32>
      %jit3A = arith.constant 24 : i32
      %div3A = arith.divsi %scan3A_802, %jit3A : i32
      %sign3A = arith.constant 0 : i32
      %sign3A_810 = arith.cmpi sgt, %scan3A_802, %sign3A : i32
      %sign3A_811 = arith.extui %sign3A_810 : i1 to i32
      %sign3A_812 = arith.constant 0 : i32
      %sign3A_813 = arith.cmpi slt, %scan3A_802, %sign3A_812 : i32
      %sign3A_814 = arith.extui %sign3A_813 : i1 to i32
      %sign3A_815 = arith.subi %sign3A_811, %sign3A_814 : i32
      %sign3A_816 = arith.constant 0 : i32
      %sign3A_817 = arith.cmpi sgt, %jit3A, %sign3A_816 : i32
      %sign3A_818 = arith.extui %sign3A_817 : i1 to i32
      %sign3A_819 = arith.constant 0 : i32
      %sign3A_820 = arith.cmpi slt, %jit3A, %sign3A_819 : i32
      %sign3A_821 = arith.extui %sign3A_820 : i1 to i32
      %sign3A_822 = arith.subi %sign3A_818, %sign3A_821 : i32
      %ne3A = arith.cmpi ne, %sign3A_815, %sign3A_822 : i32
      %rem3A = arith.remsi %scan3A_802, %jit3A : i32
      %ne3A_823 = arith.constant 0 : i32
      %ne3A_824 = arith.cmpi ne, %rem3A, %ne3A_823 : i32
      %and3A_825 = arith.andi %ne3A, %ne3A_824 : i1
      %sub3A = arith.constant 1 : i32
      %sub3A_826 = arith.subi %div3A, %sub3A : i32
      %select_n3A = arith.select %and3A_825, %sub3A_826, %div3A : i32
      %jit3A_827 = arith.constant 24 : i32
      %eq3A = arith.constant 0 : i32
      %eq3A_828 = arith.cmpi eq, %jit3A_827, %eq3A : i32
      %jit3A_829 = arith.constant 1 : i32
      %select_n3A_830 = arith.select %eq3A_828, %jit3A_829, %jit3A_827 : i32
      %rem3A_831 = arith.remsi %scan3A_802, %select_n3A_830 : i32
      %ne3A_832 = arith.constant 0 : i32
      %ne3A_833 = arith.cmpi ne, %rem3A_831, %ne3A_832 : i32
      %lt3A = arith.constant 0 : i32
      %lt3A_834 = arith.cmpi slt, %rem3A_831, %lt3A : i32
      %lt3A_835 = arith.constant 0 : i32
      %lt3A_836 = arith.cmpi slt, %select_n3A_830, %lt3A_835 : i32
      %ne3A_837 = arith.xori %lt3A_834, %lt3A_836 : i1
      %and3A_838 = arith.andi %ne3A_837, %ne3A_833 : i1
      %add3A_839 = arith.addi %rem3A_831, %select_n3A_830 : i32
      %select_n3A_840 = arith.select %and3A_838, %add3A_839, %rem3A_831 : i32
      %mul3A_841 = arith.constant 16 : i32
      %mul3A_842 = arith.muli %select_n3A_840, %mul3A_841 : i32
      %get3A = arith.index_cast %select_n3A : i32 to index
      %get3A_843 = arith.index_cast %mul3A_842 : i32 to index
      %get3A_844 = tpu.vector_load %arg4[%get3A, %get3A_843] {strides = array<i32>} : memref<48x384xf32, #tpu.memory_space<vmem>>, vector<1x16xf32>,
      %get3A_845 = vector.shape_cast %get3A_844 : vector<1x16xf32> to vector<16xf32>
      %add3A_846 = arith.constant 24 : i32
      %add3A_847 = arith.addi %select_n3A, %add3A_846 : i32
      %get3A_848 = arith.index_cast %add3A_847 : i32 to index
      %get3A_849 = arith.index_cast %mul3A_842 : i32 to index
      %get3A_850 = tpu.vector_load %arg4[%get3A_848, %get3A_849] {strides = array<i32>} : memref<48x384xf32, #tpu.memory_space<vmem>>, vector<1x16xf32>,
      %get3A_851 = vector.shape_cast %get3A_850 : vector<1x16xf32> to vector<16xf32>
      %mul3A_852 = arith.constant 1.920000e+02 : f32
      %mul3A_853 = vector.broadcast %mul3A_852 : f32 to vector<16xf32>
      %mul3A_854 = arith.mulf %get3A_845, %mul3A_853 : vector<16xf32>
      %add3A_855 = arith.constant 1.930000e+02 : f32
      %add3A_856 = vector.broadcast %add3A_855 : f32 to vector<16xf32>
      %add3A_857 = arith.addf %mul3A_854, %add3A_856 : vector<16xf32>
      %max3A = arith.constant 0.000000e+00 : f32
      %max3A_858 = vector.broadcast %max3A : f32 to vector<16xf32>
      %max3A_859 = arith.maximumf %add3A_857, %max3A_858 : vector<16xf32>
      %min3A = arith.constant 3.850000e+02 : f32
      %min3A_860 = vector.broadcast %min3A : f32 to vector<16xf32>
      %min3A_861 = arith.minimumf %max3A_859, %min3A_860 : vector<16xf32>
      %mul3A_862 = arith.constant 1.920000e+02 : f32
      %mul3A_863 = vector.broadcast %mul3A_862 : f32 to vector<16xf32>
      %mul3A_864 = arith.mulf %get3A_851, %mul3A_863 : vector<16xf32>
      %add3A_865 = arith.constant 1.930000e+02 : f32
      %add3A_866 = vector.broadcast %add3A_865 : f32 to vector<16xf32>
      %add3A_867 = arith.addf %mul3A_864, %add3A_866 : vector<16xf32>
      %max3A_868 = arith.constant 0.000000e+00 : f32
      %max3A_869 = vector.broadcast %max3A_868 : f32 to vector<16xf32>
      %max3A_870 = arith.maximumf %add3A_867, %max3A_869 : vector<16xf32>
      %min3A_871 = arith.constant 3.850000e+02 : f32
      %min3A_872 = vector.broadcast %min3A_871 : f32 to vector<16xf32>
      %min3A_873 = arith.minimumf %max3A_870, %min3A_872 : vector<16xf32>
      %convert_element_type3A = arith.fptosi %min3A_861 : vector<16xf32> to vector<16xi32>
      %convert_element_type3A_874 = arith.fptosi %min3A_873 : vector<16xf32> to vector<16xi32>
      %convert_element_type3A_875 = arith.sitofp %convert_element_type3A : vector<16xi32> to vector<16xf32>
      %sub3A_876 = arith.subf %min3A_861, %convert_element_type3A_875 : vector<16xf32>
      %convert_element_type3A_877 = arith.sitofp %convert_element_type3A_874 : vector<16xi32> to vector<16xf32>
      %sub3A_878 = arith.subf %min3A_873, %convert_element_type3A_877 : vector<16xf32>
      %mul3A_879 = arith.constant 384 : i32
      %mul3A_880 = vector.broadcast %mul3A_879 : i32 to vector<16xi32>
      %mul3A_881 = arith.muli %convert_element_type3A, %mul3A_880 : vector<16xi32>
      %add3A_882 = arith.addi %mul3A_881, %convert_element_type3A_874 : vector<16xi32>
      %sub3A_883 = arith.constant 385 : i32
      %sub3A_884 = vector.broadcast %sub3A_883 : i32 to vector<16xi32>
      %sub3A_885 = arith.subi %add3A_882, %sub3A_884 : vector<16xi32>
      %ge3A = arith.constant 1 : i32
      %ge3A_886 = vector.broadcast %ge3A : i32 to vector<16xi32>
      %ge3A_887 = arith.cmpi sge, %convert_element_type3A, %ge3A_886 : vector<16xi32>
      %le3A = arith.constant 384 : i32
      %le3A_888 = vector.broadcast %le3A : i32 to vector<16xi32>
      %le3A_889 = arith.cmpi sle, %convert_element_type3A, %le3A_888 : vector<16xi32>
      %and3A_890 = arith.andi %ge3A_887, %le3A_889 : vector<16xi1>
      %le3A_891 = arith.constant 383 : i32
      %le3A_892 = vector.broadcast %le3A_891 : i32 to vector<16xi32>
      %le3A_893 = arith.cmpi sle, %convert_element_type3A, %le3A_892 : vector<16xi32>
      %ge3A_894 = arith.constant 1 : i32
      %ge3A_895 = vector.broadcast %ge3A_894 : i32 to vector<16xi32>
      %ge3A_896 = arith.cmpi sge, %convert_element_type3A_874, %ge3A_895 : vector<16xi32>
      %le3A_897 = arith.constant 384 : i32
      %le3A_898 = vector.broadcast %le3A_897 : i32 to vector<16xi32>
      %le3A_899 = arith.cmpi sle, %convert_element_type3A_874, %le3A_898 : vector<16xi32>
      %and3A_900 = arith.andi %ge3A_896, %le3A_899 : vector<16xi1>
      %le3A_901 = arith.constant 383 : i32
      %le3A_902 = vector.broadcast %le3A_901 : i32 to vector<16xi32>
      %le3A_903 = arith.cmpi sle, %convert_element_type3A_874, %le3A_902 : vector<16xi32>
      %and3A_904 = arith.andi %and3A_890, %and3A_900 : vector<16xi1>
      %select_n3A_905 = arith.select %and3A_904, %sub3A_885, %add3A_809 : vector<16xi1>, vector<16xi32>
      %swap3A = arith.index_cast %mul3A_804 : i32 to index
      %swap3A_906 = tpu.vector_load %arg5[%swap3A] {strides = array<i32>} : memref<9216xi32, #tpu.memory_space<vmem>>, vector<16xi32>,
      %swap3A_907 = vector.shape_cast %swap3A_906 : vector<16xi32> to vector<16xi32>
      %swap3A_908 = vector.shape_cast %select_n3A_905 : vector<16xi32> to vector<16xi32>
      tpu.vector_store %arg5[%swap3A], %swap3A_908 {strides = array<i32>} : memref<9216xi32, #tpu.memory_space<vmem>>, vector<16xi32>,
      %and3A_909 = arith.andi %and3A_890, %le3A_903 : vector<16xi1>
      %add3A_910 = arith.constant 1 : i32
      %add3A_911 = vector.broadcast %add3A_910 : i32 to vector<16xi32>
      %add3A_912 = arith.addi %sub3A_885, %add3A_911 : vector<16xi32>
      %select_n3A_913 = arith.select %and3A_909, %add3A_912, %add3A_809 : vector<16xi1>, vector<16xi32>
      %swap3A_914 = arith.index_cast %mul3A_804 : i32 to index
      %swap3A_915 = tpu.vector_load %arg6[%swap3A_914] {strides = array<i32>} : memref<9216xi32, #tpu.memory_space<vmem>>, vector<16xi32>,
      %swap3A_916 = vector.shape_cast %swap3A_915 : vector<16xi32> to vector<16xi32>
      %swap3A_917 = vector.shape_cast %select_n3A_913 : vector<16xi32> to vector<16xi32>
      tpu.vector_store %arg6[%swap3A_914], %swap3A_917 {strides = array<i32>} : memref<9216xi32, #tpu.memory_space<vmem>>, vector<16xi32>,
      %and3A_918 = arith.andi %le3A_893, %and3A_900 : vector<16xi1>
      %add3A_919 = arith.constant 384 : i32
      %add3A_920 = vector.broadcast %add3A_919 : i32 to vector<16xi32>
      %add3A_921 = arith.addi %sub3A_885, %add3A_920 : vector<16xi32>
      %select_n3A_922 = arith.select %and3A_918, %add3A_921, %add3A_809 : vector<16xi1>, vector<16xi32>
      %swap3A_923 = arith.index_cast %mul3A_804 : i32 to index
      %swap3A_924 = tpu.vector_load %arg7[%swap3A_923] {strides = array<i32>} : memref<9216xi32, #tpu.memory_space<vmem>>, vector<16xi32>,
      %swap3A_925 = vector.shape_cast %swap3A_924 : vector<16xi32> to vector<16xi32>
      %swap3A_926 = vector.shape_cast %select_n3A_922 : vector<16xi32> to vector<16xi32>
      tpu.vector_store %arg7[%swap3A_923], %swap3A_926 {strides = array<i32>} : memref<9216xi32, #tpu.memory_space<vmem>>, vector<16xi32>,
      %and3A_927 = arith.andi %le3A_893, %le3A_903 : vector<16xi1>
      %add3A_928 = arith.constant 385 : i32
      %add3A_929 = vector.broadcast %add3A_928 : i32 to vector<16xi32>
      %add3A_930 = arith.addi %sub3A_885, %add3A_929 : vector<16xi32>
      %select_n3A_931 = arith.select %and3A_927, %add3A_930, %add3A_809 : vector<16xi1>, vector<16xi32>
      %swap3A_932 = arith.index_cast %mul3A_804 : i32 to index
      %swap3A_933 = tpu.vector_load %arg8[%swap3A_932] {strides = array<i32>} : memref<9216xi32, #tpu.memory_space<vmem>>, vector<16xi32>,
      %swap3A_934 = vector.shape_cast %swap3A_933 : vector<16xi32> to vector<16xi32>
      %swap3A_935 = vector.shape_cast %select_n3A_931 : vector<16xi32> to vector<16xi32>
      tpu.vector_store %arg8[%swap3A_932], %swap3A_935 {strides = array<i32>} : memref<9216xi32, #tpu.memory_space<vmem>>, vector<16xi32>,
      %sub3A_936 = arith.constant 1.000000e+00 : f32
      %sub3A_937 = vector.broadcast %sub3A_936 : f32 to vector<16xf32>
      %sub3A_938 = arith.subf %sub3A_937, %sub3A_876 : vector<16xf32>
      %sub3A_939 = arith.constant 1.000000e+00 : f32
      %sub3A_940 = vector.broadcast %sub3A_939 : f32 to vector<16xf32>
      %sub3A_941 = arith.subf %sub3A_940, %sub3A_878 : vector<16xf32>
      %mul3A_942 = arith.mulf %sub3A_938, %sub3A_941 : vector<16xf32>
      %swap3A_943 = arith.index_cast %mul3A_804 : i32 to index
      %swap3A_944 = tpu.vector_load %arg9[%swap3A_943] {strides = array<i32>} : memref<9216xf32, #tpu.memory_space<vmem>>, vector<16xf32>,
      %swap3A_945 = vector.shape_cast %swap3A_944 : vector<16xf32> to vector<16xf32>
      %swap3A_946 = vector.shape_cast %mul3A_942 : vector<16xf32> to vector<16xf32>
      tpu.vector_store %arg9[%swap3A_943], %swap3A_946 {strides = array<i32>} : memref<9216xf32, #tpu.memory_space<vmem>>, vector<16xf32>,
      %mul3A_947 = arith.mulf %sub3A_938, %sub3A_878 : vector<16xf32>
      %swap3A_948 = arith.index_cast %mul3A_804 : i32 to index
      %swap3A_949 = tpu.vector_load %arg10[%swap3A_948] {strides = array<i32>} : memref<9216xf32, #tpu.memory_space<vmem>>, vector<16xf32>,
      %swap3A_950 = vector.shape_cast %swap3A_949 : vector<16xf32> to vector<16xf32>
      %swap3A_951 = vector.shape_cast %mul3A_947 : vector<16xf32> to vector<16xf32>
      tpu.vector_store %arg10[%swap3A_948], %swap3A_951 {strides = array<i32>} : memref<9216xf32, #tpu.memory_space<vmem>>, vector<16xf32>,
      %mul3A_952 = arith.mulf %sub3A_876, %sub3A_941 : vector<16xf32>
      %swap3A_953 = arith.index_cast %mul3A_804 : i32 to index
      %swap3A_954 = tpu.vector_load %arg11[%swap3A_953] {strides = array<i32>} : memref<9216xf32, #tpu.memory_space<vmem>>, vector<16xf32>,
      %swap3A_955 = vector.shape_cast %swap3A_954 : vector<16xf32> to vector<16xf32>
      %swap3A_956 = vector.shape_cast %mul3A_952 : vector<16xf32> to vector<16xf32>
      tpu.vector_store %arg11[%swap3A_953], %swap3A_956 {strides = array<i32>} : memref<9216xf32, #tpu.memory_space<vmem>>, vector<16xf32>,
      %mul3A_957 = arith.mulf %sub3A_876, %sub3A_878 : vector<16xf32>
      %swap3A_958 = arith.index_cast %mul3A_804 : i32 to index
      %swap3A_959 = tpu.vector_load %arg12[%swap3A_958] {strides = array<i32>} : memref<9216xf32, #tpu.memory_space<vmem>>, vector<16xf32>,
      %swap3A_960 = vector.shape_cast %swap3A_959 : vector<16xf32> to vector<16xf32>
      %swap3A_961 = vector.shape_cast %mul3A_957 : vector<16xf32> to vector<16xf32>
      tpu.vector_store %arg12[%swap3A_958], %swap3A_961 {strides = array<i32>} : memref<9216xf32, #tpu.memory_space<vmem>>, vector<16xf32>,
    }
    %scan3A_59 = arith.constant 72 : i32
    %dma_start3A_60 = arith.constant 0 : i32
    %dma_start3A_61 = tpu.memref_slice %arg9[%dma_start3A_60] : memref<9216xf32, #tpu.memory_space<vmem>> -> memref<1152xf32, #tpu.memory_space<vmem>>
    %dma_start3A_62 = arith.constant 0 : i32
    %dma_start3A_63 = tpu.memref_slice %arg5[%dma_start3A_62] : memref<9216xi32, #tpu.memory_space<vmem>> -> memref<1152xi32, #tpu.memory_space<vmem>>
    %dma_start3A_64 = arith.constant 0 : i32
    %dma_start3A_65 = tpu.memref_slice %arg15[%dma_start3A_64] : memref<151552xf32, #tpu.memory_space<vmem_shared>> -> memref<151552xf32, #tpu.memory_space<vmem_shared>>
    tpu.enqueue_indirect_dma source(%dma_start3A_61 : memref<1152xf32, #tpu.memory_space<vmem>>) target(%dma_start3A_65 : memref<151552xf32, #tpu.memory_space<vmem_shared>>) offsets(%dma_start3A_63 : memref<1152xi32, #tpu.memory_space<vmem>>) semaphore(%arg16 : memref<!tpu.dma_semaphore, #tpu.memory_space<semaphore_mem>>) {add = true}
    %dma_start3A_66 = arith.constant 0 : i32
    %dma_start3A_67 = tpu.memref_slice %arg10[%dma_start3A_66] : memref<9216xf32, #tpu.memory_space<vmem>> -> memref<1152xf32, #tpu.memory_space<vmem>>
    %dma_start3A_68 = arith.constant 0 : i32
    %dma_start3A_69 = tpu.memref_slice %arg6[%dma_start3A_68] : memref<9216xi32, #tpu.memory_space<vmem>> -> memref<1152xi32, #tpu.memory_space<vmem>>
    %dma_start3A_70 = arith.constant 0 : i32
    %dma_start3A_71 = tpu.memref_slice %arg15[%dma_start3A_70] : memref<151552xf32, #tpu.memory_space<vmem_shared>> -> memref<151552xf32, #tpu.memory_space<vmem_shared>>
    tpu.enqueue_indirect_dma source(%dma_start3A_67 : memref<1152xf32, #tpu.memory_space<vmem>>) target(%dma_start3A_71 : memref<151552xf32, #tpu.memory_space<vmem_shared>>) offsets(%dma_start3A_69 : memref<1152xi32, #tpu.memory_space<vmem>>) semaphore(%arg16 : memref<!tpu.dma_semaphore, #tpu.memory_space<semaphore_mem>>) {add = true}
    %dma_start3A_72 = arith.constant 0 : i32
    %dma_start3A_73 = tpu.memref_slice %arg11[%dma_start3A_72] : memref<9216xf32, #tpu.memory_space<vmem>> -> memref<1152xf32, #tpu.memory_space<vmem>>
    %dma_start3A_74 = arith.constant 0 : i32
    %dma_start3A_75 = tpu.memref_slice %arg7[%dma_start3A_74] : memref<9216xi32, #tpu.memory_space<vmem>> -> memref<1152xi32, #tpu.memory_space<vmem>>
    %dma_start3A_76 = arith.constant 0 : i32
    %dma_start3A_77 = tpu.memref_slice %arg15[%dma_start3A_76] : memref<151552xf32, #tpu.memory_space<vmem_shared>> -> memref<151552xf32, #tpu.memory_space<vmem_shared>>
    tpu.enqueue_indirect_dma source(%dma_start3A_73 : memref<1152xf32, #tpu.memory_space<vmem>>) target(%dma_start3A_77 : memref<151552xf32, #tpu.memory_space<vmem_shared>>) offsets(%dma_start3A_75 : memref<1152xi32, #tpu.memory_space<vmem>>) semaphore(%arg16 : memref<!tpu.dma_semaphore, #tpu.memory_space<semaphore_mem>>) {add = true}
    %dma_start3A_78 = arith.constant 0 : i32
    %dma_start3A_79 = tpu.memref_slice %arg12[%dma_start3A_78] : memref<9216xf32, #tpu.memory_space<vmem>> -> memref<1152xf32, #tpu.memory_space<vmem>>
    %dma_start3A_80 = arith.constant 0 : i32
    %dma_start3A_81 = tpu.memref_slice %arg8[%dma_start3A_80] : memref<9216xi32, #tpu.memory_space<vmem>> -> memref<1152xi32, #tpu.memory_space<vmem>>
    %dma_start3A_82 = arith.constant 0 : i32
    %dma_start3A_83 = tpu.memref_slice %arg15[%dma_start3A_82] : memref<151552xf32, #tpu.memory_space<vmem_shared>> -> memref<151552xf32, #tpu.memory_space<vmem_shared>>
    tpu.enqueue_indirect_dma source(%dma_start3A_79 : memref<1152xf32, #tpu.memory_space<vmem>>) target(%dma_start3A_83 : memref<151552xf32, #tpu.memory_space<vmem_shared>>) offsets(%dma_start3A_81 : memref<1152xi32, #tpu.memory_space<vmem>>) semaphore(%arg16 : memref<!tpu.dma_semaphore, #tpu.memory_space<semaphore_mem>>) {add = true}
    %scan3A_84 = arith.constant 72 : i32
    %scan3A_85 = arith.constant 168 : i32
    %scan3A_86 = arith.addi %scan3A_84, %scan3A_85 : i32
    %scan3A_87 = arith.constant 1 : i32
    scf.for %scan3A_802 = %scan3A_84 to %scan3A_86 step %scan3A_87  : i32 {
      %mul3A_803 = arith.constant 16 : i32
      %mul3A_804 = arith.muli %scan3A_802, %mul3A_803 : i32
      %and3A = arith.constant 4080 : i32
      %and3A_805 = arith.andi %mul3A_804, %and3A : i32
      %add3A_806 = arith.constant 147456 : i32
      %add3A_807 = arith.addi %add3A_806, %and3A_805 : i32
      %add3A_808 = vector.broadcast %add3A_807 : i32 to vector<16xi32>
      %add3A_809 = arith.addi %add3A_808, %iota3A : vector<16xi32>
      %jit3A = arith.constant 24 : i32
      %div3A = arith.divsi %scan3A_802, %jit3A : i32
      %sign3A = arith.constant 0 : i32
      %sign3A_810 = arith.cmpi sgt, %scan3A_802, %sign3A : i32
      %sign3A_811 = arith.extui %sign3A_810 : i1 to i32
      %sign3A_812 = arith.constant 0 : i32
      %sign3A_813 = arith.cmpi slt, %scan3A_802, %sign3A_812 : i32
      %sign3A_814 = arith.extui %sign3A_813 : i1 to i32
      %sign3A_815 = arith.subi %sign3A_811, %sign3A_814 : i32
      %sign3A_816 = arith.constant 0 : i32
      %sign3A_817 = arith.cmpi sgt, %jit3A, %sign3A_816 : i32
      %sign3A_818 = arith.extui %sign3A_817 : i1 to i32
      %sign3A_819 = arith.constant 0 : i32
      %sign3A_820 = arith.cmpi slt, %jit3A, %sign3A_819 : i32
      %sign3A_821 = arith.extui %sign3A_820 : i1 to i32
      %sign3A_822 = arith.subi %sign3A_818, %sign3A_821 : i32
      %ne3A = arith.cmpi ne, %sign3A_815, %sign3A_822 : i32
      %rem3A = arith.remsi %scan3A_802, %jit3A : i32
      %ne3A_823 = arith.constant 0 : i32
      %ne3A_824 = arith.cmpi ne, %rem3A, %ne3A_823 : i32
      %and3A_825 = arith.andi %ne3A, %ne3A_824 : i1
      %sub3A = arith.constant 1 : i32
      %sub3A_826 = arith.subi %div3A, %sub3A : i32
      %select_n3A = arith.select %and3A_825, %sub3A_826, %div3A : i32
      %jit3A_827 = arith.constant 24 : i32
      %eq3A = arith.constant 0 : i32
      %eq3A_828 = arith.cmpi eq, %jit3A_827, %eq3A : i32
      %jit3A_829 = arith.constant 1 : i32
      %select_n3A_830 = arith.select %eq3A_828, %jit3A_829, %jit3A_827 : i32
      %rem3A_831 = arith.remsi %scan3A_802, %select_n3A_830 : i32
      %ne3A_832 = arith.constant 0 : i32
      %ne3A_833 = arith.cmpi ne, %rem3A_831, %ne3A_832 : i32
      %lt3A = arith.constant 0 : i32
      %lt3A_834 = arith.cmpi slt, %rem3A_831, %lt3A : i32
      %lt3A_835 = arith.constant 0 : i32
      %lt3A_836 = arith.cmpi slt, %select_n3A_830, %lt3A_835 : i32
      %ne3A_837 = arith.xori %lt3A_834, %lt3A_836 : i1
      %and3A_838 = arith.andi %ne3A_837, %ne3A_833 : i1
      %add3A_839 = arith.addi %rem3A_831, %select_n3A_830 : i32
      %select_n3A_840 = arith.select %and3A_838, %add3A_839, %rem3A_831 : i32
      %mul3A_841 = arith.constant 16 : i32
      %mul3A_842 = arith.muli %select_n3A_840, %mul3A_841 : i32
      %get3A = arith.index_cast %select_n3A : i32 to index
      %get3A_843 = arith.index_cast %mul3A_842 : i32 to index
      %get3A_844 = tpu.vector_load %arg4[%get3A, %get3A_843] {strides = array<i32>} : memref<48x384xf32, #tpu.memory_space<vmem>>, vector<1x16xf32>,
      %get3A_845 = vector.shape_cast %get3A_844 : vector<1x16xf32> to vector<16xf32>
      %add3A_846 = arith.constant 24 : i32
      %add3A_847 = arith.addi %select_n3A, %add3A_846 : i32
      %get3A_848 = arith.index_cast %add3A_847 : i32 to index
      %get3A_849 = arith.index_cast %mul3A_842 : i32 to index
      %get3A_850 = tpu.vector_load %arg4[%get3A_848, %get3A_849] {strides = array<i32>} : memref<48x384xf32, #tpu.memory_space<vmem>>, vector<1x16xf32>,
      %get3A_851 = vector.shape_cast %get3A_850 : vector<1x16xf32> to vector<16xf32>
      %mul3A_852 = arith.constant 1.920000e+02 : f32
      %mul3A_853 = vector.broadcast %mul3A_852 : f32 to vector<16xf32>
      %mul3A_854 = arith.mulf %get3A_845, %mul3A_853 : vector<16xf32>
      %add3A_855 = arith.constant 1.930000e+02 : f32
      %add3A_856 = vector.broadcast %add3A_855 : f32 to vector<16xf32>
      %add3A_857 = arith.addf %mul3A_854, %add3A_856 : vector<16xf32>
      %max3A = arith.constant 0.000000e+00 : f32
      %max3A_858 = vector.broadcast %max3A : f32 to vector<16xf32>
      %max3A_859 = arith.maximumf %add3A_857, %max3A_858 : vector<16xf32>
      %min3A = arith.constant 3.850000e+02 : f32
      %min3A_860 = vector.broadcast %min3A : f32 to vector<16xf32>
      %min3A_861 = arith.minimumf %max3A_859, %min3A_860 : vector<16xf32>
      %mul3A_862 = arith.constant 1.920000e+02 : f32
      %mul3A_863 = vector.broadcast %mul3A_862 : f32 to vector<16xf32>
      %mul3A_864 = arith.mulf %get3A_851, %mul3A_863 : vector<16xf32>
      %add3A_865 = arith.constant 1.930000e+02 : f32
      %add3A_866 = vector.broadcast %add3A_865 : f32 to vector<16xf32>
      %add3A_867 = arith.addf %mul3A_864, %add3A_866 : vector<16xf32>
      %max3A_868 = arith.constant 0.000000e+00 : f32
      %max3A_869 = vector.broadcast %max3A_868 : f32 to vector<16xf32>
      %max3A_870 = arith.maximumf %add3A_867, %max3A_869 : vector<16xf32>
      %min3A_871 = arith.constant 3.850000e+02 : f32
      %min3A_872 = vector.broadcast %min3A_871 : f32 to vector<16xf32>
      %min3A_873 = arith.minimumf %max3A_870, %min3A_872 : vector<16xf32>
      %convert_element_type3A = arith.fptosi %min3A_861 : vector<16xf32> to vector<16xi32>
      %convert_element_type3A_874 = arith.fptosi %min3A_873 : vector<16xf32> to vector<16xi32>
      %convert_element_type3A_875 = arith.sitofp %convert_element_type3A : vector<16xi32> to vector<16xf32>
      %sub3A_876 = arith.subf %min3A_861, %convert_element_type3A_875 : vector<16xf32>
      %convert_element_type3A_877 = arith.sitofp %convert_element_type3A_874 : vector<16xi32> to vector<16xf32>
      %sub3A_878 = arith.subf %min3A_873, %convert_element_type3A_877 : vector<16xf32>
      %mul3A_879 = arith.constant 384 : i32
      %mul3A_880 = vector.broadcast %mul3A_879 : i32 to vector<16xi32>
      %mul3A_881 = arith.muli %convert_element_type3A, %mul3A_880 : vector<16xi32>
      %add3A_882 = arith.addi %mul3A_881, %convert_element_type3A_874 : vector<16xi32>
      %sub3A_883 = arith.constant 385 : i32
      %sub3A_884 = vector.broadcast %sub3A_883 : i32 to vector<16xi32>
      %sub3A_885 = arith.subi %add3A_882, %sub3A_884 : vector<16xi32>
      %ge3A = arith.constant 1 : i32
      %ge3A_886 = vector.broadcast %ge3A : i32 to vector<16xi32>
      %ge3A_887 = arith.cmpi sge, %convert_element_type3A, %ge3A_886 : vector<16xi32>
      %le3A = arith.constant 384 : i32
      %le3A_888 = vector.broadcast %le3A : i32 to vector<16xi32>
      %le3A_889 = arith.cmpi sle, %convert_element_type3A, %le3A_888 : vector<16xi32>
      %and3A_890 = arith.andi %ge3A_887, %le3A_889 : vector<16xi1>
      %le3A_891 = arith.constant 383 : i32
      %le3A_892 = vector.broadcast %le3A_891 : i32 to vector<16xi32>
      %le3A_893 = arith.cmpi sle, %convert_element_type3A, %le3A_892 : vector<16xi32>
      %ge3A_894 = arith.constant 1 : i32
      %ge3A_895 = vector.broadcast %ge3A_894 : i32 to vector<16xi32>
      %ge3A_896 = arith.cmpi sge, %convert_element_type3A_874, %ge3A_895 : vector<16xi32>
      %le3A_897 = arith.constant 384 : i32
      %le3A_898 = vector.broadcast %le3A_897 : i32 to vector<16xi32>
      %le3A_899 = arith.cmpi sle, %convert_element_type3A_874, %le3A_898 : vector<16xi32>
      %and3A_900 = arith.andi %ge3A_896, %le3A_899 : vector<16xi1>
      %le3A_901 = arith.constant 383 : i32
      %le3A_902 = vector.broadcast %le3A_901 : i32 to vector<16xi32>
      %le3A_903 = arith.cmpi sle, %convert_element_type3A_874, %le3A_902 : vector<16xi32>
      %and3A_904 = arith.andi %and3A_890, %and3A_900 : vector<16xi1>
      %select_n3A_905 = arith.select %and3A_904, %sub3A_885, %add3A_809 : vector<16xi1>, vector<16xi32>
      %swap3A = arith.index_cast %mul3A_804 : i32 to index
      %swap3A_906 = tpu.vector_load %arg5[%swap3A] {strides = array<i32>} : memref<9216xi32, #tpu.memory_space<vmem>>, vector<16xi32>,
      %swap3A_907 = vector.shape_cast %swap3A_906 : vector<16xi32> to vector<16xi32>
      %swap3A_908 = vector.shape_cast %select_n3A_905 : vector<16xi32> to vector<16xi32>
      tpu.vector_store %arg5[%swap3A], %swap3A_908 {strides = array<i32>} : memref<9216xi32, #tpu.memory_space<vmem>>, vector<16xi32>,
      %and3A_909 = arith.andi %and3A_890, %le3A_903 : vector<16xi1>
      %add3A_910 = arith.constant 1 : i32
      %add3A_911 = vector.broadcast %add3A_910 : i32 to vector<16xi32>
      %add3A_912 = arith.addi %sub3A_885, %add3A_911 : vector<16xi32>
      %select_n3A_913 = arith.select %and3A_909, %add3A_912, %add3A_809 : vector<16xi1>, vector<16xi32>
      %swap3A_914 = arith.index_cast %mul3A_804 : i32 to index
      %swap3A_915 = tpu.vector_load %arg6[%swap3A_914] {strides = array<i32>} : memref<9216xi32, #tpu.memory_space<vmem>>, vector<16xi32>,
      %swap3A_916 = vector.shape_cast %swap3A_915 : vector<16xi32> to vector<16xi32>
      %swap3A_917 = vector.shape_cast %select_n3A_913 : vector<16xi32> to vector<16xi32>
      tpu.vector_store %arg6[%swap3A_914], %swap3A_917 {strides = array<i32>} : memref<9216xi32, #tpu.memory_space<vmem>>, vector<16xi32>,
      %and3A_918 = arith.andi %le3A_893, %and3A_900 : vector<16xi1>
      %add3A_919 = arith.constant 384 : i32
      %add3A_920 = vector.broadcast %add3A_919 : i32 to vector<16xi32>
      %add3A_921 = arith.addi %sub3A_885, %add3A_920 : vector<16xi32>
      %select_n3A_922 = arith.select %and3A_918, %add3A_921, %add3A_809 : vector<16xi1>, vector<16xi32>
      %swap3A_923 = arith.index_cast %mul3A_804 : i32 to index
      %swap3A_924 = tpu.vector_load %arg7[%swap3A_923] {strides = array<i32>} : memref<9216xi32, #tpu.memory_space<vmem>>, vector<16xi32>,
      %swap3A_925 = vector.shape_cast %swap3A_924 : vector<16xi32> to vector<16xi32>
      %swap3A_926 = vector.shape_cast %select_n3A_922 : vector<16xi32> to vector<16xi32>
      tpu.vector_store %arg7[%swap3A_923], %swap3A_926 {strides = array<i32>} : memref<9216xi32, #tpu.memory_space<vmem>>, vector<16xi32>,
      %and3A_927 = arith.andi %le3A_893, %le3A_903 : vector<16xi1>
      %add3A_928 = arith.constant 385 : i32
      %add3A_929 = vector.broadcast %add3A_928 : i32 to vector<16xi32>
      %add3A_930 = arith.addi %sub3A_885, %add3A_929 : vector<16xi32>
      %select_n3A_931 = arith.select %and3A_927, %add3A_930, %add3A_809 : vector<16xi1>, vector<16xi32>
      %swap3A_932 = arith.index_cast %mul3A_804 : i32 to index
      %swap3A_933 = tpu.vector_load %arg8[%swap3A_932] {strides = array<i32>} : memref<9216xi32, #tpu.memory_space<vmem>>, vector<16xi32>,
      %swap3A_934 = vector.shape_cast %swap3A_933 : vector<16xi32> to vector<16xi32>
      %swap3A_935 = vector.shape_cast %select_n3A_931 : vector<16xi32> to vector<16xi32>
      tpu.vector_store %arg8[%swap3A_932], %swap3A_935 {strides = array<i32>} : memref<9216xi32, #tpu.memory_space<vmem>>, vector<16xi32>,
      %sub3A_936 = arith.constant 1.000000e+00 : f32
      %sub3A_937 = vector.broadcast %sub3A_936 : f32 to vector<16xf32>
      %sub3A_938 = arith.subf %sub3A_937, %sub3A_876 : vector<16xf32>
      %sub3A_939 = arith.constant 1.000000e+00 : f32
      %sub3A_940 = vector.broadcast %sub3A_939 : f32 to vector<16xf32>
      %sub3A_941 = arith.subf %sub3A_940, %sub3A_878 : vector<16xf32>
      %mul3A_942 = arith.mulf %sub3A_938, %sub3A_941 : vector<16xf32>
      %swap3A_943 = arith.index_cast %mul3A_804 : i32 to index
      %swap3A_944 = tpu.vector_load %arg9[%swap3A_943] {strides = array<i32>} : memref<9216xf32, #tpu.memory_space<vmem>>, vector<16xf32>,
      %swap3A_945 = vector.shape_cast %swap3A_944 : vector<16xf32> to vector<16xf32>
      %swap3A_946 = vector.shape_cast %mul3A_942 : vector<16xf32> to vector<16xf32>
      tpu.vector_store %arg9[%swap3A_943], %swap3A_946 {strides = array<i32>} : memref<9216xf32, #tpu.memory_space<vmem>>, vector<16xf32>,
      %mul3A_947 = arith.mulf %sub3A_938, %sub3A_878 : vector<16xf32>
      %swap3A_948 = arith.index_cast %mul3A_804 : i32 to index
      %swap3A_949 = tpu.vector_load %arg10[%swap3A_948] {strides = array<i32>} : memref<9216xf32, #tpu.memory_space<vmem>>, vector<16xf32>,
      %swap3A_950 = vector.shape_cast %swap3A_949 : vector<16xf32> to vector<16xf32>
      %swap3A_951 = vector.shape_cast %mul3A_947 : vector<16xf32> to vector<16xf32>
      tpu.vector_store %arg10[%swap3A_948], %swap3A_951 {strides = array<i32>} : memref<9216xf32, #tpu.memory_space<vmem>>, vector<16xf32>,
      %mul3A_952 = arith.mulf %sub3A_876, %sub3A_941 : vector<16xf32>
      %swap3A_953 = arith.index_cast %mul3A_804 : i32 to index
      %swap3A_954 = tpu.vector_load %arg11[%swap3A_953] {strides = array<i32>} : memref<9216xf32, #tpu.memory_space<vmem>>, vector<16xf32>,
      %swap3A_955 = vector.shape_cast %swap3A_954 : vector<16xf32> to vector<16xf32>
      %swap3A_956 = vector.shape_cast %mul3A_952 : vector<16xf32> to vector<16xf32>
      tpu.vector_store %arg11[%swap3A_953], %swap3A_956 {strides = array<i32>} : memref<9216xf32, #tpu.memory_space<vmem>>, vector<16xf32>,
      %mul3A_957 = arith.mulf %sub3A_876, %sub3A_878 : vector<16xf32>
      %swap3A_958 = arith.index_cast %mul3A_804 : i32 to index
      %swap3A_959 = tpu.vector_load %arg12[%swap3A_958] {strides = array<i32>} : memref<9216xf32, #tpu.memory_space<vmem>>, vector<16xf32>,
      %swap3A_960 = vector.shape_cast %swap3A_959 : vector<16xf32> to vector<16xf32>
      %swap3A_961 = vector.shape_cast %mul3A_957 : vector<16xf32> to vector<16xf32>
      tpu.vector_store %arg12[%swap3A_958], %swap3A_961 {strides = array<i32>} : memref<9216xf32, #tpu.memory_space<vmem>>, vector<16xf32>,
    }
    %scan3A_88 = arith.constant 168 : i32
    %dma_start3A_89 = arith.constant 1152 : i32
    %dma_start3A_90 = tpu.memref_slice %arg9[%dma_start3A_89] : memref<9216xf32, #tpu.memory_space<vmem>> -> memref<2688xf32, #tpu.memory_space<vmem>>
    %dma_start3A_91 = arith.constant 1152 : i32
    %dma_start3A_92 = tpu.memref_slice %arg5[%dma_start3A_91] : memref<9216xi32, #tpu.memory_space<vmem>> -> memref<2688xi32, #tpu.memory_space<vmem>>
    %dma_start3A_93 = arith.constant 0 : i32
    %dma_start3A_94 = tpu.memref_slice %arg15[%dma_start3A_93] : memref<151552xf32, #tpu.memory_space<vmem_shared>> -> memref<151552xf32, #tpu.memory_space<vmem_shared>>
    tpu.enqueue_indirect_dma source(%dma_start3A_90 : memref<2688xf32, #tpu.memory_space<vmem>>) target(%dma_start3A_94 : memref<151552xf32, #tpu.memory_space<vmem_shared>>) offsets(%dma_start3A_92 : memref<2688xi32, #tpu.memory_space<vmem>>) semaphore(%arg16 : memref<!tpu.dma_semaphore, #tpu.memory_space<semaphore_mem>>) {add = true}
    %dma_start3A_95 = arith.constant 1152 : i32
    %dma_start3A_96 = tpu.memref_slice %arg10[%dma_start3A_95] : memref<9216xf32, #tpu.memory_space<vmem>> -> memref<2688xf32, #tpu.memory_space<vmem>>
    %dma_start3A_97 = arith.constant 1152 : i32
    %dma_start3A_98 = tpu.memref_slice %arg6[%dma_start3A_97] : memref<9216xi32, #tpu.memory_space<vmem>> -> memref<2688xi32, #tpu.memory_space<vmem>>
    %dma_start3A_99 = arith.constant 0 : i32
    %dma_start3A_100 = tpu.memref_slice %arg15[%dma_start3A_99] : memref<151552xf32, #tpu.memory_space<vmem_shared>> -> memref<151552xf32, #tpu.memory_space<vmem_shared>>
    tpu.enqueue_indirect_dma source(%dma_start3A_96 : memref<2688xf32, #tpu.memory_space<vmem>>) target(%dma_start3A_100 : memref<151552xf32, #tpu.memory_space<vmem_shared>>) offsets(%dma_start3A_98 : memref<2688xi32, #tpu.memory_space<vmem>>) semaphore(%arg16 : memref<!tpu.dma_semaphore, #tpu.memory_space<semaphore_mem>>) {add = true}
    %dma_start3A_101 = arith.constant 1152 : i32
    %dma_start3A_102 = tpu.memref_slice %arg11[%dma_start3A_101] : memref<9216xf32, #tpu.memory_space<vmem>> -> memref<2688xf32, #tpu.memory_space<vmem>>
    %dma_start3A_103 = arith.constant 1152 : i32
    %dma_start3A_104 = tpu.memref_slice %arg7[%dma_start3A_103] : memref<9216xi32, #tpu.memory_space<vmem>> -> memref<2688xi32, #tpu.memory_space<vmem>>
    %dma_start3A_105 = arith.constant 0 : i32
    %dma_start3A_106 = tpu.memref_slice %arg15[%dma_start3A_105] : memref<151552xf32, #tpu.memory_space<vmem_shared>> -> memref<151552xf32, #tpu.memory_space<vmem_shared>>
    tpu.enqueue_indirect_dma source(%dma_start3A_102 : memref<2688xf32, #tpu.memory_space<vmem>>) target(%dma_start3A_106 : memref<151552xf32, #tpu.memory_space<vmem_shared>>) offsets(%dma_start3A_104 : memref<2688xi32, #tpu.memory_space<vmem>>) semaphore(%arg16 : memref<!tpu.dma_semaphore, #tpu.memory_space<semaphore_mem>>) {add = true}
    %dma_start3A_107 = arith.constant 1152 : i32
    %dma_start3A_108 = tpu.memref_slice %arg12[%dma_start3A_107] : memref<9216xf32, #tpu.memory_space<vmem>> -> memref<2688xf32, #tpu.memory_space<vmem>>
    %dma_start3A_109 = arith.constant 1152 : i32
    %dma_start3A_110 = tpu.memref_slice %arg8[%dma_start3A_109] : memref<9216xi32, #tpu.memory_space<vmem>> -> memref<2688xi32, #tpu.memory_space<vmem>>
    %dma_start3A_111 = arith.constant 0 : i32
    %dma_start3A_112 = tpu.memref_slice %arg15[%dma_start3A_111] : memref<151552xf32, #tpu.memory_space<vmem_shared>> -> memref<151552xf32, #tpu.memory_space<vmem_shared>>
    tpu.enqueue_indirect_dma source(%dma_start3A_108 : memref<2688xf32, #tpu.memory_space<vmem>>) target(%dma_start3A_112 : memref<151552xf32, #tpu.memory_space<vmem_shared>>) offsets(%dma_start3A_110 : memref<2688xi32, #tpu.memory_space<vmem>>) semaphore(%arg16 : memref<!tpu.dma_semaphore, #tpu.memory_space<semaphore_mem>>) {add = true}
    %scan3A_113 = arith.constant 240 : i32
    %scan3A_114 = arith.constant 168 : i32
    %scan3A_115 = arith.addi %scan3A_113, %scan3A_114 : i32
    %scan3A_116 = arith.constant 1 : i32
    scf.for %scan3A_802 = %scan3A_113 to %scan3A_115 step %scan3A_116  : i32 {
      %mul3A_803 = arith.constant 16 : i32
      %mul3A_804 = arith.muli %scan3A_802, %mul3A_803 : i32
      %and3A = arith.constant 4080 : i32
      %and3A_805 = arith.andi %mul3A_804, %and3A : i32
      %add3A_806 = arith.constant 147456 : i32
      %add3A_807 = arith.addi %add3A_806, %and3A_805 : i32
      %add3A_808 = vector.broadcast %add3A_807 : i32 to vector<16xi32>
      %add3A_809 = arith.addi %add3A_808, %iota3A : vector<16xi32>
      %jit3A = arith.constant 24 : i32
      %div3A = arith.divsi %scan3A_802, %jit3A : i32
      %sign3A = arith.constant 0 : i32
      %sign3A_810 = arith.cmpi sgt, %scan3A_802, %sign3A : i32
      %sign3A_811 = arith.extui %sign3A_810 : i1 to i32
      %sign3A_812 = arith.constant 0 : i32
      %sign3A_813 = arith.cmpi slt, %scan3A_802, %sign3A_812 : i32
      %sign3A_814 = arith.extui %sign3A_813 : i1 to i32
      %sign3A_815 = arith.subi %sign3A_811, %sign3A_814 : i32
      %sign3A_816 = arith.constant 0 : i32
      %sign3A_817 = arith.cmpi sgt, %jit3A, %sign3A_816 : i32
      %sign3A_818 = arith.extui %sign3A_817 : i1 to i32
      %sign3A_819 = arith.constant 0 : i32
      %sign3A_820 = arith.cmpi slt, %jit3A, %sign3A_819 : i32
      %sign3A_821 = arith.extui %sign3A_820 : i1 to i32
      %sign3A_822 = arith.subi %sign3A_818, %sign3A_821 : i32
      %ne3A = arith.cmpi ne, %sign3A_815, %sign3A_822 : i32
      %rem3A = arith.remsi %scan3A_802, %jit3A : i32
      %ne3A_823 = arith.constant 0 : i32
      %ne3A_824 = arith.cmpi ne, %rem3A, %ne3A_823 : i32
      %and3A_825 = arith.andi %ne3A, %ne3A_824 : i1
      %sub3A = arith.constant 1 : i32
      %sub3A_826 = arith.subi %div3A, %sub3A : i32
      %select_n3A = arith.select %and3A_825, %sub3A_826, %div3A : i32
      %jit3A_827 = arith.constant 24 : i32
      %eq3A = arith.constant 0 : i32
      %eq3A_828 = arith.cmpi eq, %jit3A_827, %eq3A : i32
      %jit3A_829 = arith.constant 1 : i32
      %select_n3A_830 = arith.select %eq3A_828, %jit3A_829, %jit3A_827 : i32
      %rem3A_831 = arith.remsi %scan3A_802, %select_n3A_830 : i32
      %ne3A_832 = arith.constant 0 : i32
      %ne3A_833 = arith.cmpi ne, %rem3A_831, %ne3A_832 : i32
      %lt3A = arith.constant 0 : i32
      %lt3A_834 = arith.cmpi slt, %rem3A_831, %lt3A : i32
      %lt3A_835 = arith.constant 0 : i32
      %lt3A_836 = arith.cmpi slt, %select_n3A_830, %lt3A_835 : i32
      %ne3A_837 = arith.xori %lt3A_834, %lt3A_836 : i1
      %and3A_838 = arith.andi %ne3A_837, %ne3A_833 : i1
      %add3A_839 = arith.addi %rem3A_831, %select_n3A_830 : i32
      %select_n3A_840 = arith.select %and3A_838, %add3A_839, %rem3A_831 : i32
      %mul3A_841 = arith.constant 16 : i32
      %mul3A_842 = arith.muli %select_n3A_840, %mul3A_841 : i32
      %get3A = arith.index_cast %select_n3A : i32 to index
      %get3A_843 = arith.index_cast %mul3A_842 : i32 to index
      %get3A_844 = tpu.vector_load %arg4[%get3A, %get3A_843] {strides = array<i32>} : memref<48x384xf32, #tpu.memory_space<vmem>>, vector<1x16xf32>,
      %get3A_845 = vector.shape_cast %get3A_844 : vector<1x16xf32> to vector<16xf32>
      %add3A_846 = arith.constant 24 : i32
      %add3A_847 = arith.addi %select_n3A, %add3A_846 : i32
      %get3A_848 = arith.index_cast %add3A_847 : i32 to index
      %get3A_849 = arith.index_cast %mul3A_842 : i32 to index
      %get3A_850 = tpu.vector_load %arg4[%get3A_848, %get3A_849] {strides = array<i32>} : memref<48x384xf32, #tpu.memory_space<vmem>>, vector<1x16xf32>,
      %get3A_851 = vector.shape_cast %get3A_850 : vector<1x16xf32> to vector<16xf32>
      %mul3A_852 = arith.constant 1.920000e+02 : f32
      %mul3A_853 = vector.broadcast %mul3A_852 : f32 to vector<16xf32>
      %mul3A_854 = arith.mulf %get3A_845, %mul3A_853 : vector<16xf32>
      %add3A_855 = arith.constant 1.930000e+02 : f32
      %add3A_856 = vector.broadcast %add3A_855 : f32 to vector<16xf32>
      %add3A_857 = arith.addf %mul3A_854, %add3A_856 : vector<16xf32>
      %max3A = arith.constant 0.000000e+00 : f32
      %max3A_858 = vector.broadcast %max3A : f32 to vector<16xf32>
      %max3A_859 = arith.maximumf %add3A_857, %max3A_858 : vector<16xf32>
      %min3A = arith.constant 3.850000e+02 : f32
      %min3A_860 = vector.broadcast %min3A : f32 to vector<16xf32>
      %min3A_861 = arith.minimumf %max3A_859, %min3A_860 : vector<16xf32>
      %mul3A_862 = arith.constant 1.920000e+02 : f32
      %mul3A_863 = vector.broadcast %mul3A_862 : f32 to vector<16xf32>
      %mul3A_864 = arith.mulf %get3A_851, %mul3A_863 : vector<16xf32>
      %add3A_865 = arith.constant 1.930000e+02 : f32
      %add3A_866 = vector.broadcast %add3A_865 : f32 to vector<16xf32>
      %add3A_867 = arith.addf %mul3A_864, %add3A_866 : vector<16xf32>
      %max3A_868 = arith.constant 0.000000e+00 : f32
      %max3A_869 = vector.broadcast %max3A_868 : f32 to vector<16xf32>
      %max3A_870 = arith.maximumf %add3A_867, %max3A_869 : vector<16xf32>
      %min3A_871 = arith.constant 3.850000e+02 : f32
      %min3A_872 = vector.broadcast %min3A_871 : f32 to vector<16xf32>
      %min3A_873 = arith.minimumf %max3A_870, %min3A_872 : vector<16xf32>
      %convert_element_type3A = arith.fptosi %min3A_861 : vector<16xf32> to vector<16xi32>
      %convert_element_type3A_874 = arith.fptosi %min3A_873 : vector<16xf32> to vector<16xi32>
      %convert_element_type3A_875 = arith.sitofp %convert_element_type3A : vector<16xi32> to vector<16xf32>
      %sub3A_876 = arith.subf %min3A_861, %convert_element_type3A_875 : vector<16xf32>
      %convert_element_type3A_877 = arith.sitofp %convert_element_type3A_874 : vector<16xi32> to vector<16xf32>
      %sub3A_878 = arith.subf %min3A_873, %convert_element_type3A_877 : vector<16xf32>
      %mul3A_879 = arith.constant 384 : i32
      %mul3A_880 = vector.broadcast %mul3A_879 : i32 to vector<16xi32>
      %mul3A_881 = arith.muli %convert_element_type3A, %mul3A_880 : vector<16xi32>
      %add3A_882 = arith.addi %mul3A_881, %convert_element_type3A_874 : vector<16xi32>
      %sub3A_883 = arith.constant 385 : i32
      %sub3A_884 = vector.broadcast %sub3A_883 : i32 to vector<16xi32>
      %sub3A_885 = arith.subi %add3A_882, %sub3A_884 : vector<16xi32>
      %ge3A = arith.constant 1 : i32
      %ge3A_886 = vector.broadcast %ge3A : i32 to vector<16xi32>
      %ge3A_887 = arith.cmpi sge, %convert_element_type3A, %ge3A_886 : vector<16xi32>
      %le3A = arith.constant 384 : i32
      %le3A_888 = vector.broadcast %le3A : i32 to vector<16xi32>
      %le3A_889 = arith.cmpi sle, %convert_element_type3A, %le3A_888 : vector<16xi32>
      %and3A_890 = arith.andi %ge3A_887, %le3A_889 : vector<16xi1>
      %le3A_891 = arith.constant 383 : i32
      %le3A_892 = vector.broadcast %le3A_891 : i32 to vector<16xi32>
      %le3A_893 = arith.cmpi sle, %convert_element_type3A, %le3A_892 : vector<16xi32>
      %ge3A_894 = arith.constant 1 : i32
      %ge3A_895 = vector.broadcast %ge3A_894 : i32 to vector<16xi32>
      %ge3A_896 = arith.cmpi sge, %convert_element_type3A_874, %ge3A_895 : vector<16xi32>
      %le3A_897 = arith.constant 384 : i32
      %le3A_898 = vector.broadcast %le3A_897 : i32 to vector<16xi32>
      %le3A_899 = arith.cmpi sle, %convert_element_type3A_874, %le3A_898 : vector<16xi32>
      %and3A_900 = arith.andi %ge3A_896, %le3A_899 : vector<16xi1>
      %le3A_901 = arith.constant 383 : i32
      %le3A_902 = vector.broadcast %le3A_901 : i32 to vector<16xi32>
      %le3A_903 = arith.cmpi sle, %convert_element_type3A_874, %le3A_902 : vector<16xi32>
      %and3A_904 = arith.andi %and3A_890, %and3A_900 : vector<16xi1>
      %select_n3A_905 = arith.select %and3A_904, %sub3A_885, %add3A_809 : vector<16xi1>, vector<16xi32>
      %swap3A = arith.index_cast %mul3A_804 : i32 to index
      %swap3A_906 = tpu.vector_load %arg5[%swap3A] {strides = array<i32>} : memref<9216xi32, #tpu.memory_space<vmem>>, vector<16xi32>,
      %swap3A_907 = vector.shape_cast %swap3A_906 : vector<16xi32> to vector<16xi32>
      %swap3A_908 = vector.shape_cast %select_n3A_905 : vector<16xi32> to vector<16xi32>
      tpu.vector_store %arg5[%swap3A], %swap3A_908 {strides = array<i32>} : memref<9216xi32, #tpu.memory_space<vmem>>, vector<16xi32>,
      %and3A_909 = arith.andi %and3A_890, %le3A_903 : vector<16xi1>
      %add3A_910 = arith.constant 1 : i32
      %add3A_911 = vector.broadcast %add3A_910 : i32 to vector<16xi32>
      %add3A_912 = arith.addi %sub3A_885, %add3A_911 : vector<16xi32>
      %select_n3A_913 = arith.select %and3A_909, %add3A_912, %add3A_809 : vector<16xi1>, vector<16xi32>
      %swap3A_914 = arith.index_cast %mul3A_804 : i32 to index
      %swap3A_915 = tpu.vector_load %arg6[%swap3A_914] {strides = array<i32>} : memref<9216xi32, #tpu.memory_space<vmem>>, vector<16xi32>,
      %swap3A_916 = vector.shape_cast %swap3A_915 : vector<16xi32> to vector<16xi32>
      %swap3A_917 = vector.shape_cast %select_n3A_913 : vector<16xi32> to vector<16xi32>
      tpu.vector_store %arg6[%swap3A_914], %swap3A_917 {strides = array<i32>} : memref<9216xi32, #tpu.memory_space<vmem>>, vector<16xi32>,
      %and3A_918 = arith.andi %le3A_893, %and3A_900 : vector<16xi1>
      %add3A_919 = arith.constant 384 : i32
      %add3A_920 = vector.broadcast %add3A_919 : i32 to vector<16xi32>
      %add3A_921 = arith.addi %sub3A_885, %add3A_920 : vector<16xi32>
      %select_n3A_922 = arith.select %and3A_918, %add3A_921, %add3A_809 : vector<16xi1>, vector<16xi32>
      %swap3A_923 = arith.index_cast %mul3A_804 : i32 to index
      %swap3A_924 = tpu.vector_load %arg7[%swap3A_923] {strides = array<i32>} : memref<9216xi32, #tpu.memory_space<vmem>>, vector<16xi32>,
      %swap3A_925 = vector.shape_cast %swap3A_924 : vector<16xi32> to vector<16xi32>
      %swap3A_926 = vector.shape_cast %select_n3A_922 : vector<16xi32> to vector<16xi32>
      tpu.vector_store %arg7[%swap3A_923], %swap3A_926 {strides = array<i32>} : memref<9216xi32, #tpu.memory_space<vmem>>, vector<16xi32>,
      %and3A_927 = arith.andi %le3A_893, %le3A_903 : vector<16xi1>
      %add3A_928 = arith.constant 385 : i32
      %add3A_929 = vector.broadcast %add3A_928 : i32 to vector<16xi32>
      %add3A_930 = arith.addi %sub3A_885, %add3A_929 : vector<16xi32>
      %select_n3A_931 = arith.select %and3A_927, %add3A_930, %add3A_809 : vector<16xi1>, vector<16xi32>
      %swap3A_932 = arith.index_cast %mul3A_804 : i32 to index
      %swap3A_933 = tpu.vector_load %arg8[%swap3A_932] {strides = array<i32>} : memref<9216xi32, #tpu.memory_space<vmem>>, vector<16xi32>,
      %swap3A_934 = vector.shape_cast %swap3A_933 : vector<16xi32> to vector<16xi32>
      %swap3A_935 = vector.shape_cast %select_n3A_931 : vector<16xi32> to vector<16xi32>
      tpu.vector_store %arg8[%swap3A_932], %swap3A_935 {strides = array<i32>} : memref<9216xi32, #tpu.memory_space<vmem>>, vector<16xi32>,
      %sub3A_936 = arith.constant 1.000000e+00 : f32
      %sub3A_937 = vector.broadcast %sub3A_936 : f32 to vector<16xf32>
      %sub3A_938 = arith.subf %sub3A_937, %sub3A_876 : vector<16xf32>
      %sub3A_939 = arith.constant 1.000000e+00 : f32
      %sub3A_940 = vector.broadcast %sub3A_939 : f32 to vector<16xf32>
      %sub3A_941 = arith.subf %sub3A_940, %sub3A_878 : vector<16xf32>
      %mul3A_942 = arith.mulf %sub3A_938, %sub3A_941 : vector<16xf32>
      %swap3A_943 = arith.index_cast %mul3A_804 : i32 to index
      %swap3A_944 = tpu.vector_load %arg9[%swap3A_943] {strides = array<i32>} : memref<9216xf32, #tpu.memory_space<vmem>>, vector<16xf32>,
      %swap3A_945 = vector.shape_cast %swap3A_944 : vector<16xf32> to vector<16xf32>
      %swap3A_946 = vector.shape_cast %mul3A_942 : vector<16xf32> to vector<16xf32>
      tpu.vector_store %arg9[%swap3A_943], %swap3A_946 {strides = array<i32>} : memref<9216xf32, #tpu.memory_space<vmem>>, vector<16xf32>,
      %mul3A_947 = arith.mulf %sub3A_938, %sub3A_878 : vector<16xf32>
      %swap3A_948 = arith.index_cast %mul3A_804 : i32 to index
      %swap3A_949 = tpu.vector_load %arg10[%swap3A_948] {strides = array<i32>} : memref<9216xf32, #tpu.memory_space<vmem>>, vector<16xf32>,
      %swap3A_950 = vector.shape_cast %swap3A_949 : vector<16xf32> to vector<16xf32>
      %swap3A_951 = vector.shape_cast %mul3A_947 : vector<16xf32> to vector<16xf32>
      tpu.vector_store %arg10[%swap3A_948], %swap3A_951 {strides = array<i32>} : memref<9216xf32, #tpu.memory_space<vmem>>, vector<16xf32>,
      %mul3A_952 = arith.mulf %sub3A_876, %sub3A_941 : vector<16xf32>
      %swap3A_953 = arith.index_cast %mul3A_804 : i32 to index
      %swap3A_954 = tpu.vector_load %arg11[%swap3A_953] {strides = array<i32>} : memref<9216xf32, #tpu.memory_space<vmem>>, vector<16xf32>,
      %swap3A_955 = vector.shape_cast %swap3A_954 : vector<16xf32> to vector<16xf32>
      %swap3A_956 = vector.shape_cast %mul3A_952 : vector<16xf32> to vector<16xf32>
      tpu.vector_store %arg11[%swap3A_953], %swap3A_956 {strides = array<i32>} : memref<9216xf32, #tpu.memory_space<vmem>>, vector<16xf32>,
      %mul3A_957 = arith.mulf %sub3A_876, %sub3A_878 : vector<16xf32>
      %swap3A_958 = arith.index_cast %mul3A_804 : i32 to index
      %swap3A_959 = tpu.vector_load %arg12[%swap3A_958] {strides = array<i32>} : memref<9216xf32, #tpu.memory_space<vmem>>, vector<16xf32>,
      %swap3A_960 = vector.shape_cast %swap3A_959 : vector<16xf32> to vector<16xf32>
      %swap3A_961 = vector.shape_cast %mul3A_957 : vector<16xf32> to vector<16xf32>
      tpu.vector_store %arg12[%swap3A_958], %swap3A_961 {strides = array<i32>} : memref<9216xf32, #tpu.memory_space<vmem>>, vector<16xf32>,
    }
    %scan3A_117 = arith.constant 168 : i32
    %dma_start3A_118 = arith.constant 3840 : i32
    %dma_start3A_119 = tpu.memref_slice %arg9[%dma_start3A_118] : memref<9216xf32, #tpu.memory_space<vmem>> -> memref<2688xf32, #tpu.memory_space<vmem>>
    %dma_start3A_120 = arith.constant 3840 : i32
    %dma_start3A_121 = tpu.memref_slice %arg5[%dma_start3A_120] : memref<9216xi32, #tpu.memory_space<vmem>> -> memref<2688xi32, #tpu.memory_space<vmem>>
    %dma_start3A_122 = arith.constant 0 : i32
    %dma_start3A_123 = tpu.memref_slice %arg15[%dma_start3A_122] : memref<151552xf32, #tpu.memory_space<vmem_shared>> -> memref<151552xf32, #tpu.memory_space<vmem_shared>>
    tpu.enqueue_indirect_dma source(%dma_start3A_119 : memref<2688xf32, #tpu.memory_space<vmem>>) target(%dma_start3A_123 : memref<151552xf32, #tpu.memory_space<vmem_shared>>) offsets(%dma_start3A_121 : memref<2688xi32, #tpu.memory_space<vmem>>) semaphore(%arg16 : memref<!tpu.dma_semaphore, #tpu.memory_space<semaphore_mem>>) {add = true}
    %dma_start3A_124 = arith.constant 3840 : i32
    %dma_start3A_125 = tpu.memref_slice %arg10[%dma_start3A_124] : memref<9216xf32, #tpu.memory_space<vmem>> -> memref<2688xf32, #tpu.memory_space<vmem>>
    %dma_start3A_126 = arith.constant 3840 : i32
    %dma_start3A_127 = tpu.memref_slice %arg6[%dma_start3A_126] : memref<9216xi32, #tpu.memory_space<vmem>> -> memref<2688xi32, #tpu.memory_space<vmem>>
    %dma_start3A_128 = arith.constant 0 : i32
    %dma_start3A_129 = tpu.memref_slice %arg15[%dma_start3A_128] : memref<151552xf32, #tpu.memory_space<vmem_shared>> -> memref<151552xf32, #tpu.memory_space<vmem_shared>>
    tpu.enqueue_indirect_dma source(%dma_start3A_125 : memref<2688xf32, #tpu.memory_space<vmem>>) target(%dma_start3A_129 : memref<151552xf32, #tpu.memory_space<vmem_shared>>) offsets(%dma_start3A_127 : memref<2688xi32, #tpu.memory_space<vmem>>) semaphore(%arg16 : memref<!tpu.dma_semaphore, #tpu.memory_space<semaphore_mem>>) {add = true}
    %dma_start3A_130 = arith.constant 3840 : i32
    %dma_start3A_131 = tpu.memref_slice %arg11[%dma_start3A_130] : memref<9216xf32, #tpu.memory_space<vmem>> -> memref<2688xf32, #tpu.memory_space<vmem>>
    %dma_start3A_132 = arith.constant 3840 : i32
    %dma_start3A_133 = tpu.memref_slice %arg7[%dma_start3A_132] : memref<9216xi32, #tpu.memory_space<vmem>> -> memref<2688xi32, #tpu.memory_space<vmem>>
    %dma_start3A_134 = arith.constant 0 : i32
    %dma_start3A_135 = tpu.memref_slice %arg15[%dma_start3A_134] : memref<151552xf32, #tpu.memory_space<vmem_shared>> -> memref<151552xf32, #tpu.memory_space<vmem_shared>>
    tpu.enqueue_indirect_dma source(%dma_start3A_131 : memref<2688xf32, #tpu.memory_space<vmem>>) target(%dma_start3A_135 : memref<151552xf32, #tpu.memory_space<vmem_shared>>) offsets(%dma_start3A_133 : memref<2688xi32, #tpu.memory_space<vmem>>) semaphore(%arg16 : memref<!tpu.dma_semaphore, #tpu.memory_space<semaphore_mem>>) {add = true}
    %dma_start3A_136 = arith.constant 3840 : i32
    %dma_start3A_137 = tpu.memref_slice %arg12[%dma_start3A_136] : memref<9216xf32, #tpu.memory_space<vmem>> -> memref<2688xf32, #tpu.memory_space<vmem>>
    %dma_start3A_138 = arith.constant 3840 : i32
    %dma_start3A_139 = tpu.memref_slice %arg8[%dma_start3A_138] : memref<9216xi32, #tpu.memory_space<vmem>> -> memref<2688xi32, #tpu.memory_space<vmem>>
    %dma_start3A_140 = arith.constant 0 : i32
    %dma_start3A_141 = tpu.memref_slice %arg15[%dma_start3A_140] : memref<151552xf32, #tpu.memory_space<vmem_shared>> -> memref<151552xf32, #tpu.memory_space<vmem_shared>>
    tpu.enqueue_indirect_dma source(%dma_start3A_137 : memref<2688xf32, #tpu.memory_space<vmem>>) target(%dma_start3A_141 : memref<151552xf32, #tpu.memory_space<vmem_shared>>) offsets(%dma_start3A_139 : memref<2688xi32, #tpu.memory_space<vmem>>) semaphore(%arg16 : memref<!tpu.dma_semaphore, #tpu.memory_space<semaphore_mem>>) {add = true}
    %scan3A_142 = arith.constant 408 : i32
    %scan3A_143 = arith.constant 168 : i32
    %scan3A_144 = arith.addi %scan3A_142, %scan3A_143 : i32
    %scan3A_145 = arith.constant 1 : i32
    scf.for %scan3A_802 = %scan3A_142 to %scan3A_144 step %scan3A_145  : i32 {
      %mul3A_803 = arith.constant 16 : i32
      %mul3A_804 = arith.muli %scan3A_802, %mul3A_803 : i32
      %and3A = arith.constant 4080 : i32
      %and3A_805 = arith.andi %mul3A_804, %and3A : i32
      %add3A_806 = arith.constant 147456 : i32
      %add3A_807 = arith.addi %add3A_806, %and3A_805 : i32
      %add3A_808 = vector.broadcast %add3A_807 : i32 to vector<16xi32>
      %add3A_809 = arith.addi %add3A_808, %iota3A : vector<16xi32>
      %jit3A = arith.constant 24 : i32
      %div3A = arith.divsi %scan3A_802, %jit3A : i32
      %sign3A = arith.constant 0 : i32
      %sign3A_810 = arith.cmpi sgt, %scan3A_802, %sign3A : i32
      %sign3A_811 = arith.extui %sign3A_810 : i1 to i32
      %sign3A_812 = arith.constant 0 : i32
      %sign3A_813 = arith.cmpi slt, %scan3A_802, %sign3A_812 : i32
      %sign3A_814 = arith.extui %sign3A_813 : i1 to i32
      %sign3A_815 = arith.subi %sign3A_811, %sign3A_814 : i32
      %sign3A_816 = arith.constant 0 : i32
      %sign3A_817 = arith.cmpi sgt, %jit3A, %sign3A_816 : i32
      %sign3A_818 = arith.extui %sign3A_817 : i1 to i32
      %sign3A_819 = arith.constant 0 : i32
      %sign3A_820 = arith.cmpi slt, %jit3A, %sign3A_819 : i32
      %sign3A_821 = arith.extui %sign3A_820 : i1 to i32
      %sign3A_822 = arith.subi %sign3A_818, %sign3A_821 : i32
      %ne3A = arith.cmpi ne, %sign3A_815, %sign3A_822 : i32
      %rem3A = arith.remsi %scan3A_802, %jit3A : i32
      %ne3A_823 = arith.constant 0 : i32
      %ne3A_824 = arith.cmpi ne, %rem3A, %ne3A_823 : i32
      %and3A_825 = arith.andi %ne3A, %ne3A_824 : i1
      %sub3A = arith.constant 1 : i32
      %sub3A_826 = arith.subi %div3A, %sub3A : i32
      %select_n3A = arith.select %and3A_825, %sub3A_826, %div3A : i32
      %jit3A_827 = arith.constant 24 : i32
      %eq3A = arith.constant 0 : i32
      %eq3A_828 = arith.cmpi eq, %jit3A_827, %eq3A : i32
      %jit3A_829 = arith.constant 1 : i32
      %select_n3A_830 = arith.select %eq3A_828, %jit3A_829, %jit3A_827 : i32
      %rem3A_831 = arith.remsi %scan3A_802, %select_n3A_830 : i32
      %ne3A_832 = arith.constant 0 : i32
      %ne3A_833 = arith.cmpi ne, %rem3A_831, %ne3A_832 : i32
      %lt3A = arith.constant 0 : i32
      %lt3A_834 = arith.cmpi slt, %rem3A_831, %lt3A : i32
      %lt3A_835 = arith.constant 0 : i32
      %lt3A_836 = arith.cmpi slt, %select_n3A_830, %lt3A_835 : i32
      %ne3A_837 = arith.xori %lt3A_834, %lt3A_836 : i1
      %and3A_838 = arith.andi %ne3A_837, %ne3A_833 : i1
      %add3A_839 = arith.addi %rem3A_831, %select_n3A_830 : i32
      %select_n3A_840 = arith.select %and3A_838, %add3A_839, %rem3A_831 : i32
      %mul3A_841 = arith.constant 16 : i32
      %mul3A_842 = arith.muli %select_n3A_840, %mul3A_841 : i32
      %get3A = arith.index_cast %select_n3A : i32 to index
      %get3A_843 = arith.index_cast %mul3A_842 : i32 to index
      %get3A_844 = tpu.vector_load %arg4[%get3A, %get3A_843] {strides = array<i32>} : memref<48x384xf32, #tpu.memory_space<vmem>>, vector<1x16xf32>,
      %get3A_845 = vector.shape_cast %get3A_844 : vector<1x16xf32> to vector<16xf32>
      %add3A_846 = arith.constant 24 : i32
      %add3A_847 = arith.addi %select_n3A, %add3A_846 : i32
      %get3A_848 = arith.index_cast %add3A_847 : i32 to index
      %get3A_849 = arith.index_cast %mul3A_842 : i32 to index
      %get3A_850 = tpu.vector_load %arg4[%get3A_848, %get3A_849] {strides = array<i32>} : memref<48x384xf32, #tpu.memory_space<vmem>>, vector<1x16xf32>,
      %get3A_851 = vector.shape_cast %get3A_850 : vector<1x16xf32> to vector<16xf32>
      %mul3A_852 = arith.constant 1.920000e+02 : f32
      %mul3A_853 = vector.broadcast %mul3A_852 : f32 to vector<16xf32>
      %mul3A_854 = arith.mulf %get3A_845, %mul3A_853 : vector<16xf32>
      %add3A_855 = arith.constant 1.930000e+02 : f32
      %add3A_856 = vector.broadcast %add3A_855 : f32 to vector<16xf32>
      %add3A_857 = arith.addf %mul3A_854, %add3A_856 : vector<16xf32>
      %max3A = arith.constant 0.000000e+00 : f32
      %max3A_858 = vector.broadcast %max3A : f32 to vector<16xf32>
      %max3A_859 = arith.maximumf %add3A_857, %max3A_858 : vector<16xf32>
      %min3A = arith.constant 3.850000e+02 : f32
      %min3A_860 = vector.broadcast %min3A : f32 to vector<16xf32>
      %min3A_861 = arith.minimumf %max3A_859, %min3A_860 : vector<16xf32>
      %mul3A_862 = arith.constant 1.920000e+02 : f32
      %mul3A_863 = vector.broadcast %mul3A_862 : f32 to vector<16xf32>
      %mul3A_864 = arith.mulf %get3A_851, %mul3A_863 : vector<16xf32>
      %add3A_865 = arith.constant 1.930000e+02 : f32
      %add3A_866 = vector.broadcast %add3A_865 : f32 to vector<16xf32>
      %add3A_867 = arith.addf %mul3A_864, %add3A_866 : vector<16xf32>
      %max3A_868 = arith.constant 0.000000e+00 : f32
      %max3A_869 = vector.broadcast %max3A_868 : f32 to vector<16xf32>
      %max3A_870 = arith.maximumf %add3A_867, %max3A_869 : vector<16xf32>
      %min3A_871 = arith.constant 3.850000e+02 : f32
      %min3A_872 = vector.broadcast %min3A_871 : f32 to vector<16xf32>
      %min3A_873 = arith.minimumf %max3A_870, %min3A_872 : vector<16xf32>
      %convert_element_type3A = arith.fptosi %min3A_861 : vector<16xf32> to vector<16xi32>
      %convert_element_type3A_874 = arith.fptosi %min3A_873 : vector<16xf32> to vector<16xi32>
      %convert_element_type3A_875 = arith.sitofp %convert_element_type3A : vector<16xi32> to vector<16xf32>
      %sub3A_876 = arith.subf %min3A_861, %convert_element_type3A_875 : vector<16xf32>
      %convert_element_type3A_877 = arith.sitofp %convert_element_type3A_874 : vector<16xi32> to vector<16xf32>
      %sub3A_878 = arith.subf %min3A_873, %convert_element_type3A_877 : vector<16xf32>
      %mul3A_879 = arith.constant 384 : i32
      %mul3A_880 = vector.broadcast %mul3A_879 : i32 to vector<16xi32>
      %mul3A_881 = arith.muli %convert_element_type3A, %mul3A_880 : vector<16xi32>
      %add3A_882 = arith.addi %mul3A_881, %convert_element_type3A_874 : vector<16xi32>
      %sub3A_883 = arith.constant 385 : i32
      %sub3A_884 = vector.broadcast %sub3A_883 : i32 to vector<16xi32>
      %sub3A_885 = arith.subi %add3A_882, %sub3A_884 : vector<16xi32>
      %ge3A = arith.constant 1 : i32
      %ge3A_886 = vector.broadcast %ge3A : i32 to vector<16xi32>
      %ge3A_887 = arith.cmpi sge, %convert_element_type3A, %ge3A_886 : vector<16xi32>
      %le3A = arith.constant 384 : i32
      %le3A_888 = vector.broadcast %le3A : i32 to vector<16xi32>
      %le3A_889 = arith.cmpi sle, %convert_element_type3A, %le3A_888 : vector<16xi32>
      %and3A_890 = arith.andi %ge3A_887, %le3A_889 : vector<16xi1>
      %le3A_891 = arith.constant 383 : i32
      %le3A_892 = vector.broadcast %le3A_891 : i32 to vector<16xi32>
      %le3A_893 = arith.cmpi sle, %convert_element_type3A, %le3A_892 : vector<16xi32>
      %ge3A_894 = arith.constant 1 : i32
      %ge3A_895 = vector.broadcast %ge3A_894 : i32 to vector<16xi32>
      %ge3A_896 = arith.cmpi sge, %convert_element_type3A_874, %ge3A_895 : vector<16xi32>
      %le3A_897 = arith.constant 384 : i32
      %le3A_898 = vector.broadcast %le3A_897 : i32 to vector<16xi32>
      %le3A_899 = arith.cmpi sle, %convert_element_type3A_874, %le3A_898 : vector<16xi32>
      %and3A_900 = arith.andi %ge3A_896, %le3A_899 : vector<16xi1>
      %le3A_901 = arith.constant 383 : i32
      %le3A_902 = vector.broadcast %le3A_901 : i32 to vector<16xi32>
      %le3A_903 = arith.cmpi sle, %convert_element_type3A_874, %le3A_902 : vector<16xi32>
      %and3A_904 = arith.andi %and3A_890, %and3A_900 : vector<16xi1>
      %select_n3A_905 = arith.select %and3A_904, %sub3A_885, %add3A_809 : vector<16xi1>, vector<16xi32>
      %swap3A = arith.index_cast %mul3A_804 : i32 to index
      %swap3A_906 = tpu.vector_load %arg5[%swap3A] {strides = array<i32>} : memref<9216xi32, #tpu.memory_space<vmem>>, vector<16xi32>,
      %swap3A_907 = vector.shape_cast %swap3A_906 : vector<16xi32> to vector<16xi32>
      %swap3A_908 = vector.shape_cast %select_n3A_905 : vector<16xi32> to vector<16xi32>
      tpu.vector_store %arg5[%swap3A], %swap3A_908 {strides = array<i32>} : memref<9216xi32, #tpu.memory_space<vmem>>, vector<16xi32>,
      %and3A_909 = arith.andi %and3A_890, %le3A_903 : vector<16xi1>
      %add3A_910 = arith.constant 1 : i32
      %add3A_911 = vector.broadcast %add3A_910 : i32 to vector<16xi32>
      %add3A_912 = arith.addi %sub3A_885, %add3A_911 : vector<16xi32>
      %select_n3A_913 = arith.select %and3A_909, %add3A_912, %add3A_809 : vector<16xi1>, vector<16xi32>
      %swap3A_914 = arith.index_cast %mul3A_804 : i32 to index
      %swap3A_915 = tpu.vector_load %arg6[%swap3A_914] {strides = array<i32>} : memref<9216xi32, #tpu.memory_space<vmem>>, vector<16xi32>,
      %swap3A_916 = vector.shape_cast %swap3A_915 : vector<16xi32> to vector<16xi32>
      %swap3A_917 = vector.shape_cast %select_n3A_913 : vector<16xi32> to vector<16xi32>
      tpu.vector_store %arg6[%swap3A_914], %swap3A_917 {strides = array<i32>} : memref<9216xi32, #tpu.memory_space<vmem>>, vector<16xi32>,
      %and3A_918 = arith.andi %le3A_893, %and3A_900 : vector<16xi1>
      %add3A_919 = arith.constant 384 : i32
      %add3A_920 = vector.broadcast %add3A_919 : i32 to vector<16xi32>
      %add3A_921 = arith.addi %sub3A_885, %add3A_920 : vector<16xi32>
      %select_n3A_922 = arith.select %and3A_918, %add3A_921, %add3A_809 : vector<16xi1>, vector<16xi32>
      %swap3A_923 = arith.index_cast %mul3A_804 : i32 to index
      %swap3A_924 = tpu.vector_load %arg7[%swap3A_923] {strides = array<i32>} : memref<9216xi32, #tpu.memory_space<vmem>>, vector<16xi32>,
      %swap3A_925 = vector.shape_cast %swap3A_924 : vector<16xi32> to vector<16xi32>
      %swap3A_926 = vector.shape_cast %select_n3A_922 : vector<16xi32> to vector<16xi32>
      tpu.vector_store %arg7[%swap3A_923], %swap3A_926 {strides = array<i32>} : memref<9216xi32, #tpu.memory_space<vmem>>, vector<16xi32>,
      %and3A_927 = arith.andi %le3A_893, %le3A_903 : vector<16xi1>
      %add3A_928 = arith.constant 385 : i32
      %add3A_929 = vector.broadcast %add3A_928 : i32 to vector<16xi32>
      %add3A_930 = arith.addi %sub3A_885, %add3A_929 : vector<16xi32>
      %select_n3A_931 = arith.select %and3A_927, %add3A_930, %add3A_809 : vector<16xi1>, vector<16xi32>
      %swap3A_932 = arith.index_cast %mul3A_804 : i32 to index
      %swap3A_933 = tpu.vector_load %arg8[%swap3A_932] {strides = array<i32>} : memref<9216xi32, #tpu.memory_space<vmem>>, vector<16xi32>,
      %swap3A_934 = vector.shape_cast %swap3A_933 : vector<16xi32> to vector<16xi32>
      %swap3A_935 = vector.shape_cast %select_n3A_931 : vector<16xi32> to vector<16xi32>
      tpu.vector_store %arg8[%swap3A_932], %swap3A_935 {strides = array<i32>} : memref<9216xi32, #tpu.memory_space<vmem>>, vector<16xi32>,
      %sub3A_936 = arith.constant 1.000000e+00 : f32
      %sub3A_937 = vector.broadcast %sub3A_936 : f32 to vector<16xf32>
      %sub3A_938 = arith.subf %sub3A_937, %sub3A_876 : vector<16xf32>
      %sub3A_939 = arith.constant 1.000000e+00 : f32
      %sub3A_940 = vector.broadcast %sub3A_939 : f32 to vector<16xf32>
      %sub3A_941 = arith.subf %sub3A_940, %sub3A_878 : vector<16xf32>
      %mul3A_942 = arith.mulf %sub3A_938, %sub3A_941 : vector<16xf32>
      %swap3A_943 = arith.index_cast %mul3A_804 : i32 to index
      %swap3A_944 = tpu.vector_load %arg9[%swap3A_943] {strides = array<i32>} : memref<9216xf32, #tpu.memory_space<vmem>>, vector<16xf32>,
      %swap3A_945 = vector.shape_cast %swap3A_944 : vector<16xf32> to vector<16xf32>
      %swap3A_946 = vector.shape_cast %mul3A_942 : vector<16xf32> to vector<16xf32>
      tpu.vector_store %arg9[%swap3A_943], %swap3A_946 {strides = array<i32>} : memref<9216xf32, #tpu.memory_space<vmem>>, vector<16xf32>,
      %mul3A_947 = arith.mulf %sub3A_938, %sub3A_878 : vector<16xf32>
      %swap3A_948 = arith.index_cast %mul3A_804 : i32 to index
      %swap3A_949 = tpu.vector_load %arg10[%swap3A_948] {strides = array<i32>} : memref<9216xf32, #tpu.memory_space<vmem>>, vector<16xf32>,
      %swap3A_950 = vector.shape_cast %swap3A_949 : vector<16xf32> to vector<16xf32>
      %swap3A_951 = vector.shape_cast %mul3A_947 : vector<16xf32> to vector<16xf32>
      tpu.vector_store %arg10[%swap3A_948], %swap3A_951 {strides = array<i32>} : memref<9216xf32, #tpu.memory_space<vmem>>, vector<16xf32>,
      %mul3A_952 = arith.mulf %sub3A_876, %sub3A_941 : vector<16xf32>
      %swap3A_953 = arith.index_cast %mul3A_804 : i32 to index
      %swap3A_954 = tpu.vector_load %arg11[%swap3A_953] {strides = array<i32>} : memref<9216xf32, #tpu.memory_space<vmem>>, vector<16xf32>,
      %swap3A_955 = vector.shape_cast %swap3A_954 : vector<16xf32> to vector<16xf32>
      %swap3A_956 = vector.shape_cast %mul3A_952 : vector<16xf32> to vector<16xf32>
      tpu.vector_store %arg11[%swap3A_953], %swap3A_956 {strides = array<i32>} : memref<9216xf32, #tpu.memory_space<vmem>>, vector<16xf32>,
      %mul3A_957 = arith.mulf %sub3A_876, %sub3A_878 : vector<16xf32>
      %swap3A_958 = arith.index_cast %mul3A_804 : i32 to index
      %swap3A_959 = tpu.vector_load %arg12[%swap3A_958] {strides = array<i32>} : memref<9216xf32, #tpu.memory_space<vmem>>, vector<16xf32>,
      %swap3A_960 = vector.shape_cast %swap3A_959 : vector<16xf32> to vector<16xf32>
      %swap3A_961 = vector.shape_cast %mul3A_957 : vector<16xf32> to vector<16xf32>
      tpu.vector_store %arg12[%swap3A_958], %swap3A_961 {strides = array<i32>} : memref<9216xf32, #tpu.memory_space<vmem>>, vector<16xf32>,
    }
    %scan3A_146 = arith.constant 168 : i32
    %dma_start3A_147 = arith.constant 6528 : i32
    %dma_start3A_148 = tpu.memref_slice %arg9[%dma_start3A_147] : memref<9216xf32, #tpu.memory_space<vmem>> -> memref<2688xf32, #tpu.memory_space<vmem>>
    %dma_start3A_149 = arith.constant 6528 : i32
    %dma_start3A_150 = tpu.memref_slice %arg5[%dma_start3A_149] : memref<9216xi32, #tpu.memory_space<vmem>> -> memref<2688xi32, #tpu.memory_space<vmem>>
    %dma_start3A_151 = arith.constant 0 : i32
    %dma_start3A_152 = tpu.memref_slice %arg15[%dma_start3A_151] : memref<151552xf32, #tpu.memory_space<vmem_shared>> -> memref<151552xf32, #tpu.memory_space<vmem_shared>>
    tpu.enqueue_indirect_dma source(%dma_start3A_148 : memref<2688xf32, #tpu.memory_space<vmem>>) target(%dma_start3A_152 : memref<151552xf32, #tpu.memory_space<vmem_shared>>) offsets(%dma_start3A_150 : memref<2688xi32, #tpu.memory_space<vmem>>) semaphore(%arg16 : memref<!tpu.dma_semaphore, #tpu.memory_space<semaphore_mem>>) {add = true}
    %dma_start3A_153 = arith.constant 6528 : i32
    %dma_start3A_154 = tpu.memref_slice %arg10[%dma_start3A_153] : memref<9216xf32, #tpu.memory_space<vmem>> -> memref<2688xf32, #tpu.memory_space<vmem>>
    %dma_start3A_155 = arith.constant 6528 : i32
    %dma_start3A_156 = tpu.memref_slice %arg6[%dma_start3A_155] : memref<9216xi32, #tpu.memory_space<vmem>> -> memref<2688xi32, #tpu.memory_space<vmem>>
    %dma_start3A_157 = arith.constant 0 : i32
    %dma_start3A_158 = tpu.memref_slice %arg15[%dma_start3A_157] : memref<151552xf32, #tpu.memory_space<vmem_shared>> -> memref<151552xf32, #tpu.memory_space<vmem_shared>>
    tpu.enqueue_indirect_dma source(%dma_start3A_154 : memref<2688xf32, #tpu.memory_space<vmem>>) target(%dma_start3A_158 : memref<151552xf32, #tpu.memory_space<vmem_shared>>) offsets(%dma_start3A_156 : memref<2688xi32, #tpu.memory_space<vmem>>) semaphore(%arg16 : memref<!tpu.dma_semaphore, #tpu.memory_space<semaphore_mem>>) {add = true}
    %dma_start3A_159 = arith.constant 6528 : i32
    %dma_start3A_160 = tpu.memref_slice %arg11[%dma_start3A_159] : memref<9216xf32, #tpu.memory_space<vmem>> -> memref<2688xf32, #tpu.memory_space<vmem>>
    %dma_start3A_161 = arith.constant 6528 : i32
    %dma_start3A_162 = tpu.memref_slice %arg7[%dma_start3A_161] : memref<9216xi32, #tpu.memory_space<vmem>> -> memref<2688xi32, #tpu.memory_space<vmem>>
    %dma_start3A_163 = arith.constant 0 : i32
    %dma_start3A_164 = tpu.memref_slice %arg15[%dma_start3A_163] : memref<151552xf32, #tpu.memory_space<vmem_shared>> -> memref<151552xf32, #tpu.memory_space<vmem_shared>>
    tpu.enqueue_indirect_dma source(%dma_start3A_160 : memref<2688xf32, #tpu.memory_space<vmem>>) target(%dma_start3A_164 : memref<151552xf32, #tpu.memory_space<vmem_shared>>) offsets(%dma_start3A_162 : memref<2688xi32, #tpu.memory_space<vmem>>) semaphore(%arg16 : memref<!tpu.dma_semaphore, #tpu.memory_space<semaphore_mem>>) {add = true}
    %dma_start3A_165 = arith.constant 6528 : i32
    %dma_start3A_166 = tpu.memref_slice %arg12[%dma_start3A_165] : memref<9216xf32, #tpu.memory_space<vmem>> -> memref<2688xf32, #tpu.memory_space<vmem>>
    %dma_start3A_167 = arith.constant 6528 : i32
    %dma_start3A_168 = tpu.memref_slice %arg8[%dma_start3A_167] : memref<9216xi32, #tpu.memory_space<vmem>> -> memref<2688xi32, #tpu.memory_space<vmem>>
    %dma_start3A_169 = arith.constant 0 : i32
    %dma_start3A_170 = tpu.memref_slice %arg15[%dma_start3A_169] : memref<151552xf32, #tpu.memory_space<vmem_shared>> -> memref<151552xf32, #tpu.memory_space<vmem_shared>>
    tpu.enqueue_indirect_dma source(%dma_start3A_166 : memref<2688xf32, #tpu.memory_space<vmem>>) target(%dma_start3A_170 : memref<151552xf32, #tpu.memory_space<vmem_shared>>) offsets(%dma_start3A_168 : memref<2688xi32, #tpu.memory_space<vmem>>) semaphore(%arg16 : memref<!tpu.dma_semaphore, #tpu.memory_space<semaphore_mem>>) {add = true}
    %dma_wait3A_171 = arith.constant 0 : i32
    %dma_wait3A_172 = tpu.memref_slice %arg9[%dma_wait3A_171] : memref<9216xf32, #tpu.memory_space<vmem>> -> memref<1152xf32, #tpu.memory_space<vmem>>
    %dma_wait3A_173 = arith.constant 0 : i32
    %dma_wait3A_174 = tpu.memref_slice %arg5[%dma_wait3A_173] : memref<9216xi32, #tpu.memory_space<vmem>> -> memref<1152xi32, #tpu.memory_space<vmem>>
    %dma_wait3A_175 = arith.constant 0 : i32
    %dma_wait3A_176 = tpu.memref_slice %arg15[%dma_wait3A_175] : memref<151552xf32, #tpu.memory_space<vmem_shared>> -> memref<151552xf32, #tpu.memory_space<vmem_shared>>
    tpu.wait_indirect_dma semaphore(%arg16 : memref<!tpu.dma_semaphore, #tpu.memory_space<semaphore_mem>>) src(%dma_wait3A_172 : memref<1152xf32, #tpu.memory_space<vmem>>) dst(%dma_wait3A_176 : memref<151552xf32, #tpu.memory_space<vmem_shared>>)
    %dma_wait3A_177 = arith.constant 0 : i32
    %dma_wait3A_178 = tpu.memref_slice %arg10[%dma_wait3A_177] : memref<9216xf32, #tpu.memory_space<vmem>> -> memref<1152xf32, #tpu.memory_space<vmem>>
    %dma_wait3A_179 = arith.constant 0 : i32
    %dma_wait3A_180 = tpu.memref_slice %arg6[%dma_wait3A_179] : memref<9216xi32, #tpu.memory_space<vmem>> -> memref<1152xi32, #tpu.memory_space<vmem>>
    %dma_wait3A_181 = arith.constant 0 : i32
    %dma_wait3A_182 = tpu.memref_slice %arg15[%dma_wait3A_181] : memref<151552xf32, #tpu.memory_space<vmem_shared>> -> memref<151552xf32, #tpu.memory_space<vmem_shared>>
    tpu.wait_indirect_dma semaphore(%arg16 : memref<!tpu.dma_semaphore, #tpu.memory_space<semaphore_mem>>) src(%dma_wait3A_178 : memref<1152xf32, #tpu.memory_space<vmem>>) dst(%dma_wait3A_182 : memref<151552xf32, #tpu.memory_space<vmem_shared>>)
    %dma_wait3A_183 = arith.constant 0 : i32
    %dma_wait3A_184 = tpu.memref_slice %arg11[%dma_wait3A_183] : memref<9216xf32, #tpu.memory_space<vmem>> -> memref<1152xf32, #tpu.memory_space<vmem>>
    %dma_wait3A_185 = arith.constant 0 : i32
    %dma_wait3A_186 = tpu.memref_slice %arg7[%dma_wait3A_185] : memref<9216xi32, #tpu.memory_space<vmem>> -> memref<1152xi32, #tpu.memory_space<vmem>>
    %dma_wait3A_187 = arith.constant 0 : i32
    %dma_wait3A_188 = tpu.memref_slice %arg15[%dma_wait3A_187] : memref<151552xf32, #tpu.memory_space<vmem_shared>> -> memref<151552xf32, #tpu.memory_space<vmem_shared>>
    tpu.wait_indirect_dma semaphore(%arg16 : memref<!tpu.dma_semaphore, #tpu.memory_space<semaphore_mem>>) src(%dma_wait3A_184 : memref<1152xf32, #tpu.memory_space<vmem>>) dst(%dma_wait3A_188 : memref<151552xf32, #tpu.memory_space<vmem_shared>>)
    %dma_wait3A_189 = arith.constant 0 : i32
    %dma_wait3A_190 = tpu.memref_slice %arg12[%dma_wait3A_189] : memref<9216xf32, #tpu.memory_space<vmem>> -> memref<1152xf32, #tpu.memory_space<vmem>>
    %dma_wait3A_191 = arith.constant 0 : i32
    %dma_wait3A_192 = tpu.memref_slice %arg8[%dma_wait3A_191] : memref<9216xi32, #tpu.memory_space<vmem>> -> memref<1152xi32, #tpu.memory_space<vmem>>
    %dma_wait3A_193 = arith.constant 0 : i32
    %dma_wait3A_194 = tpu.memref_slice %arg15[%dma_wait3A_193] : memref<151552xf32, #tpu.memory_space<vmem_shared>> -> memref<151552xf32, #tpu.memory_space<vmem_shared>>
    tpu.wait_indirect_dma semaphore(%arg16 : memref<!tpu.dma_semaphore, #tpu.memory_space<semaphore_mem>>) src(%dma_wait3A_190 : memref<1152xf32, #tpu.memory_space<vmem>>) dst(%dma_wait3A_194 : memref<151552xf32, #tpu.memory_space<vmem_shared>>)
    %dma_wait3A_195 = arith.constant 1152 : i32
    %dma_wait3A_196 = tpu.memref_slice %arg9[%dma_wait3A_195] : memref<9216xf32, #tpu.memory_space<vmem>> -> memref<2688xf32, #tpu.memory_space<vmem>>
    %dma_wait3A_197 = arith.constant 1152 : i32
    %dma_wait3A_198 = tpu.memref_slice %arg5[%dma_wait3A_197] : memref<9216xi32, #tpu.memory_space<vmem>> -> memref<2688xi32, #tpu.memory_space<vmem>>
    %dma_wait3A_199 = arith.constant 0 : i32
    %dma_wait3A_200 = tpu.memref_slice %arg15[%dma_wait3A_199] : memref<151552xf32, #tpu.memory_space<vmem_shared>> -> memref<151552xf32, #tpu.memory_space<vmem_shared>>
    tpu.wait_indirect_dma semaphore(%arg16 : memref<!tpu.dma_semaphore, #tpu.memory_space<semaphore_mem>>) src(%dma_wait3A_196 : memref<2688xf32, #tpu.memory_space<vmem>>) dst(%dma_wait3A_200 : memref<151552xf32, #tpu.memory_space<vmem_shared>>)
    %dma_wait3A_201 = arith.constant 1152 : i32
    %dma_wait3A_202 = tpu.memref_slice %arg10[%dma_wait3A_201] : memref<9216xf32, #tpu.memory_space<vmem>> -> memref<2688xf32, #tpu.memory_space<vmem>>
    %dma_wait3A_203 = arith.constant 1152 : i32
    %dma_wait3A_204 = tpu.memref_slice %arg6[%dma_wait3A_203] : memref<9216xi32, #tpu.memory_space<vmem>> -> memref<2688xi32, #tpu.memory_space<vmem>>
    %dma_wait3A_205 = arith.constant 0 : i32
    %dma_wait3A_206 = tpu.memref_slice %arg15[%dma_wait3A_205] : memref<151552xf32, #tpu.memory_space<vmem_shared>> -> memref<151552xf32, #tpu.memory_space<vmem_shared>>
    tpu.wait_indirect_dma semaphore(%arg16 : memref<!tpu.dma_semaphore, #tpu.memory_space<semaphore_mem>>) src(%dma_wait3A_202 : memref<2688xf32, #tpu.memory_space<vmem>>) dst(%dma_wait3A_206 : memref<151552xf32, #tpu.memory_space<vmem_shared>>)
    %dma_wait3A_207 = arith.constant 1152 : i32
    %dma_wait3A_208 = tpu.memref_slice %arg11[%dma_wait3A_207] : memref<9216xf32, #tpu.memory_space<vmem>> -> memref<2688xf32, #tpu.memory_space<vmem>>
    %dma_wait3A_209 = arith.constant 1152 : i32
    %dma_wait3A_210 = tpu.memref_slice %arg7[%dma_wait3A_209] : memref<9216xi32, #tpu.memory_space<vmem>> -> memref<2688xi32, #tpu.memory_space<vmem>>
    %dma_wait3A_211 = arith.constant 0 : i32
    %dma_wait3A_212 = tpu.memref_slice %arg15[%dma_wait3A_211] : memref<151552xf32, #tpu.memory_space<vmem_shared>> -> memref<151552xf32, #tpu.memory_space<vmem_shared>>
    tpu.wait_indirect_dma semaphore(%arg16 : memref<!tpu.dma_semaphore, #tpu.memory_space<semaphore_mem>>) src(%dma_wait3A_208 : memref<2688xf32, #tpu.memory_space<vmem>>) dst(%dma_wait3A_212 : memref<151552xf32, #tpu.memory_space<vmem_shared>>)
    %dma_wait3A_213 = arith.constant 1152 : i32
    %dma_wait3A_214 = tpu.memref_slice %arg12[%dma_wait3A_213] : memref<9216xf32, #tpu.memory_space<vmem>> -> memref<2688xf32, #tpu.memory_space<vmem>>
    %dma_wait3A_215 = arith.constant 1152 : i32
    %dma_wait3A_216 = tpu.memref_slice %arg8[%dma_wait3A_215] : memref<9216xi32, #tpu.memory_space<vmem>> -> memref<2688xi32, #tpu.memory_space<vmem>>
    %dma_wait3A_217 = arith.constant 0 : i32
    %dma_wait3A_218 = tpu.memref_slice %arg15[%dma_wait3A_217] : memref<151552xf32, #tpu.memory_space<vmem_shared>> -> memref<151552xf32, #tpu.memory_space<vmem_shared>>
    tpu.wait_indirect_dma semaphore(%arg16 : memref<!tpu.dma_semaphore, #tpu.memory_space<semaphore_mem>>) src(%dma_wait3A_214 : memref<2688xf32, #tpu.memory_space<vmem>>) dst(%dma_wait3A_218 : memref<151552xf32, #tpu.memory_space<vmem_shared>>)
    %dma_wait3A_219 = arith.constant 3840 : i32
    %dma_wait3A_220 = tpu.memref_slice %arg9[%dma_wait3A_219] : memref<9216xf32, #tpu.memory_space<vmem>> -> memref<2688xf32, #tpu.memory_space<vmem>>
    %dma_wait3A_221 = arith.constant 3840 : i32
    %dma_wait3A_222 = tpu.memref_slice %arg5[%dma_wait3A_221] : memref<9216xi32, #tpu.memory_space<vmem>> -> memref<2688xi32, #tpu.memory_space<vmem>>
    %dma_wait3A_223 = arith.constant 0 : i32
    %dma_wait3A_224 = tpu.memref_slice %arg15[%dma_wait3A_223] : memref<151552xf32, #tpu.memory_space<vmem_shared>> -> memref<151552xf32, #tpu.memory_space<vmem_shared>>
    tpu.wait_indirect_dma semaphore(%arg16 : memref<!tpu.dma_semaphore, #tpu.memory_space<semaphore_mem>>) src(%dma_wait3A_220 : memref<2688xf32, #tpu.memory_space<vmem>>) dst(%dma_wait3A_224 : memref<151552xf32, #tpu.memory_space<vmem_shared>>)
    %dma_wait3A_225 = arith.constant 3840 : i32
    %dma_wait3A_226 = tpu.memref_slice %arg10[%dma_wait3A_225] : memref<9216xf32, #tpu.memory_space<vmem>> -> memref<2688xf32, #tpu.memory_space<vmem>>
    %dma_wait3A_227 = arith.constant 3840 : i32
    %dma_wait3A_228 = tpu.memref_slice %arg6[%dma_wait3A_227] : memref<9216xi32, #tpu.memory_space<vmem>> -> memref<2688xi32, #tpu.memory_space<vmem>>
    %dma_wait3A_229 = arith.constant 0 : i32
    %dma_wait3A_230 = tpu.memref_slice %arg15[%dma_wait3A_229] : memref<151552xf32, #tpu.memory_space<vmem_shared>> -> memref<151552xf32, #tpu.memory_space<vmem_shared>>
    tpu.wait_indirect_dma semaphore(%arg16 : memref<!tpu.dma_semaphore, #tpu.memory_space<semaphore_mem>>) src(%dma_wait3A_226 : memref<2688xf32, #tpu.memory_space<vmem>>) dst(%dma_wait3A_230 : memref<151552xf32, #tpu.memory_space<vmem_shared>>)
    %dma_wait3A_231 = arith.constant 3840 : i32
    %dma_wait3A_232 = tpu.memref_slice %arg11[%dma_wait3A_231] : memref<9216xf32, #tpu.memory_space<vmem>> -> memref<2688xf32, #tpu.memory_space<vmem>>
    %dma_wait3A_233 = arith.constant 3840 : i32
    %dma_wait3A_234 = tpu.memref_slice %arg7[%dma_wait3A_233] : memref<9216xi32, #tpu.memory_space<vmem>> -> memref<2688xi32, #tpu.memory_space<vmem>>
    %dma_wait3A_235 = arith.constant 0 : i32
    %dma_wait3A_236 = tpu.memref_slice %arg15[%dma_wait3A_235] : memref<151552xf32, #tpu.memory_space<vmem_shared>> -> memref<151552xf32, #tpu.memory_space<vmem_shared>>
    tpu.wait_indirect_dma semaphore(%arg16 : memref<!tpu.dma_semaphore, #tpu.memory_space<semaphore_mem>>) src(%dma_wait3A_232 : memref<2688xf32, #tpu.memory_space<vmem>>) dst(%dma_wait3A_236 : memref<151552xf32, #tpu.memory_space<vmem_shared>>)
    %dma_wait3A_237 = arith.constant 3840 : i32
    %dma_wait3A_238 = tpu.memref_slice %arg12[%dma_wait3A_237] : memref<9216xf32, #tpu.memory_space<vmem>> -> memref<2688xf32, #tpu.memory_space<vmem>>
    %dma_wait3A_239 = arith.constant 3840 : i32
    %dma_wait3A_240 = tpu.memref_slice %arg8[%dma_wait3A_239] : memref<9216xi32, #tpu.memory_space<vmem>> -> memref<2688xi32, #tpu.memory_space<vmem>>
    %dma_wait3A_241 = arith.constant 0 : i32
    %dma_wait3A_242 = tpu.memref_slice %arg15[%dma_wait3A_241] : memref<151552xf32, #tpu.memory_space<vmem_shared>> -> memref<151552xf32, #tpu.memory_space<vmem_shared>>
    tpu.wait_indirect_dma semaphore(%arg16 : memref<!tpu.dma_semaphore, #tpu.memory_space<semaphore_mem>>) src(%dma_wait3A_238 : memref<2688xf32, #tpu.memory_space<vmem>>) dst(%dma_wait3A_242 : memref<151552xf32, #tpu.memory_space<vmem_shared>>)
    %dma_wait3A_243 = arith.constant 6528 : i32
    %dma_wait3A_244 = tpu.memref_slice %arg9[%dma_wait3A_243] : memref<9216xf32, #tpu.memory_space<vmem>> -> memref<2688xf32, #tpu.memory_space<vmem>>
    %dma_wait3A_245 = arith.constant 6528 : i32
    %dma_wait3A_246 = tpu.memref_slice %arg5[%dma_wait3A_245] : memref<9216xi32, #tpu.memory_space<vmem>> -> memref<2688xi32, #tpu.memory_space<vmem>>
    %dma_wait3A_247 = arith.constant 0 : i32
    %dma_wait3A_248 = tpu.memref_slice %arg15[%dma_wait3A_247] : memref<151552xf32, #tpu.memory_space<vmem_shared>> -> memref<151552xf32, #tpu.memory_space<vmem_shared>>
    tpu.wait_indirect_dma semaphore(%arg16 : memref<!tpu.dma_semaphore, #tpu.memory_space<semaphore_mem>>) src(%dma_wait3A_244 : memref<2688xf32, #tpu.memory_space<vmem>>) dst(%dma_wait3A_248 : memref<151552xf32, #tpu.memory_space<vmem_shared>>)
    %dma_wait3A_249 = arith.constant 6528 : i32
    %dma_wait3A_250 = tpu.memref_slice %arg10[%dma_wait3A_249] : memref<9216xf32, #tpu.memory_space<vmem>> -> memref<2688xf32, #tpu.memory_space<vmem>>
    %dma_wait3A_251 = arith.constant 6528 : i32
    %dma_wait3A_252 = tpu.memref_slice %arg6[%dma_wait3A_251] : memref<9216xi32, #tpu.memory_space<vmem>> -> memref<2688xi32, #tpu.memory_space<vmem>>
    %dma_wait3A_253 = arith.constant 0 : i32
    %dma_wait3A_254 = tpu.memref_slice %arg15[%dma_wait3A_253] : memref<151552xf32, #tpu.memory_space<vmem_shared>> -> memref<151552xf32, #tpu.memory_space<vmem_shared>>
    tpu.wait_indirect_dma semaphore(%arg16 : memref<!tpu.dma_semaphore, #tpu.memory_space<semaphore_mem>>) src(%dma_wait3A_250 : memref<2688xf32, #tpu.memory_space<vmem>>) dst(%dma_wait3A_254 : memref<151552xf32, #tpu.memory_space<vmem_shared>>)
    %dma_wait3A_255 = arith.constant 6528 : i32
    %dma_wait3A_256 = tpu.memref_slice %arg11[%dma_wait3A_255] : memref<9216xf32, #tpu.memory_space<vmem>> -> memref<2688xf32, #tpu.memory_space<vmem>>
    %dma_wait3A_257 = arith.constant 6528 : i32
    %dma_wait3A_258 = tpu.memref_slice %arg7[%dma_wait3A_257] : memref<9216xi32, #tpu.memory_space<vmem>> -> memref<2688xi32, #tpu.memory_space<vmem>>
    %dma_wait3A_259 = arith.constant 0 : i32
    %dma_wait3A_260 = tpu.memref_slice %arg15[%dma_wait3A_259] : memref<151552xf32, #tpu.memory_space<vmem_shared>> -> memref<151552xf32, #tpu.memory_space<vmem_shared>>
    tpu.wait_indirect_dma semaphore(%arg16 : memref<!tpu.dma_semaphore, #tpu.memory_space<semaphore_mem>>) src(%dma_wait3A_256 : memref<2688xf32, #tpu.memory_space<vmem>>) dst(%dma_wait3A_260 : memref<151552xf32, #tpu.memory_space<vmem_shared>>)
    %dma_wait3A_261 = arith.constant 6528 : i32
    %dma_wait3A_262 = tpu.memref_slice %arg12[%dma_wait3A_261] : memref<9216xf32, #tpu.memory_space<vmem>> -> memref<2688xf32, #tpu.memory_space<vmem>>
    %dma_wait3A_263 = arith.constant 6528 : i32
    %dma_wait3A_264 = tpu.memref_slice %arg8[%dma_wait3A_263] : memref<9216xi32, #tpu.memory_space<vmem>> -> memref<2688xi32, #tpu.memory_space<vmem>>
    %dma_wait3A_265 = arith.constant 0 : i32
    %dma_wait3A_266 = tpu.memref_slice %arg15[%dma_wait3A_265] : memref<151552xf32, #tpu.memory_space<vmem_shared>> -> memref<151552xf32, #tpu.memory_space<vmem_shared>>
    tpu.wait_indirect_dma semaphore(%arg16 : memref<!tpu.dma_semaphore, #tpu.memory_space<semaphore_mem>>) src(%dma_wait3A_262 : memref<2688xf32, #tpu.memory_space<vmem>>) dst(%dma_wait3A_266 : memref<151552xf32, #tpu.memory_space<vmem_shared>>)
    %barrier3A_267 = arith.constant 0 : index
    tpu.barrier barrier_id(%barrier3A_267)
    %mul3A_268 = arith.constant 9216 : i32
    %mul3A_269 = arith.muli %arg1, %mul3A_268 : i32
    %add3A_270 = arith.constant 0 : i32
    %add3A_271 = arith.addi %mul3A_269, %add3A_270 : i32
    %dma_start3A_272 = arith.constant 0 : i32
    %dma_start3A_273 = arith.constant 0 : i32
    %dma_start3A_274 = tpu.memref_slice %arg14[%dma_start3A_272, %dma_start3A_273] : memref<24x384xf32, #tpu.memory_space<vmem>> -> memref<1x384xf32, #tpu.memory_space<vmem>>
    %dma_start3A_275 = tpu.memref_squeeze %dma_start3A_274 : memref<1x384xf32, #tpu.memory_space<vmem>> -> memref<384xf32, #tpu.memory_space<vmem>>
    %dma_start3A_276 = tpu.memref_slice %arg15[%add3A_271] : memref<151552xf32, #tpu.memory_space<vmem_shared>> -> memref<384xf32, #tpu.memory_space<vmem_shared>>
    %dma_start3A_277 = arith.constant 0 : i32
    %dma_start3A_278 = tpu.memref_slice %arg14[%dma_start3A_272, %dma_start3A_277] : memref<24x384xf32, #tpu.memory_space<vmem>> -> memref<1x384xf32, #tpu.memory_space<vmem>>
    %dma_start3A_279 = tpu.memref_squeeze %dma_start3A_278 : memref<1x384xf32, #tpu.memory_space<vmem>> -> memref<384xf32, #tpu.memory_space<vmem>>
    %dma_start3A_280 = tpu.memref_slice %arg15[%add3A_271] : memref<151552xf32, #tpu.memory_space<vmem_shared>> -> memref<384xf32, #tpu.memory_space<vmem_shared>>
    tpu.enqueue_dma source(%dma_start3A_280 : memref<384xf32, #tpu.memory_space<vmem_shared>>) target(%dma_start3A_279 : memref<384xf32, #tpu.memory_space<vmem>>) target_semaphore(%arg16 : memref<!tpu.dma_semaphore, #tpu.memory_space<semaphore_mem>>)
    %mul3A_281 = arith.constant 9216 : i32
    %mul3A_282 = arith.muli %arg1, %mul3A_281 : i32
    %add3A_283 = arith.constant 384 : i32
    %add3A_284 = arith.addi %mul3A_282, %add3A_283 : i32
    %dma_start3A_285 = arith.constant 1 : i32
    %dma_start3A_286 = arith.constant 0 : i32
    %dma_start3A_287 = tpu.memref_slice %arg14[%dma_start3A_285, %dma_start3A_286] : memref<24x384xf32, #tpu.memory_space<vmem>> -> memref<1x384xf32, #tpu.memory_space<vmem>>
    %dma_start3A_288 = tpu.memref_squeeze %dma_start3A_287 : memref<1x384xf32, #tpu.memory_space<vmem>> -> memref<384xf32, #tpu.memory_space<vmem>>
    %dma_start3A_289 = tpu.memref_slice %arg15[%add3A_284] : memref<151552xf32, #tpu.memory_space<vmem_shared>> -> memref<384xf32, #tpu.memory_space<vmem_shared>>
    %dma_start3A_290 = arith.constant 0 : i32
    %dma_start3A_291 = tpu.memref_slice %arg14[%dma_start3A_285, %dma_start3A_290] : memref<24x384xf32, #tpu.memory_space<vmem>> -> memref<1x384xf32, #tpu.memory_space<vmem>>
    %dma_start3A_292 = tpu.memref_squeeze %dma_start3A_291 : memref<1x384xf32, #tpu.memory_space<vmem>> -> memref<384xf32, #tpu.memory_space<vmem>>
    %dma_start3A_293 = tpu.memref_slice %arg15[%add3A_284] : memref<151552xf32, #tpu.memory_space<vmem_shared>> -> memref<384xf32, #tpu.memory_space<vmem_shared>>
    tpu.enqueue_dma source(%dma_start3A_293 : memref<384xf32, #tpu.memory_space<vmem_shared>>) target(%dma_start3A_292 : memref<384xf32, #tpu.memory_space<vmem>>) target_semaphore(%arg16 : memref<!tpu.dma_semaphore, #tpu.memory_space<semaphore_mem>>)
    %mul3A_294 = arith.constant 9216 : i32
    %mul3A_295 = arith.muli %arg1, %mul3A_294 : i32
    %add3A_296 = arith.constant 768 : i32
    %add3A_297 = arith.addi %mul3A_295, %add3A_296 : i32
    %dma_start3A_298 = arith.constant 2 : i32
    %dma_start3A_299 = arith.constant 0 : i32
    %dma_start3A_300 = tpu.memref_slice %arg14[%dma_start3A_298, %dma_start3A_299] : memref<24x384xf32, #tpu.memory_space<vmem>> -> memref<1x384xf32, #tpu.memory_space<vmem>>
    %dma_start3A_301 = tpu.memref_squeeze %dma_start3A_300 : memref<1x384xf32, #tpu.memory_space<vmem>> -> memref<384xf32, #tpu.memory_space<vmem>>
    %dma_start3A_302 = tpu.memref_slice %arg15[%add3A_297] : memref<151552xf32, #tpu.memory_space<vmem_shared>> -> memref<384xf32, #tpu.memory_space<vmem_shared>>
    %dma_start3A_303 = arith.constant 0 : i32
    %dma_start3A_304 = tpu.memref_slice %arg14[%dma_start3A_298, %dma_start3A_303] : memref<24x384xf32, #tpu.memory_space<vmem>> -> memref<1x384xf32, #tpu.memory_space<vmem>>
    %dma_start3A_305 = tpu.memref_squeeze %dma_start3A_304 : memref<1x384xf32, #tpu.memory_space<vmem>> -> memref<384xf32, #tpu.memory_space<vmem>>
    %dma_start3A_306 = tpu.memref_slice %arg15[%add3A_297] : memref<151552xf32, #tpu.memory_space<vmem_shared>> -> memref<384xf32, #tpu.memory_space<vmem_shared>>
    tpu.enqueue_dma source(%dma_start3A_306 : memref<384xf32, #tpu.memory_space<vmem_shared>>) target(%dma_start3A_305 : memref<384xf32, #tpu.memory_space<vmem>>) target_semaphore(%arg16 : memref<!tpu.dma_semaphore, #tpu.memory_space<semaphore_mem>>)
    %mul3A_307 = arith.constant 9216 : i32
    %mul3A_308 = arith.muli %arg1, %mul3A_307 : i32
    %add3A_309 = arith.constant 1152 : i32
    %add3A_310 = arith.addi %mul3A_308, %add3A_309 : i32
    %dma_start3A_311 = arith.constant 3 : i32
    %dma_start3A_312 = arith.constant 0 : i32
    %dma_start3A_313 = tpu.memref_slice %arg14[%dma_start3A_311, %dma_start3A_312] : memref<24x384xf32, #tpu.memory_space<vmem>> -> memref<1x384xf32, #tpu.memory_space<vmem>>
    %dma_start3A_314 = tpu.memref_squeeze %dma_start3A_313 : memref<1x384xf32, #tpu.memory_space<vmem>> -> memref<384xf32, #tpu.memory_space<vmem>>
    %dma_start3A_315 = tpu.memref_slice %arg15[%add3A_310] : memref<151552xf32, #tpu.memory_space<vmem_shared>> -> memref<384xf32, #tpu.memory_space<vmem_shared>>
    %dma_start3A_316 = arith.constant 0 : i32
    %dma_start3A_317 = tpu.memref_slice %arg14[%dma_start3A_311, %dma_start3A_316] : memref<24x384xf32, #tpu.memory_space<vmem>> -> memref<1x384xf32, #tpu.memory_space<vmem>>
    %dma_start3A_318 = tpu.memref_squeeze %dma_start3A_317 : memref<1x384xf32, #tpu.memory_space<vmem>> -> memref<384xf32, #tpu.memory_space<vmem>>
    %dma_start3A_319 = tpu.memref_slice %arg15[%add3A_310] : memref<151552xf32, #tpu.memory_space<vmem_shared>> -> memref<384xf32, #tpu.memory_space<vmem_shared>>
    tpu.enqueue_dma source(%dma_start3A_319 : memref<384xf32, #tpu.memory_space<vmem_shared>>) target(%dma_start3A_318 : memref<384xf32, #tpu.memory_space<vmem>>) target_semaphore(%arg16 : memref<!tpu.dma_semaphore, #tpu.memory_space<semaphore_mem>>)
    %mul3A_320 = arith.constant 9216 : i32
    %mul3A_321 = arith.muli %arg1, %mul3A_320 : i32
    %add3A_322 = arith.constant 1536 : i32
    %add3A_323 = arith.addi %mul3A_321, %add3A_322 : i32
    %dma_start3A_324 = arith.constant 4 : i32
    %dma_start3A_325 = arith.constant 0 : i32
    %dma_start3A_326 = tpu.memref_slice %arg14[%dma_start3A_324, %dma_start3A_325] : memref<24x384xf32, #tpu.memory_space<vmem>> -> memref<1x384xf32, #tpu.memory_space<vmem>>
    %dma_start3A_327 = tpu.memref_squeeze %dma_start3A_326 : memref<1x384xf32, #tpu.memory_space<vmem>> -> memref<384xf32, #tpu.memory_space<vmem>>
    %dma_start3A_328 = tpu.memref_slice %arg15[%add3A_323] : memref<151552xf32, #tpu.memory_space<vmem_shared>> -> memref<384xf32, #tpu.memory_space<vmem_shared>>
    %dma_start3A_329 = arith.constant 0 : i32
    %dma_start3A_330 = tpu.memref_slice %arg14[%dma_start3A_324, %dma_start3A_329] : memref<24x384xf32, #tpu.memory_space<vmem>> -> memref<1x384xf32, #tpu.memory_space<vmem>>
    %dma_start3A_331 = tpu.memref_squeeze %dma_start3A_330 : memref<1x384xf32, #tpu.memory_space<vmem>> -> memref<384xf32, #tpu.memory_space<vmem>>
    %dma_start3A_332 = tpu.memref_slice %arg15[%add3A_323] : memref<151552xf32, #tpu.memory_space<vmem_shared>> -> memref<384xf32, #tpu.memory_space<vmem_shared>>
    tpu.enqueue_dma source(%dma_start3A_332 : memref<384xf32, #tpu.memory_space<vmem_shared>>) target(%dma_start3A_331 : memref<384xf32, #tpu.memory_space<vmem>>) target_semaphore(%arg16 : memref<!tpu.dma_semaphore, #tpu.memory_space<semaphore_mem>>)
    %mul3A_333 = arith.constant 9216 : i32
    %mul3A_334 = arith.muli %arg1, %mul3A_333 : i32
    %add3A_335 = arith.constant 1920 : i32
    %add3A_336 = arith.addi %mul3A_334, %add3A_335 : i32
    %dma_start3A_337 = arith.constant 5 : i32
    %dma_start3A_338 = arith.constant 0 : i32
    %dma_start3A_339 = tpu.memref_slice %arg14[%dma_start3A_337, %dma_start3A_338] : memref<24x384xf32, #tpu.memory_space<vmem>> -> memref<1x384xf32, #tpu.memory_space<vmem>>
    %dma_start3A_340 = tpu.memref_squeeze %dma_start3A_339 : memref<1x384xf32, #tpu.memory_space<vmem>> -> memref<384xf32, #tpu.memory_space<vmem>>
    %dma_start3A_341 = tpu.memref_slice %arg15[%add3A_336] : memref<151552xf32, #tpu.memory_space<vmem_shared>> -> memref<384xf32, #tpu.memory_space<vmem_shared>>
    %dma_start3A_342 = arith.constant 0 : i32
    %dma_start3A_343 = tpu.memref_slice %arg14[%dma_start3A_337, %dma_start3A_342] : memref<24x384xf32, #tpu.memory_space<vmem>> -> memref<1x384xf32, #tpu.memory_space<vmem>>
    %dma_start3A_344 = tpu.memref_squeeze %dma_start3A_343 : memref<1x384xf32, #tpu.memory_space<vmem>> -> memref<384xf32, #tpu.memory_space<vmem>>
    %dma_start3A_345 = tpu.memref_slice %arg15[%add3A_336] : memref<151552xf32, #tpu.memory_space<vmem_shared>> -> memref<384xf32, #tpu.memory_space<vmem_shared>>
    tpu.enqueue_dma source(%dma_start3A_345 : memref<384xf32, #tpu.memory_space<vmem_shared>>) target(%dma_start3A_344 : memref<384xf32, #tpu.memory_space<vmem>>) target_semaphore(%arg16 : memref<!tpu.dma_semaphore, #tpu.memory_space<semaphore_mem>>)
    %mul3A_346 = arith.constant 9216 : i32
    %mul3A_347 = arith.muli %arg1, %mul3A_346 : i32
    %add3A_348 = arith.constant 2304 : i32
    %add3A_349 = arith.addi %mul3A_347, %add3A_348 : i32
    %dma_start3A_350 = arith.constant 6 : i32
    %dma_start3A_351 = arith.constant 0 : i32
    %dma_start3A_352 = tpu.memref_slice %arg14[%dma_start3A_350, %dma_start3A_351] : memref<24x384xf32, #tpu.memory_space<vmem>> -> memref<1x384xf32, #tpu.memory_space<vmem>>
    %dma_start3A_353 = tpu.memref_squeeze %dma_start3A_352 : memref<1x384xf32, #tpu.memory_space<vmem>> -> memref<384xf32, #tpu.memory_space<vmem>>
    %dma_start3A_354 = tpu.memref_slice %arg15[%add3A_349] : memref<151552xf32, #tpu.memory_space<vmem_shared>> -> memref<384xf32, #tpu.memory_space<vmem_shared>>
    %dma_start3A_355 = arith.constant 0 : i32
    %dma_start3A_356 = tpu.memref_slice %arg14[%dma_start3A_350, %dma_start3A_355] : memref<24x384xf32, #tpu.memory_space<vmem>> -> memref<1x384xf32, #tpu.memory_space<vmem>>
    %dma_start3A_357 = tpu.memref_squeeze %dma_start3A_356 : memref<1x384xf32, #tpu.memory_space<vmem>> -> memref<384xf32, #tpu.memory_space<vmem>>
    %dma_start3A_358 = tpu.memref_slice %arg15[%add3A_349] : memref<151552xf32, #tpu.memory_space<vmem_shared>> -> memref<384xf32, #tpu.memory_space<vmem_shared>>
    tpu.enqueue_dma source(%dma_start3A_358 : memref<384xf32, #tpu.memory_space<vmem_shared>>) target(%dma_start3A_357 : memref<384xf32, #tpu.memory_space<vmem>>) target_semaphore(%arg16 : memref<!tpu.dma_semaphore, #tpu.memory_space<semaphore_mem>>)
    %mul3A_359 = arith.constant 9216 : i32
    %mul3A_360 = arith.muli %arg1, %mul3A_359 : i32
    %add3A_361 = arith.constant 2688 : i32
    %add3A_362 = arith.addi %mul3A_360, %add3A_361 : i32
    %dma_start3A_363 = arith.constant 7 : i32
    %dma_start3A_364 = arith.constant 0 : i32
    %dma_start3A_365 = tpu.memref_slice %arg14[%dma_start3A_363, %dma_start3A_364] : memref<24x384xf32, #tpu.memory_space<vmem>> -> memref<1x384xf32, #tpu.memory_space<vmem>>
    %dma_start3A_366 = tpu.memref_squeeze %dma_start3A_365 : memref<1x384xf32, #tpu.memory_space<vmem>> -> memref<384xf32, #tpu.memory_space<vmem>>
    %dma_start3A_367 = tpu.memref_slice %arg15[%add3A_362] : memref<151552xf32, #tpu.memory_space<vmem_shared>> -> memref<384xf32, #tpu.memory_space<vmem_shared>>
    %dma_start3A_368 = arith.constant 0 : i32
    %dma_start3A_369 = tpu.memref_slice %arg14[%dma_start3A_363, %dma_start3A_368] : memref<24x384xf32, #tpu.memory_space<vmem>> -> memref<1x384xf32, #tpu.memory_space<vmem>>
    %dma_start3A_370 = tpu.memref_squeeze %dma_start3A_369 : memref<1x384xf32, #tpu.memory_space<vmem>> -> memref<384xf32, #tpu.memory_space<vmem>>
    %dma_start3A_371 = tpu.memref_slice %arg15[%add3A_362] : memref<151552xf32, #tpu.memory_space<vmem_shared>> -> memref<384xf32, #tpu.memory_space<vmem_shared>>
    tpu.enqueue_dma source(%dma_start3A_371 : memref<384xf32, #tpu.memory_space<vmem_shared>>) target(%dma_start3A_370 : memref<384xf32, #tpu.memory_space<vmem>>) target_semaphore(%arg16 : memref<!tpu.dma_semaphore, #tpu.memory_space<semaphore_mem>>)
    %mul3A_372 = arith.constant 9216 : i32
    %mul3A_373 = arith.muli %arg1, %mul3A_372 : i32
    %add3A_374 = arith.constant 3072 : i32
    %add3A_375 = arith.addi %mul3A_373, %add3A_374 : i32
    %dma_start3A_376 = arith.constant 8 : i32
    %dma_start3A_377 = arith.constant 0 : i32
    %dma_start3A_378 = tpu.memref_slice %arg14[%dma_start3A_376, %dma_start3A_377] : memref<24x384xf32, #tpu.memory_space<vmem>> -> memref<1x384xf32, #tpu.memory_space<vmem>>
    %dma_start3A_379 = tpu.memref_squeeze %dma_start3A_378 : memref<1x384xf32, #tpu.memory_space<vmem>> -> memref<384xf32, #tpu.memory_space<vmem>>
    %dma_start3A_380 = tpu.memref_slice %arg15[%add3A_375] : memref<151552xf32, #tpu.memory_space<vmem_shared>> -> memref<384xf32, #tpu.memory_space<vmem_shared>>
    %dma_start3A_381 = arith.constant 0 : i32
    %dma_start3A_382 = tpu.memref_slice %arg14[%dma_start3A_376, %dma_start3A_381] : memref<24x384xf32, #tpu.memory_space<vmem>> -> memref<1x384xf32, #tpu.memory_space<vmem>>
    %dma_start3A_383 = tpu.memref_squeeze %dma_start3A_382 : memref<1x384xf32, #tpu.memory_space<vmem>> -> memref<384xf32, #tpu.memory_space<vmem>>
    %dma_start3A_384 = tpu.memref_slice %arg15[%add3A_375] : memref<151552xf32, #tpu.memory_space<vmem_shared>> -> memref<384xf32, #tpu.memory_space<vmem_shared>>
    tpu.enqueue_dma source(%dma_start3A_384 : memref<384xf32, #tpu.memory_space<vmem_shared>>) target(%dma_start3A_383 : memref<384xf32, #tpu.memory_space<vmem>>) target_semaphore(%arg16 : memref<!tpu.dma_semaphore, #tpu.memory_space<semaphore_mem>>)
    %mul3A_385 = arith.constant 9216 : i32
    %mul3A_386 = arith.muli %arg1, %mul3A_385 : i32
    %add3A_387 = arith.constant 3456 : i32
    %add3A_388 = arith.addi %mul3A_386, %add3A_387 : i32
    %dma_start3A_389 = arith.constant 9 : i32
    %dma_start3A_390 = arith.constant 0 : i32
    %dma_start3A_391 = tpu.memref_slice %arg14[%dma_start3A_389, %dma_start3A_390] : memref<24x384xf32, #tpu.memory_space<vmem>> -> memref<1x384xf32, #tpu.memory_space<vmem>>
    %dma_start3A_392 = tpu.memref_squeeze %dma_start3A_391 : memref<1x384xf32, #tpu.memory_space<vmem>> -> memref<384xf32, #tpu.memory_space<vmem>>
    %dma_start3A_393 = tpu.memref_slice %arg15[%add3A_388] : memref<151552xf32, #tpu.memory_space<vmem_shared>> -> memref<384xf32, #tpu.memory_space<vmem_shared>>
    %dma_start3A_394 = arith.constant 0 : i32
    %dma_start3A_395 = tpu.memref_slice %arg14[%dma_start3A_389, %dma_start3A_394] : memref<24x384xf32, #tpu.memory_space<vmem>> -> memref<1x384xf32, #tpu.memory_space<vmem>>
    %dma_start3A_396 = tpu.memref_squeeze %dma_start3A_395 : memref<1x384xf32, #tpu.memory_space<vmem>> -> memref<384xf32, #tpu.memory_space<vmem>>
    %dma_start3A_397 = tpu.memref_slice %arg15[%add3A_388] : memref<151552xf32, #tpu.memory_space<vmem_shared>> -> memref<384xf32, #tpu.memory_space<vmem_shared>>
    tpu.enqueue_dma source(%dma_start3A_397 : memref<384xf32, #tpu.memory_space<vmem_shared>>) target(%dma_start3A_396 : memref<384xf32, #tpu.memory_space<vmem>>) target_semaphore(%arg16 : memref<!tpu.dma_semaphore, #tpu.memory_space<semaphore_mem>>)
    %mul3A_398 = arith.constant 9216 : i32
    %mul3A_399 = arith.muli %arg1, %mul3A_398 : i32
    %add3A_400 = arith.constant 3840 : i32
    %add3A_401 = arith.addi %mul3A_399, %add3A_400 : i32
    %dma_start3A_402 = arith.constant 10 : i32
    %dma_start3A_403 = arith.constant 0 : i32
    %dma_start3A_404 = tpu.memref_slice %arg14[%dma_start3A_402, %dma_start3A_403] : memref<24x384xf32, #tpu.memory_space<vmem>> -> memref<1x384xf32, #tpu.memory_space<vmem>>
    %dma_start3A_405 = tpu.memref_squeeze %dma_start3A_404 : memref<1x384xf32, #tpu.memory_space<vmem>> -> memref<384xf32, #tpu.memory_space<vmem>>
    %dma_start3A_406 = tpu.memref_slice %arg15[%add3A_401] : memref<151552xf32, #tpu.memory_space<vmem_shared>> -> memref<384xf32, #tpu.memory_space<vmem_shared>>
    %dma_start3A_407 = arith.constant 0 : i32
    %dma_start3A_408 = tpu.memref_slice %arg14[%dma_start3A_402, %dma_start3A_407] : memref<24x384xf32, #tpu.memory_space<vmem>> -> memref<1x384xf32, #tpu.memory_space<vmem>>
    %dma_start3A_409 = tpu.memref_squeeze %dma_start3A_408 : memref<1x384xf32, #tpu.memory_space<vmem>> -> memref<384xf32, #tpu.memory_space<vmem>>
    %dma_start3A_410 = tpu.memref_slice %arg15[%add3A_401] : memref<151552xf32, #tpu.memory_space<vmem_shared>> -> memref<384xf32, #tpu.memory_space<vmem_shared>>
    tpu.enqueue_dma source(%dma_start3A_410 : memref<384xf32, #tpu.memory_space<vmem_shared>>) target(%dma_start3A_409 : memref<384xf32, #tpu.memory_space<vmem>>) target_semaphore(%arg16 : memref<!tpu.dma_semaphore, #tpu.memory_space<semaphore_mem>>)
    %mul3A_411 = arith.constant 9216 : i32
    %mul3A_412 = arith.muli %arg1, %mul3A_411 : i32
    %add3A_413 = arith.constant 4224 : i32
    %add3A_414 = arith.addi %mul3A_412, %add3A_413 : i32
    %dma_start3A_415 = arith.constant 11 : i32
    %dma_start3A_416 = arith.constant 0 : i32
    %dma_start3A_417 = tpu.memref_slice %arg14[%dma_start3A_415, %dma_start3A_416] : memref<24x384xf32, #tpu.memory_space<vmem>> -> memref<1x384xf32, #tpu.memory_space<vmem>>
    %dma_start3A_418 = tpu.memref_squeeze %dma_start3A_417 : memref<1x384xf32, #tpu.memory_space<vmem>> -> memref<384xf32, #tpu.memory_space<vmem>>
    %dma_start3A_419 = tpu.memref_slice %arg15[%add3A_414] : memref<151552xf32, #tpu.memory_space<vmem_shared>> -> memref<384xf32, #tpu.memory_space<vmem_shared>>
    %dma_start3A_420 = arith.constant 0 : i32
    %dma_start3A_421 = tpu.memref_slice %arg14[%dma_start3A_415, %dma_start3A_420] : memref<24x384xf32, #tpu.memory_space<vmem>> -> memref<1x384xf32, #tpu.memory_space<vmem>>
    %dma_start3A_422 = tpu.memref_squeeze %dma_start3A_421 : memref<1x384xf32, #tpu.memory_space<vmem>> -> memref<384xf32, #tpu.memory_space<vmem>>
    %dma_start3A_423 = tpu.memref_slice %arg15[%add3A_414] : memref<151552xf32, #tpu.memory_space<vmem_shared>> -> memref<384xf32, #tpu.memory_space<vmem_shared>>
    tpu.enqueue_dma source(%dma_start3A_423 : memref<384xf32, #tpu.memory_space<vmem_shared>>) target(%dma_start3A_422 : memref<384xf32, #tpu.memory_space<vmem>>) target_semaphore(%arg16 : memref<!tpu.dma_semaphore, #tpu.memory_space<semaphore_mem>>)
    %mul3A_424 = arith.constant 9216 : i32
    %mul3A_425 = arith.muli %arg1, %mul3A_424 : i32
    %add3A_426 = arith.constant 4608 : i32
    %add3A_427 = arith.addi %mul3A_425, %add3A_426 : i32
    %dma_start3A_428 = arith.constant 12 : i32
    %dma_start3A_429 = arith.constant 0 : i32
    %dma_start3A_430 = tpu.memref_slice %arg14[%dma_start3A_428, %dma_start3A_429] : memref<24x384xf32, #tpu.memory_space<vmem>> -> memref<1x384xf32, #tpu.memory_space<vmem>>
    %dma_start3A_431 = tpu.memref_squeeze %dma_start3A_430 : memref<1x384xf32, #tpu.memory_space<vmem>> -> memref<384xf32, #tpu.memory_space<vmem>>
    %dma_start3A_432 = tpu.memref_slice %arg15[%add3A_427] : memref<151552xf32, #tpu.memory_space<vmem_shared>> -> memref<384xf32, #tpu.memory_space<vmem_shared>>
    %dma_start3A_433 = arith.constant 0 : i32
    %dma_start3A_434 = tpu.memref_slice %arg14[%dma_start3A_428, %dma_start3A_433] : memref<24x384xf32, #tpu.memory_space<vmem>> -> memref<1x384xf32, #tpu.memory_space<vmem>>
    %dma_start3A_435 = tpu.memref_squeeze %dma_start3A_434 : memref<1x384xf32, #tpu.memory_space<vmem>> -> memref<384xf32, #tpu.memory_space<vmem>>
    %dma_start3A_436 = tpu.memref_slice %arg15[%add3A_427] : memref<151552xf32, #tpu.memory_space<vmem_shared>> -> memref<384xf32, #tpu.memory_space<vmem_shared>>
    tpu.enqueue_dma source(%dma_start3A_436 : memref<384xf32, #tpu.memory_space<vmem_shared>>) target(%dma_start3A_435 : memref<384xf32, #tpu.memory_space<vmem>>) target_semaphore(%arg16 : memref<!tpu.dma_semaphore, #tpu.memory_space<semaphore_mem>>)
    %mul3A_437 = arith.constant 9216 : i32
    %mul3A_438 = arith.muli %arg1, %mul3A_437 : i32
    %add3A_439 = arith.constant 4992 : i32
    %add3A_440 = arith.addi %mul3A_438, %add3A_439 : i32
    %dma_start3A_441 = arith.constant 13 : i32
    %dma_start3A_442 = arith.constant 0 : i32
    %dma_start3A_443 = tpu.memref_slice %arg14[%dma_start3A_441, %dma_start3A_442] : memref<24x384xf32, #tpu.memory_space<vmem>> -> memref<1x384xf32, #tpu.memory_space<vmem>>
    %dma_start3A_444 = tpu.memref_squeeze %dma_start3A_443 : memref<1x384xf32, #tpu.memory_space<vmem>> -> memref<384xf32, #tpu.memory_space<vmem>>
    %dma_start3A_445 = tpu.memref_slice %arg15[%add3A_440] : memref<151552xf32, #tpu.memory_space<vmem_shared>> -> memref<384xf32, #tpu.memory_space<vmem_shared>>
    %dma_start3A_446 = arith.constant 0 : i32
    %dma_start3A_447 = tpu.memref_slice %arg14[%dma_start3A_441, %dma_start3A_446] : memref<24x384xf32, #tpu.memory_space<vmem>> -> memref<1x384xf32, #tpu.memory_space<vmem>>
    %dma_start3A_448 = tpu.memref_squeeze %dma_start3A_447 : memref<1x384xf32, #tpu.memory_space<vmem>> -> memref<384xf32, #tpu.memory_space<vmem>>
    %dma_start3A_449 = tpu.memref_slice %arg15[%add3A_440] : memref<151552xf32, #tpu.memory_space<vmem_shared>> -> memref<384xf32, #tpu.memory_space<vmem_shared>>
    tpu.enqueue_dma source(%dma_start3A_449 : memref<384xf32, #tpu.memory_space<vmem_shared>>) target(%dma_start3A_448 : memref<384xf32, #tpu.memory_space<vmem>>) target_semaphore(%arg16 : memref<!tpu.dma_semaphore, #tpu.memory_space<semaphore_mem>>)
    %mul3A_450 = arith.constant 9216 : i32
    %mul3A_451 = arith.muli %arg1, %mul3A_450 : i32
    %add3A_452 = arith.constant 5376 : i32
    %add3A_453 = arith.addi %mul3A_451, %add3A_452 : i32
    %dma_start3A_454 = arith.constant 14 : i32
    %dma_start3A_455 = arith.constant 0 : i32
    %dma_start3A_456 = tpu.memref_slice %arg14[%dma_start3A_454, %dma_start3A_455] : memref<24x384xf32, #tpu.memory_space<vmem>> -> memref<1x384xf32, #tpu.memory_space<vmem>>
    %dma_start3A_457 = tpu.memref_squeeze %dma_start3A_456 : memref<1x384xf32, #tpu.memory_space<vmem>> -> memref<384xf32, #tpu.memory_space<vmem>>
    %dma_start3A_458 = tpu.memref_slice %arg15[%add3A_453] : memref<151552xf32, #tpu.memory_space<vmem_shared>> -> memref<384xf32, #tpu.memory_space<vmem_shared>>
    %dma_start3A_459 = arith.constant 0 : i32
    %dma_start3A_460 = tpu.memref_slice %arg14[%dma_start3A_454, %dma_start3A_459] : memref<24x384xf32, #tpu.memory_space<vmem>> -> memref<1x384xf32, #tpu.memory_space<vmem>>
    %dma_start3A_461 = tpu.memref_squeeze %dma_start3A_460 : memref<1x384xf32, #tpu.memory_space<vmem>> -> memref<384xf32, #tpu.memory_space<vmem>>
    %dma_start3A_462 = tpu.memref_slice %arg15[%add3A_453] : memref<151552xf32, #tpu.memory_space<vmem_shared>> -> memref<384xf32, #tpu.memory_space<vmem_shared>>
    tpu.enqueue_dma source(%dma_start3A_462 : memref<384xf32, #tpu.memory_space<vmem_shared>>) target(%dma_start3A_461 : memref<384xf32, #tpu.memory_space<vmem>>) target_semaphore(%arg16 : memref<!tpu.dma_semaphore, #tpu.memory_space<semaphore_mem>>)
    %mul3A_463 = arith.constant 9216 : i32
    %mul3A_464 = arith.muli %arg1, %mul3A_463 : i32
    %add3A_465 = arith.constant 5760 : i32
    %add3A_466 = arith.addi %mul3A_464, %add3A_465 : i32
    %dma_start3A_467 = arith.constant 15 : i32
    %dma_start3A_468 = arith.constant 0 : i32
    %dma_start3A_469 = tpu.memref_slice %arg14[%dma_start3A_467, %dma_start3A_468] : memref<24x384xf32, #tpu.memory_space<vmem>> -> memref<1x384xf32, #tpu.memory_space<vmem>>
    %dma_start3A_470 = tpu.memref_squeeze %dma_start3A_469 : memref<1x384xf32, #tpu.memory_space<vmem>> -> memref<384xf32, #tpu.memory_space<vmem>>
    %dma_start3A_471 = tpu.memref_slice %arg15[%add3A_466] : memref<151552xf32, #tpu.memory_space<vmem_shared>> -> memref<384xf32, #tpu.memory_space<vmem_shared>>
    %dma_start3A_472 = arith.constant 0 : i32
    %dma_start3A_473 = tpu.memref_slice %arg14[%dma_start3A_467, %dma_start3A_472] : memref<24x384xf32, #tpu.memory_space<vmem>> -> memref<1x384xf32, #tpu.memory_space<vmem>>
    %dma_start3A_474 = tpu.memref_squeeze %dma_start3A_473 : memref<1x384xf32, #tpu.memory_space<vmem>> -> memref<384xf32, #tpu.memory_space<vmem>>
    %dma_start3A_475 = tpu.memref_slice %arg15[%add3A_466] : memref<151552xf32, #tpu.memory_space<vmem_shared>> -> memref<384xf32, #tpu.memory_space<vmem_shared>>
    tpu.enqueue_dma source(%dma_start3A_475 : memref<384xf32, #tpu.memory_space<vmem_shared>>) target(%dma_start3A_474 : memref<384xf32, #tpu.memory_space<vmem>>) target_semaphore(%arg16 : memref<!tpu.dma_semaphore, #tpu.memory_space<semaphore_mem>>)
    %mul3A_476 = arith.constant 9216 : i32
    %mul3A_477 = arith.muli %arg1, %mul3A_476 : i32
    %add3A_478 = arith.constant 6144 : i32
    %add3A_479 = arith.addi %mul3A_477, %add3A_478 : i32
    %dma_start3A_480 = arith.constant 16 : i32
    %dma_start3A_481 = arith.constant 0 : i32
    %dma_start3A_482 = tpu.memref_slice %arg14[%dma_start3A_480, %dma_start3A_481] : memref<24x384xf32, #tpu.memory_space<vmem>> -> memref<1x384xf32, #tpu.memory_space<vmem>>
    %dma_start3A_483 = tpu.memref_squeeze %dma_start3A_482 : memref<1x384xf32, #tpu.memory_space<vmem>> -> memref<384xf32, #tpu.memory_space<vmem>>
    %dma_start3A_484 = tpu.memref_slice %arg15[%add3A_479] : memref<151552xf32, #tpu.memory_space<vmem_shared>> -> memref<384xf32, #tpu.memory_space<vmem_shared>>
    %dma_start3A_485 = arith.constant 0 : i32
    %dma_start3A_486 = tpu.memref_slice %arg14[%dma_start3A_480, %dma_start3A_485] : memref<24x384xf32, #tpu.memory_space<vmem>> -> memref<1x384xf32, #tpu.memory_space<vmem>>
    %dma_start3A_487 = tpu.memref_squeeze %dma_start3A_486 : memref<1x384xf32, #tpu.memory_space<vmem>> -> memref<384xf32, #tpu.memory_space<vmem>>
    %dma_start3A_488 = tpu.memref_slice %arg15[%add3A_479] : memref<151552xf32, #tpu.memory_space<vmem_shared>> -> memref<384xf32, #tpu.memory_space<vmem_shared>>
    tpu.enqueue_dma source(%dma_start3A_488 : memref<384xf32, #tpu.memory_space<vmem_shared>>) target(%dma_start3A_487 : memref<384xf32, #tpu.memory_space<vmem>>) target_semaphore(%arg16 : memref<!tpu.dma_semaphore, #tpu.memory_space<semaphore_mem>>)
    %mul3A_489 = arith.constant 9216 : i32
    %mul3A_490 = arith.muli %arg1, %mul3A_489 : i32
    %add3A_491 = arith.constant 6528 : i32
    %add3A_492 = arith.addi %mul3A_490, %add3A_491 : i32
    %dma_start3A_493 = arith.constant 17 : i32
    %dma_start3A_494 = arith.constant 0 : i32
    %dma_start3A_495 = tpu.memref_slice %arg14[%dma_start3A_493, %dma_start3A_494] : memref<24x384xf32, #tpu.memory_space<vmem>> -> memref<1x384xf32, #tpu.memory_space<vmem>>
    %dma_start3A_496 = tpu.memref_squeeze %dma_start3A_495 : memref<1x384xf32, #tpu.memory_space<vmem>> -> memref<384xf32, #tpu.memory_space<vmem>>
    %dma_start3A_497 = tpu.memref_slice %arg15[%add3A_492] : memref<151552xf32, #tpu.memory_space<vmem_shared>> -> memref<384xf32, #tpu.memory_space<vmem_shared>>
    %dma_start3A_498 = arith.constant 0 : i32
    %dma_start3A_499 = tpu.memref_slice %arg14[%dma_start3A_493, %dma_start3A_498] : memref<24x384xf32, #tpu.memory_space<vmem>> -> memref<1x384xf32, #tpu.memory_space<vmem>>
    %dma_start3A_500 = tpu.memref_squeeze %dma_start3A_499 : memref<1x384xf32, #tpu.memory_space<vmem>> -> memref<384xf32, #tpu.memory_space<vmem>>
    %dma_start3A_501 = tpu.memref_slice %arg15[%add3A_492] : memref<151552xf32, #tpu.memory_space<vmem_shared>> -> memref<384xf32, #tpu.memory_space<vmem_shared>>
    tpu.enqueue_dma source(%dma_start3A_501 : memref<384xf32, #tpu.memory_space<vmem_shared>>) target(%dma_start3A_500 : memref<384xf32, #tpu.memory_space<vmem>>) target_semaphore(%arg16 : memref<!tpu.dma_semaphore, #tpu.memory_space<semaphore_mem>>)
    %mul3A_502 = arith.constant 9216 : i32
    %mul3A_503 = arith.muli %arg1, %mul3A_502 : i32
    %add3A_504 = arith.constant 6912 : i32
    %add3A_505 = arith.addi %mul3A_503, %add3A_504 : i32
    %dma_start3A_506 = arith.constant 18 : i32
    %dma_start3A_507 = arith.constant 0 : i32
    %dma_start3A_508 = tpu.memref_slice %arg14[%dma_start3A_506, %dma_start3A_507] : memref<24x384xf32, #tpu.memory_space<vmem>> -> memref<1x384xf32, #tpu.memory_space<vmem>>
    %dma_start3A_509 = tpu.memref_squeeze %dma_start3A_508 : memref<1x384xf32, #tpu.memory_space<vmem>> -> memref<384xf32, #tpu.memory_space<vmem>>
    %dma_start3A_510 = tpu.memref_slice %arg15[%add3A_505] : memref<151552xf32, #tpu.memory_space<vmem_shared>> -> memref<384xf32, #tpu.memory_space<vmem_shared>>
    %dma_start3A_511 = arith.constant 0 : i32
    %dma_start3A_512 = tpu.memref_slice %arg14[%dma_start3A_506, %dma_start3A_511] : memref<24x384xf32, #tpu.memory_space<vmem>> -> memref<1x384xf32, #tpu.memory_space<vmem>>
    %dma_start3A_513 = tpu.memref_squeeze %dma_start3A_512 : memref<1x384xf32, #tpu.memory_space<vmem>> -> memref<384xf32, #tpu.memory_space<vmem>>
    %dma_start3A_514 = tpu.memref_slice %arg15[%add3A_505] : memref<151552xf32, #tpu.memory_space<vmem_shared>> -> memref<384xf32, #tpu.memory_space<vmem_shared>>
    tpu.enqueue_dma source(%dma_start3A_514 : memref<384xf32, #tpu.memory_space<vmem_shared>>) target(%dma_start3A_513 : memref<384xf32, #tpu.memory_space<vmem>>) target_semaphore(%arg16 : memref<!tpu.dma_semaphore, #tpu.memory_space<semaphore_mem>>)
    %mul3A_515 = arith.constant 9216 : i32
    %mul3A_516 = arith.muli %arg1, %mul3A_515 : i32
    %add3A_517 = arith.constant 7296 : i32
    %add3A_518 = arith.addi %mul3A_516, %add3A_517 : i32
    %dma_start3A_519 = arith.constant 19 : i32
    %dma_start3A_520 = arith.constant 0 : i32
    %dma_start3A_521 = tpu.memref_slice %arg14[%dma_start3A_519, %dma_start3A_520] : memref<24x384xf32, #tpu.memory_space<vmem>> -> memref<1x384xf32, #tpu.memory_space<vmem>>
    %dma_start3A_522 = tpu.memref_squeeze %dma_start3A_521 : memref<1x384xf32, #tpu.memory_space<vmem>> -> memref<384xf32, #tpu.memory_space<vmem>>
    %dma_start3A_523 = tpu.memref_slice %arg15[%add3A_518] : memref<151552xf32, #tpu.memory_space<vmem_shared>> -> memref<384xf32, #tpu.memory_space<vmem_shared>>
    %dma_start3A_524 = arith.constant 0 : i32
    %dma_start3A_525 = tpu.memref_slice %arg14[%dma_start3A_519, %dma_start3A_524] : memref<24x384xf32, #tpu.memory_space<vmem>> -> memref<1x384xf32, #tpu.memory_space<vmem>>
    %dma_start3A_526 = tpu.memref_squeeze %dma_start3A_525 : memref<1x384xf32, #tpu.memory_space<vmem>> -> memref<384xf32, #tpu.memory_space<vmem>>
    %dma_start3A_527 = tpu.memref_slice %arg15[%add3A_518] : memref<151552xf32, #tpu.memory_space<vmem_shared>> -> memref<384xf32, #tpu.memory_space<vmem_shared>>
    tpu.enqueue_dma source(%dma_start3A_527 : memref<384xf32, #tpu.memory_space<vmem_shared>>) target(%dma_start3A_526 : memref<384xf32, #tpu.memory_space<vmem>>) target_semaphore(%arg16 : memref<!tpu.dma_semaphore, #tpu.memory_space<semaphore_mem>>)
    %mul3A_528 = arith.constant 9216 : i32
    %mul3A_529 = arith.muli %arg1, %mul3A_528 : i32
    %add3A_530 = arith.constant 7680 : i32
    %add3A_531 = arith.addi %mul3A_529, %add3A_530 : i32
    %dma_start3A_532 = arith.constant 20 : i32
    %dma_start3A_533 = arith.constant 0 : i32
    %dma_start3A_534 = tpu.memref_slice %arg14[%dma_start3A_532, %dma_start3A_533] : memref<24x384xf32, #tpu.memory_space<vmem>> -> memref<1x384xf32, #tpu.memory_space<vmem>>
    %dma_start3A_535 = tpu.memref_squeeze %dma_start3A_534 : memref<1x384xf32, #tpu.memory_space<vmem>> -> memref<384xf32, #tpu.memory_space<vmem>>
    %dma_start3A_536 = tpu.memref_slice %arg15[%add3A_531] : memref<151552xf32, #tpu.memory_space<vmem_shared>> -> memref<384xf32, #tpu.memory_space<vmem_shared>>
    %dma_start3A_537 = arith.constant 0 : i32
    %dma_start3A_538 = tpu.memref_slice %arg14[%dma_start3A_532, %dma_start3A_537] : memref<24x384xf32, #tpu.memory_space<vmem>> -> memref<1x384xf32, #tpu.memory_space<vmem>>
    %dma_start3A_539 = tpu.memref_squeeze %dma_start3A_538 : memref<1x384xf32, #tpu.memory_space<vmem>> -> memref<384xf32, #tpu.memory_space<vmem>>
    %dma_start3A_540 = tpu.memref_slice %arg15[%add3A_531] : memref<151552xf32, #tpu.memory_space<vmem_shared>> -> memref<384xf32, #tpu.memory_space<vmem_shared>>
    tpu.enqueue_dma source(%dma_start3A_540 : memref<384xf32, #tpu.memory_space<vmem_shared>>) target(%dma_start3A_539 : memref<384xf32, #tpu.memory_space<vmem>>) target_semaphore(%arg16 : memref<!tpu.dma_semaphore, #tpu.memory_space<semaphore_mem>>)
    %mul3A_541 = arith.constant 9216 : i32
    %mul3A_542 = arith.muli %arg1, %mul3A_541 : i32
    %add3A_543 = arith.constant 8064 : i32
    %add3A_544 = arith.addi %mul3A_542, %add3A_543 : i32
    %dma_start3A_545 = arith.constant 21 : i32
    %dma_start3A_546 = arith.constant 0 : i32
    %dma_start3A_547 = tpu.memref_slice %arg14[%dma_start3A_545, %dma_start3A_546] : memref<24x384xf32, #tpu.memory_space<vmem>> -> memref<1x384xf32, #tpu.memory_space<vmem>>
    %dma_start3A_548 = tpu.memref_squeeze %dma_start3A_547 : memref<1x384xf32, #tpu.memory_space<vmem>> -> memref<384xf32, #tpu.memory_space<vmem>>
    %dma_start3A_549 = tpu.memref_slice %arg15[%add3A_544] : memref<151552xf32, #tpu.memory_space<vmem_shared>> -> memref<384xf32, #tpu.memory_space<vmem_shared>>
    %dma_start3A_550 = arith.constant 0 : i32
    %dma_start3A_551 = tpu.memref_slice %arg14[%dma_start3A_545, %dma_start3A_550] : memref<24x384xf32, #tpu.memory_space<vmem>> -> memref<1x384xf32, #tpu.memory_space<vmem>>
    %dma_start3A_552 = tpu.memref_squeeze %dma_start3A_551 : memref<1x384xf32, #tpu.memory_space<vmem>> -> memref<384xf32, #tpu.memory_space<vmem>>
    %dma_start3A_553 = tpu.memref_slice %arg15[%add3A_544] : memref<151552xf32, #tpu.memory_space<vmem_shared>> -> memref<384xf32, #tpu.memory_space<vmem_shared>>
    tpu.enqueue_dma source(%dma_start3A_553 : memref<384xf32, #tpu.memory_space<vmem_shared>>) target(%dma_start3A_552 : memref<384xf32, #tpu.memory_space<vmem>>) target_semaphore(%arg16 : memref<!tpu.dma_semaphore, #tpu.memory_space<semaphore_mem>>)
    %mul3A_554 = arith.constant 9216 : i32
    %mul3A_555 = arith.muli %arg1, %mul3A_554 : i32
    %add3A_556 = arith.constant 8448 : i32
    %add3A_557 = arith.addi %mul3A_555, %add3A_556 : i32
    %dma_start3A_558 = arith.constant 22 : i32
    %dma_start3A_559 = arith.constant 0 : i32
    %dma_start3A_560 = tpu.memref_slice %arg14[%dma_start3A_558, %dma_start3A_559] : memref<24x384xf32, #tpu.memory_space<vmem>> -> memref<1x384xf32, #tpu.memory_space<vmem>>
    %dma_start3A_561 = tpu.memref_squeeze %dma_start3A_560 : memref<1x384xf32, #tpu.memory_space<vmem>> -> memref<384xf32, #tpu.memory_space<vmem>>
    %dma_start3A_562 = tpu.memref_slice %arg15[%add3A_557] : memref<151552xf32, #tpu.memory_space<vmem_shared>> -> memref<384xf32, #tpu.memory_space<vmem_shared>>
    %dma_start3A_563 = arith.constant 0 : i32
    %dma_start3A_564 = tpu.memref_slice %arg14[%dma_start3A_558, %dma_start3A_563] : memref<24x384xf32, #tpu.memory_space<vmem>> -> memref<1x384xf32, #tpu.memory_space<vmem>>
    %dma_start3A_565 = tpu.memref_squeeze %dma_start3A_564 : memref<1x384xf32, #tpu.memory_space<vmem>> -> memref<384xf32, #tpu.memory_space<vmem>>
    %dma_start3A_566 = tpu.memref_slice %arg15[%add3A_557] : memref<151552xf32, #tpu.memory_space<vmem_shared>> -> memref<384xf32, #tpu.memory_space<vmem_shared>>
    tpu.enqueue_dma source(%dma_start3A_566 : memref<384xf32, #tpu.memory_space<vmem_shared>>) target(%dma_start3A_565 : memref<384xf32, #tpu.memory_space<vmem>>) target_semaphore(%arg16 : memref<!tpu.dma_semaphore, #tpu.memory_space<semaphore_mem>>)
    %mul3A_567 = arith.constant 9216 : i32
    %mul3A_568 = arith.muli %arg1, %mul3A_567 : i32
    %add3A_569 = arith.constant 8832 : i32
    %add3A_570 = arith.addi %mul3A_568, %add3A_569 : i32
    %dma_start3A_571 = arith.constant 23 : i32
    %dma_start3A_572 = arith.constant 0 : i32
    %dma_start3A_573 = tpu.memref_slice %arg14[%dma_start3A_571, %dma_start3A_572] : memref<24x384xf32, #tpu.memory_space<vmem>> -> memref<1x384xf32, #tpu.memory_space<vmem>>
    %dma_start3A_574 = tpu.memref_squeeze %dma_start3A_573 : memref<1x384xf32, #tpu.memory_space<vmem>> -> memref<384xf32, #tpu.memory_space<vmem>>
    %dma_start3A_575 = tpu.memref_slice %arg15[%add3A_570] : memref<151552xf32, #tpu.memory_space<vmem_shared>> -> memref<384xf32, #tpu.memory_space<vmem_shared>>
    %dma_start3A_576 = arith.constant 0 : i32
    %dma_start3A_577 = tpu.memref_slice %arg14[%dma_start3A_571, %dma_start3A_576] : memref<24x384xf32, #tpu.memory_space<vmem>> -> memref<1x384xf32, #tpu.memory_space<vmem>>
    %dma_start3A_578 = tpu.memref_squeeze %dma_start3A_577 : memref<1x384xf32, #tpu.memory_space<vmem>> -> memref<384xf32, #tpu.memory_space<vmem>>
    %dma_start3A_579 = tpu.memref_slice %arg15[%add3A_570] : memref<151552xf32, #tpu.memory_space<vmem_shared>> -> memref<384xf32, #tpu.memory_space<vmem_shared>>
    tpu.enqueue_dma source(%dma_start3A_579 : memref<384xf32, #tpu.memory_space<vmem_shared>>) target(%dma_start3A_578 : memref<384xf32, #tpu.memory_space<vmem>>) target_semaphore(%arg16 : memref<!tpu.dma_semaphore, #tpu.memory_space<semaphore_mem>>)
    %dma_wait3A_580 = arith.constant 0 : i32
    %dma_wait3A_581 = arith.constant 0 : i32
    %dma_wait3A_582 = tpu.memref_slice %arg14[%dma_wait3A_580, %dma_wait3A_581] : memref<24x384xf32, #tpu.memory_space<vmem>> -> memref<1x384xf32, #tpu.memory_space<vmem>>
    %dma_wait3A_583 = tpu.memref_squeeze %dma_wait3A_582 : memref<1x384xf32, #tpu.memory_space<vmem>> -> memref<384xf32, #tpu.memory_space<vmem>>
    %dma_wait3A_584 = tpu.memref_slice %arg15[%add3A_271] : memref<151552xf32, #tpu.memory_space<vmem_shared>> -> memref<384xf32, #tpu.memory_space<vmem_shared>>
    %dma_wait3A_585 = arith.constant 0 : i32
    %dma_wait3A_586 = tpu.memref_slice %arg14[%dma_wait3A_580, %dma_wait3A_585] : memref<24x384xf32, #tpu.memory_space<vmem>> -> memref<1x384xf32, #tpu.memory_space<vmem>>
    %dma_wait3A_587 = tpu.memref_squeeze %dma_wait3A_586 : memref<1x384xf32, #tpu.memory_space<vmem>> -> memref<384xf32, #tpu.memory_space<vmem>>
    %dma_wait3A_588 = tpu.memref_slice %arg15[%add3A_271] : memref<151552xf32, #tpu.memory_space<vmem_shared>> -> memref<384xf32, #tpu.memory_space<vmem_shared>>
    tpu.wait_dma2 semaphore(%arg16 : memref<!tpu.dma_semaphore, #tpu.memory_space<semaphore_mem>>) src(%dma_wait3A_588 : memref<384xf32, #tpu.memory_space<vmem_shared>>) dst(%dma_wait3A_587 : memref<384xf32, #tpu.memory_space<vmem>>)
    %dma_wait3A_589 = arith.constant 1 : i32
    %dma_wait3A_590 = arith.constant 0 : i32
    %dma_wait3A_591 = tpu.memref_slice %arg14[%dma_wait3A_589, %dma_wait3A_590] : memref<24x384xf32, #tpu.memory_space<vmem>> -> memref<1x384xf32, #tpu.memory_space<vmem>>
    %dma_wait3A_592 = tpu.memref_squeeze %dma_wait3A_591 : memref<1x384xf32, #tpu.memory_space<vmem>> -> memref<384xf32, #tpu.memory_space<vmem>>
    %dma_wait3A_593 = tpu.memref_slice %arg15[%add3A_284] : memref<151552xf32, #tpu.memory_space<vmem_shared>> -> memref<384xf32, #tpu.memory_space<vmem_shared>>
    %dma_wait3A_594 = arith.constant 0 : i32
    %dma_wait3A_595 = tpu.memref_slice %arg14[%dma_wait3A_589, %dma_wait3A_594] : memref<24x384xf32, #tpu.memory_space<vmem>> -> memref<1x384xf32, #tpu.memory_space<vmem>>
    %dma_wait3A_596 = tpu.memref_squeeze %dma_wait3A_595 : memref<1x384xf32, #tpu.memory_space<vmem>> -> memref<384xf32, #tpu.memory_space<vmem>>
    %dma_wait3A_597 = tpu.memref_slice %arg15[%add3A_284] : memref<151552xf32, #tpu.memory_space<vmem_shared>> -> memref<384xf32, #tpu.memory_space<vmem_shared>>
    tpu.wait_dma2 semaphore(%arg16 : memref<!tpu.dma_semaphore, #tpu.memory_space<semaphore_mem>>) src(%dma_wait3A_597 : memref<384xf32, #tpu.memory_space<vmem_shared>>) dst(%dma_wait3A_596 : memref<384xf32, #tpu.memory_space<vmem>>)
    %dma_wait3A_598 = arith.constant 2 : i32
    %dma_wait3A_599 = arith.constant 0 : i32
    %dma_wait3A_600 = tpu.memref_slice %arg14[%dma_wait3A_598, %dma_wait3A_599] : memref<24x384xf32, #tpu.memory_space<vmem>> -> memref<1x384xf32, #tpu.memory_space<vmem>>
    %dma_wait3A_601 = tpu.memref_squeeze %dma_wait3A_600 : memref<1x384xf32, #tpu.memory_space<vmem>> -> memref<384xf32, #tpu.memory_space<vmem>>
    %dma_wait3A_602 = tpu.memref_slice %arg15[%add3A_297] : memref<151552xf32, #tpu.memory_space<vmem_shared>> -> memref<384xf32, #tpu.memory_space<vmem_shared>>
    %dma_wait3A_603 = arith.constant 0 : i32
    %dma_wait3A_604 = tpu.memref_slice %arg14[%dma_wait3A_598, %dma_wait3A_603] : memref<24x384xf32, #tpu.memory_space<vmem>> -> memref<1x384xf32, #tpu.memory_space<vmem>>
    %dma_wait3A_605 = tpu.memref_squeeze %dma_wait3A_604 : memref<1x384xf32, #tpu.memory_space<vmem>> -> memref<384xf32, #tpu.memory_space<vmem>>
    %dma_wait3A_606 = tpu.memref_slice %arg15[%add3A_297] : memref<151552xf32, #tpu.memory_space<vmem_shared>> -> memref<384xf32, #tpu.memory_space<vmem_shared>>
    tpu.wait_dma2 semaphore(%arg16 : memref<!tpu.dma_semaphore, #tpu.memory_space<semaphore_mem>>) src(%dma_wait3A_606 : memref<384xf32, #tpu.memory_space<vmem_shared>>) dst(%dma_wait3A_605 : memref<384xf32, #tpu.memory_space<vmem>>)
    %dma_wait3A_607 = arith.constant 3 : i32
    %dma_wait3A_608 = arith.constant 0 : i32
    %dma_wait3A_609 = tpu.memref_slice %arg14[%dma_wait3A_607, %dma_wait3A_608] : memref<24x384xf32, #tpu.memory_space<vmem>> -> memref<1x384xf32, #tpu.memory_space<vmem>>
    %dma_wait3A_610 = tpu.memref_squeeze %dma_wait3A_609 : memref<1x384xf32, #tpu.memory_space<vmem>> -> memref<384xf32, #tpu.memory_space<vmem>>
    %dma_wait3A_611 = tpu.memref_slice %arg15[%add3A_310] : memref<151552xf32, #tpu.memory_space<vmem_shared>> -> memref<384xf32, #tpu.memory_space<vmem_shared>>
    %dma_wait3A_612 = arith.constant 0 : i32
    %dma_wait3A_613 = tpu.memref_slice %arg14[%dma_wait3A_607, %dma_wait3A_612] : memref<24x384xf32, #tpu.memory_space<vmem>> -> memref<1x384xf32, #tpu.memory_space<vmem>>
    %dma_wait3A_614 = tpu.memref_squeeze %dma_wait3A_613 : memref<1x384xf32, #tpu.memory_space<vmem>> -> memref<384xf32, #tpu.memory_space<vmem>>
    %dma_wait3A_615 = tpu.memref_slice %arg15[%add3A_310] : memref<151552xf32, #tpu.memory_space<vmem_shared>> -> memref<384xf32, #tpu.memory_space<vmem_shared>>
    tpu.wait_dma2 semaphore(%arg16 : memref<!tpu.dma_semaphore, #tpu.memory_space<semaphore_mem>>) src(%dma_wait3A_615 : memref<384xf32, #tpu.memory_space<vmem_shared>>) dst(%dma_wait3A_614 : memref<384xf32, #tpu.memory_space<vmem>>)
    %dma_wait3A_616 = arith.constant 4 : i32
    %dma_wait3A_617 = arith.constant 0 : i32
    %dma_wait3A_618 = tpu.memref_slice %arg14[%dma_wait3A_616, %dma_wait3A_617] : memref<24x384xf32, #tpu.memory_space<vmem>> -> memref<1x384xf32, #tpu.memory_space<vmem>>
    %dma_wait3A_619 = tpu.memref_squeeze %dma_wait3A_618 : memref<1x384xf32, #tpu.memory_space<vmem>> -> memref<384xf32, #tpu.memory_space<vmem>>
    %dma_wait3A_620 = tpu.memref_slice %arg15[%add3A_323] : memref<151552xf32, #tpu.memory_space<vmem_shared>> -> memref<384xf32, #tpu.memory_space<vmem_shared>>
    %dma_wait3A_621 = arith.constant 0 : i32
    %dma_wait3A_622 = tpu.memref_slice %arg14[%dma_wait3A_616, %dma_wait3A_621] : memref<24x384xf32, #tpu.memory_space<vmem>> -> memref<1x384xf32, #tpu.memory_space<vmem>>
    %dma_wait3A_623 = tpu.memref_squeeze %dma_wait3A_622 : memref<1x384xf32, #tpu.memory_space<vmem>> -> memref<384xf32, #tpu.memory_space<vmem>>
    %dma_wait3A_624 = tpu.memref_slice %arg15[%add3A_323] : memref<151552xf32, #tpu.memory_space<vmem_shared>> -> memref<384xf32, #tpu.memory_space<vmem_shared>>
    tpu.wait_dma2 semaphore(%arg16 : memref<!tpu.dma_semaphore, #tpu.memory_space<semaphore_mem>>) src(%dma_wait3A_624 : memref<384xf32, #tpu.memory_space<vmem_shared>>) dst(%dma_wait3A_623 : memref<384xf32, #tpu.memory_space<vmem>>)
    %dma_wait3A_625 = arith.constant 5 : i32
    %dma_wait3A_626 = arith.constant 0 : i32
    %dma_wait3A_627 = tpu.memref_slice %arg14[%dma_wait3A_625, %dma_wait3A_626] : memref<24x384xf32, #tpu.memory_space<vmem>> -> memref<1x384xf32, #tpu.memory_space<vmem>>
    %dma_wait3A_628 = tpu.memref_squeeze %dma_wait3A_627 : memref<1x384xf32, #tpu.memory_space<vmem>> -> memref<384xf32, #tpu.memory_space<vmem>>
    %dma_wait3A_629 = tpu.memref_slice %arg15[%add3A_336] : memref<151552xf32, #tpu.memory_space<vmem_shared>> -> memref<384xf32, #tpu.memory_space<vmem_shared>>
    %dma_wait3A_630 = arith.constant 0 : i32
    %dma_wait3A_631 = tpu.memref_slice %arg14[%dma_wait3A_625, %dma_wait3A_630] : memref<24x384xf32, #tpu.memory_space<vmem>> -> memref<1x384xf32, #tpu.memory_space<vmem>>
    %dma_wait3A_632 = tpu.memref_squeeze %dma_wait3A_631 : memref<1x384xf32, #tpu.memory_space<vmem>> -> memref<384xf32, #tpu.memory_space<vmem>>
    %dma_wait3A_633 = tpu.memref_slice %arg15[%add3A_336] : memref<151552xf32, #tpu.memory_space<vmem_shared>> -> memref<384xf32, #tpu.memory_space<vmem_shared>>
    tpu.wait_dma2 semaphore(%arg16 : memref<!tpu.dma_semaphore, #tpu.memory_space<semaphore_mem>>) src(%dma_wait3A_633 : memref<384xf32, #tpu.memory_space<vmem_shared>>) dst(%dma_wait3A_632 : memref<384xf32, #tpu.memory_space<vmem>>)
    %dma_wait3A_634 = arith.constant 6 : i32
    %dma_wait3A_635 = arith.constant 0 : i32
    %dma_wait3A_636 = tpu.memref_slice %arg14[%dma_wait3A_634, %dma_wait3A_635] : memref<24x384xf32, #tpu.memory_space<vmem>> -> memref<1x384xf32, #tpu.memory_space<vmem>>
    %dma_wait3A_637 = tpu.memref_squeeze %dma_wait3A_636 : memref<1x384xf32, #tpu.memory_space<vmem>> -> memref<384xf32, #tpu.memory_space<vmem>>
    %dma_wait3A_638 = tpu.memref_slice %arg15[%add3A_349] : memref<151552xf32, #tpu.memory_space<vmem_shared>> -> memref<384xf32, #tpu.memory_space<vmem_shared>>
    %dma_wait3A_639 = arith.constant 0 : i32
    %dma_wait3A_640 = tpu.memref_slice %arg14[%dma_wait3A_634, %dma_wait3A_639] : memref<24x384xf32, #tpu.memory_space<vmem>> -> memref<1x384xf32, #tpu.memory_space<vmem>>
    %dma_wait3A_641 = tpu.memref_squeeze %dma_wait3A_640 : memref<1x384xf32, #tpu.memory_space<vmem>> -> memref<384xf32, #tpu.memory_space<vmem>>
    %dma_wait3A_642 = tpu.memref_slice %arg15[%add3A_349] : memref<151552xf32, #tpu.memory_space<vmem_shared>> -> memref<384xf32, #tpu.memory_space<vmem_shared>>
    tpu.wait_dma2 semaphore(%arg16 : memref<!tpu.dma_semaphore, #tpu.memory_space<semaphore_mem>>) src(%dma_wait3A_642 : memref<384xf32, #tpu.memory_space<vmem_shared>>) dst(%dma_wait3A_641 : memref<384xf32, #tpu.memory_space<vmem>>)
    %dma_wait3A_643 = arith.constant 7 : i32
    %dma_wait3A_644 = arith.constant 0 : i32
    %dma_wait3A_645 = tpu.memref_slice %arg14[%dma_wait3A_643, %dma_wait3A_644] : memref<24x384xf32, #tpu.memory_space<vmem>> -> memref<1x384xf32, #tpu.memory_space<vmem>>
    %dma_wait3A_646 = tpu.memref_squeeze %dma_wait3A_645 : memref<1x384xf32, #tpu.memory_space<vmem>> -> memref<384xf32, #tpu.memory_space<vmem>>
    %dma_wait3A_647 = tpu.memref_slice %arg15[%add3A_362] : memref<151552xf32, #tpu.memory_space<vmem_shared>> -> memref<384xf32, #tpu.memory_space<vmem_shared>>
    %dma_wait3A_648 = arith.constant 0 : i32
    %dma_wait3A_649 = tpu.memref_slice %arg14[%dma_wait3A_643, %dma_wait3A_648] : memref<24x384xf32, #tpu.memory_space<vmem>> -> memref<1x384xf32, #tpu.memory_space<vmem>>
    %dma_wait3A_650 = tpu.memref_squeeze %dma_wait3A_649 : memref<1x384xf32, #tpu.memory_space<vmem>> -> memref<384xf32, #tpu.memory_space<vmem>>
    %dma_wait3A_651 = tpu.memref_slice %arg15[%add3A_362] : memref<151552xf32, #tpu.memory_space<vmem_shared>> -> memref<384xf32, #tpu.memory_space<vmem_shared>>
    tpu.wait_dma2 semaphore(%arg16 : memref<!tpu.dma_semaphore, #tpu.memory_space<semaphore_mem>>) src(%dma_wait3A_651 : memref<384xf32, #tpu.memory_space<vmem_shared>>) dst(%dma_wait3A_650 : memref<384xf32, #tpu.memory_space<vmem>>)
    %dma_wait3A_652 = arith.constant 8 : i32
    %dma_wait3A_653 = arith.constant 0 : i32
    %dma_wait3A_654 = tpu.memref_slice %arg14[%dma_wait3A_652, %dma_wait3A_653] : memref<24x384xf32, #tpu.memory_space<vmem>> -> memref<1x384xf32, #tpu.memory_space<vmem>>
    %dma_wait3A_655 = tpu.memref_squeeze %dma_wait3A_654 : memref<1x384xf32, #tpu.memory_space<vmem>> -> memref<384xf32, #tpu.memory_space<vmem>>
    %dma_wait3A_656 = tpu.memref_slice %arg15[%add3A_375] : memref<151552xf32, #tpu.memory_space<vmem_shared>> -> memref<384xf32, #tpu.memory_space<vmem_shared>>
    %dma_wait3A_657 = arith.constant 0 : i32
    %dma_wait3A_658 = tpu.memref_slice %arg14[%dma_wait3A_652, %dma_wait3A_657] : memref<24x384xf32, #tpu.memory_space<vmem>> -> memref<1x384xf32, #tpu.memory_space<vmem>>
    %dma_wait3A_659 = tpu.memref_squeeze %dma_wait3A_658 : memref<1x384xf32, #tpu.memory_space<vmem>> -> memref<384xf32, #tpu.memory_space<vmem>>
    %dma_wait3A_660 = tpu.memref_slice %arg15[%add3A_375] : memref<151552xf32, #tpu.memory_space<vmem_shared>> -> memref<384xf32, #tpu.memory_space<vmem_shared>>
    tpu.wait_dma2 semaphore(%arg16 : memref<!tpu.dma_semaphore, #tpu.memory_space<semaphore_mem>>) src(%dma_wait3A_660 : memref<384xf32, #tpu.memory_space<vmem_shared>>) dst(%dma_wait3A_659 : memref<384xf32, #tpu.memory_space<vmem>>)
    %dma_wait3A_661 = arith.constant 9 : i32
    %dma_wait3A_662 = arith.constant 0 : i32
    %dma_wait3A_663 = tpu.memref_slice %arg14[%dma_wait3A_661, %dma_wait3A_662] : memref<24x384xf32, #tpu.memory_space<vmem>> -> memref<1x384xf32, #tpu.memory_space<vmem>>
    %dma_wait3A_664 = tpu.memref_squeeze %dma_wait3A_663 : memref<1x384xf32, #tpu.memory_space<vmem>> -> memref<384xf32, #tpu.memory_space<vmem>>
    %dma_wait3A_665 = tpu.memref_slice %arg15[%add3A_388] : memref<151552xf32, #tpu.memory_space<vmem_shared>> -> memref<384xf32, #tpu.memory_space<vmem_shared>>
    %dma_wait3A_666 = arith.constant 0 : i32
    %dma_wait3A_667 = tpu.memref_slice %arg14[%dma_wait3A_661, %dma_wait3A_666] : memref<24x384xf32, #tpu.memory_space<vmem>> -> memref<1x384xf32, #tpu.memory_space<vmem>>
    %dma_wait3A_668 = tpu.memref_squeeze %dma_wait3A_667 : memref<1x384xf32, #tpu.memory_space<vmem>> -> memref<384xf32, #tpu.memory_space<vmem>>
    %dma_wait3A_669 = tpu.memref_slice %arg15[%add3A_388] : memref<151552xf32, #tpu.memory_space<vmem_shared>> -> memref<384xf32, #tpu.memory_space<vmem_shared>>
    tpu.wait_dma2 semaphore(%arg16 : memref<!tpu.dma_semaphore, #tpu.memory_space<semaphore_mem>>) src(%dma_wait3A_669 : memref<384xf32, #tpu.memory_space<vmem_shared>>) dst(%dma_wait3A_668 : memref<384xf32, #tpu.memory_space<vmem>>)
    %dma_wait3A_670 = arith.constant 10 : i32
    %dma_wait3A_671 = arith.constant 0 : i32
    %dma_wait3A_672 = tpu.memref_slice %arg14[%dma_wait3A_670, %dma_wait3A_671] : memref<24x384xf32, #tpu.memory_space<vmem>> -> memref<1x384xf32, #tpu.memory_space<vmem>>
    %dma_wait3A_673 = tpu.memref_squeeze %dma_wait3A_672 : memref<1x384xf32, #tpu.memory_space<vmem>> -> memref<384xf32, #tpu.memory_space<vmem>>
    %dma_wait3A_674 = tpu.memref_slice %arg15[%add3A_401] : memref<151552xf32, #tpu.memory_space<vmem_shared>> -> memref<384xf32, #tpu.memory_space<vmem_shared>>
    %dma_wait3A_675 = arith.constant 0 : i32
    %dma_wait3A_676 = tpu.memref_slice %arg14[%dma_wait3A_670, %dma_wait3A_675] : memref<24x384xf32, #tpu.memory_space<vmem>> -> memref<1x384xf32, #tpu.memory_space<vmem>>
    %dma_wait3A_677 = tpu.memref_squeeze %dma_wait3A_676 : memref<1x384xf32, #tpu.memory_space<vmem>> -> memref<384xf32, #tpu.memory_space<vmem>>
    %dma_wait3A_678 = tpu.memref_slice %arg15[%add3A_401] : memref<151552xf32, #tpu.memory_space<vmem_shared>> -> memref<384xf32, #tpu.memory_space<vmem_shared>>
    tpu.wait_dma2 semaphore(%arg16 : memref<!tpu.dma_semaphore, #tpu.memory_space<semaphore_mem>>) src(%dma_wait3A_678 : memref<384xf32, #tpu.memory_space<vmem_shared>>) dst(%dma_wait3A_677 : memref<384xf32, #tpu.memory_space<vmem>>)
    %dma_wait3A_679 = arith.constant 11 : i32
    %dma_wait3A_680 = arith.constant 0 : i32
    %dma_wait3A_681 = tpu.memref_slice %arg14[%dma_wait3A_679, %dma_wait3A_680] : memref<24x384xf32, #tpu.memory_space<vmem>> -> memref<1x384xf32, #tpu.memory_space<vmem>>
    %dma_wait3A_682 = tpu.memref_squeeze %dma_wait3A_681 : memref<1x384xf32, #tpu.memory_space<vmem>> -> memref<384xf32, #tpu.memory_space<vmem>>
    %dma_wait3A_683 = tpu.memref_slice %arg15[%add3A_414] : memref<151552xf32, #tpu.memory_space<vmem_shared>> -> memref<384xf32, #tpu.memory_space<vmem_shared>>
    %dma_wait3A_684 = arith.constant 0 : i32
    %dma_wait3A_685 = tpu.memref_slice %arg14[%dma_wait3A_679, %dma_wait3A_684] : memref<24x384xf32, #tpu.memory_space<vmem>> -> memref<1x384xf32, #tpu.memory_space<vmem>>
    %dma_wait3A_686 = tpu.memref_squeeze %dma_wait3A_685 : memref<1x384xf32, #tpu.memory_space<vmem>> -> memref<384xf32, #tpu.memory_space<vmem>>
    %dma_wait3A_687 = tpu.memref_slice %arg15[%add3A_414] : memref<151552xf32, #tpu.memory_space<vmem_shared>> -> memref<384xf32, #tpu.memory_space<vmem_shared>>
    tpu.wait_dma2 semaphore(%arg16 : memref<!tpu.dma_semaphore, #tpu.memory_space<semaphore_mem>>) src(%dma_wait3A_687 : memref<384xf32, #tpu.memory_space<vmem_shared>>) dst(%dma_wait3A_686 : memref<384xf32, #tpu.memory_space<vmem>>)
    %dma_wait3A_688 = arith.constant 12 : i32
    %dma_wait3A_689 = arith.constant 0 : i32
    %dma_wait3A_690 = tpu.memref_slice %arg14[%dma_wait3A_688, %dma_wait3A_689] : memref<24x384xf32, #tpu.memory_space<vmem>> -> memref<1x384xf32, #tpu.memory_space<vmem>>
    %dma_wait3A_691 = tpu.memref_squeeze %dma_wait3A_690 : memref<1x384xf32, #tpu.memory_space<vmem>> -> memref<384xf32, #tpu.memory_space<vmem>>
    %dma_wait3A_692 = tpu.memref_slice %arg15[%add3A_427] : memref<151552xf32, #tpu.memory_space<vmem_shared>> -> memref<384xf32, #tpu.memory_space<vmem_shared>>
    %dma_wait3A_693 = arith.constant 0 : i32
    %dma_wait3A_694 = tpu.memref_slice %arg14[%dma_wait3A_688, %dma_wait3A_693] : memref<24x384xf32, #tpu.memory_space<vmem>> -> memref<1x384xf32, #tpu.memory_space<vmem>>
    %dma_wait3A_695 = tpu.memref_squeeze %dma_wait3A_694 : memref<1x384xf32, #tpu.memory_space<vmem>> -> memref<384xf32, #tpu.memory_space<vmem>>
    %dma_wait3A_696 = tpu.memref_slice %arg15[%add3A_427] : memref<151552xf32, #tpu.memory_space<vmem_shared>> -> memref<384xf32, #tpu.memory_space<vmem_shared>>
    tpu.wait_dma2 semaphore(%arg16 : memref<!tpu.dma_semaphore, #tpu.memory_space<semaphore_mem>>) src(%dma_wait3A_696 : memref<384xf32, #tpu.memory_space<vmem_shared>>) dst(%dma_wait3A_695 : memref<384xf32, #tpu.memory_space<vmem>>)
    %dma_wait3A_697 = arith.constant 13 : i32
    %dma_wait3A_698 = arith.constant 0 : i32
    %dma_wait3A_699 = tpu.memref_slice %arg14[%dma_wait3A_697, %dma_wait3A_698] : memref<24x384xf32, #tpu.memory_space<vmem>> -> memref<1x384xf32, #tpu.memory_space<vmem>>
    %dma_wait3A_700 = tpu.memref_squeeze %dma_wait3A_699 : memref<1x384xf32, #tpu.memory_space<vmem>> -> memref<384xf32, #tpu.memory_space<vmem>>
    %dma_wait3A_701 = tpu.memref_slice %arg15[%add3A_440] : memref<151552xf32, #tpu.memory_space<vmem_shared>> -> memref<384xf32, #tpu.memory_space<vmem_shared>>
    %dma_wait3A_702 = arith.constant 0 : i32
    %dma_wait3A_703 = tpu.memref_slice %arg14[%dma_wait3A_697, %dma_wait3A_702] : memref<24x384xf32, #tpu.memory_space<vmem>> -> memref<1x384xf32, #tpu.memory_space<vmem>>
    %dma_wait3A_704 = tpu.memref_squeeze %dma_wait3A_703 : memref<1x384xf32, #tpu.memory_space<vmem>> -> memref<384xf32, #tpu.memory_space<vmem>>
    %dma_wait3A_705 = tpu.memref_slice %arg15[%add3A_440] : memref<151552xf32, #tpu.memory_space<vmem_shared>> -> memref<384xf32, #tpu.memory_space<vmem_shared>>
    tpu.wait_dma2 semaphore(%arg16 : memref<!tpu.dma_semaphore, #tpu.memory_space<semaphore_mem>>) src(%dma_wait3A_705 : memref<384xf32, #tpu.memory_space<vmem_shared>>) dst(%dma_wait3A_704 : memref<384xf32, #tpu.memory_space<vmem>>)
    %dma_wait3A_706 = arith.constant 14 : i32
    %dma_wait3A_707 = arith.constant 0 : i32
    %dma_wait3A_708 = tpu.memref_slice %arg14[%dma_wait3A_706, %dma_wait3A_707] : memref<24x384xf32, #tpu.memory_space<vmem>> -> memref<1x384xf32, #tpu.memory_space<vmem>>
    %dma_wait3A_709 = tpu.memref_squeeze %dma_wait3A_708 : memref<1x384xf32, #tpu.memory_space<vmem>> -> memref<384xf32, #tpu.memory_space<vmem>>
    %dma_wait3A_710 = tpu.memref_slice %arg15[%add3A_453] : memref<151552xf32, #tpu.memory_space<vmem_shared>> -> memref<384xf32, #tpu.memory_space<vmem_shared>>
    %dma_wait3A_711 = arith.constant 0 : i32
    %dma_wait3A_712 = tpu.memref_slice %arg14[%dma_wait3A_706, %dma_wait3A_711] : memref<24x384xf32, #tpu.memory_space<vmem>> -> memref<1x384xf32, #tpu.memory_space<vmem>>
    %dma_wait3A_713 = tpu.memref_squeeze %dma_wait3A_712 : memref<1x384xf32, #tpu.memory_space<vmem>> -> memref<384xf32, #tpu.memory_space<vmem>>
    %dma_wait3A_714 = tpu.memref_slice %arg15[%add3A_453] : memref<151552xf32, #tpu.memory_space<vmem_shared>> -> memref<384xf32, #tpu.memory_space<vmem_shared>>
    tpu.wait_dma2 semaphore(%arg16 : memref<!tpu.dma_semaphore, #tpu.memory_space<semaphore_mem>>) src(%dma_wait3A_714 : memref<384xf32, #tpu.memory_space<vmem_shared>>) dst(%dma_wait3A_713 : memref<384xf32, #tpu.memory_space<vmem>>)
    %dma_wait3A_715 = arith.constant 15 : i32
    %dma_wait3A_716 = arith.constant 0 : i32
    %dma_wait3A_717 = tpu.memref_slice %arg14[%dma_wait3A_715, %dma_wait3A_716] : memref<24x384xf32, #tpu.memory_space<vmem>> -> memref<1x384xf32, #tpu.memory_space<vmem>>
    %dma_wait3A_718 = tpu.memref_squeeze %dma_wait3A_717 : memref<1x384xf32, #tpu.memory_space<vmem>> -> memref<384xf32, #tpu.memory_space<vmem>>
    %dma_wait3A_719 = tpu.memref_slice %arg15[%add3A_466] : memref<151552xf32, #tpu.memory_space<vmem_shared>> -> memref<384xf32, #tpu.memory_space<vmem_shared>>
    %dma_wait3A_720 = arith.constant 0 : i32
    %dma_wait3A_721 = tpu.memref_slice %arg14[%dma_wait3A_715, %dma_wait3A_720] : memref<24x384xf32, #tpu.memory_space<vmem>> -> memref<1x384xf32, #tpu.memory_space<vmem>>
    %dma_wait3A_722 = tpu.memref_squeeze %dma_wait3A_721 : memref<1x384xf32, #tpu.memory_space<vmem>> -> memref<384xf32, #tpu.memory_space<vmem>>
    %dma_wait3A_723 = tpu.memref_slice %arg15[%add3A_466] : memref<151552xf32, #tpu.memory_space<vmem_shared>> -> memref<384xf32, #tpu.memory_space<vmem_shared>>
    tpu.wait_dma2 semaphore(%arg16 : memref<!tpu.dma_semaphore, #tpu.memory_space<semaphore_mem>>) src(%dma_wait3A_723 : memref<384xf32, #tpu.memory_space<vmem_shared>>) dst(%dma_wait3A_722 : memref<384xf32, #tpu.memory_space<vmem>>)
    %dma_wait3A_724 = arith.constant 16 : i32
    %dma_wait3A_725 = arith.constant 0 : i32
    %dma_wait3A_726 = tpu.memref_slice %arg14[%dma_wait3A_724, %dma_wait3A_725] : memref<24x384xf32, #tpu.memory_space<vmem>> -> memref<1x384xf32, #tpu.memory_space<vmem>>
    %dma_wait3A_727 = tpu.memref_squeeze %dma_wait3A_726 : memref<1x384xf32, #tpu.memory_space<vmem>> -> memref<384xf32, #tpu.memory_space<vmem>>
    %dma_wait3A_728 = tpu.memref_slice %arg15[%add3A_479] : memref<151552xf32, #tpu.memory_space<vmem_shared>> -> memref<384xf32, #tpu.memory_space<vmem_shared>>
    %dma_wait3A_729 = arith.constant 0 : i32
    %dma_wait3A_730 = tpu.memref_slice %arg14[%dma_wait3A_724, %dma_wait3A_729] : memref<24x384xf32, #tpu.memory_space<vmem>> -> memref<1x384xf32, #tpu.memory_space<vmem>>
    %dma_wait3A_731 = tpu.memref_squeeze %dma_wait3A_730 : memref<1x384xf32, #tpu.memory_space<vmem>> -> memref<384xf32, #tpu.memory_space<vmem>>
    %dma_wait3A_732 = tpu.memref_slice %arg15[%add3A_479] : memref<151552xf32, #tpu.memory_space<vmem_shared>> -> memref<384xf32, #tpu.memory_space<vmem_shared>>
    tpu.wait_dma2 semaphore(%arg16 : memref<!tpu.dma_semaphore, #tpu.memory_space<semaphore_mem>>) src(%dma_wait3A_732 : memref<384xf32, #tpu.memory_space<vmem_shared>>) dst(%dma_wait3A_731 : memref<384xf32, #tpu.memory_space<vmem>>)
    %dma_wait3A_733 = arith.constant 17 : i32
    %dma_wait3A_734 = arith.constant 0 : i32
    %dma_wait3A_735 = tpu.memref_slice %arg14[%dma_wait3A_733, %dma_wait3A_734] : memref<24x384xf32, #tpu.memory_space<vmem>> -> memref<1x384xf32, #tpu.memory_space<vmem>>
    %dma_wait3A_736 = tpu.memref_squeeze %dma_wait3A_735 : memref<1x384xf32, #tpu.memory_space<vmem>> -> memref<384xf32, #tpu.memory_space<vmem>>
    %dma_wait3A_737 = tpu.memref_slice %arg15[%add3A_492] : memref<151552xf32, #tpu.memory_space<vmem_shared>> -> memref<384xf32, #tpu.memory_space<vmem_shared>>
    %dma_wait3A_738 = arith.constant 0 : i32
    %dma_wait3A_739 = tpu.memref_slice %arg14[%dma_wait3A_733, %dma_wait3A_738] : memref<24x384xf32, #tpu.memory_space<vmem>> -> memref<1x384xf32, #tpu.memory_space<vmem>>
    %dma_wait3A_740 = tpu.memref_squeeze %dma_wait3A_739 : memref<1x384xf32, #tpu.memory_space<vmem>> -> memref<384xf32, #tpu.memory_space<vmem>>
    %dma_wait3A_741 = tpu.memref_slice %arg15[%add3A_492] : memref<151552xf32, #tpu.memory_space<vmem_shared>> -> memref<384xf32, #tpu.memory_space<vmem_shared>>
    tpu.wait_dma2 semaphore(%arg16 : memref<!tpu.dma_semaphore, #tpu.memory_space<semaphore_mem>>) src(%dma_wait3A_741 : memref<384xf32, #tpu.memory_space<vmem_shared>>) dst(%dma_wait3A_740 : memref<384xf32, #tpu.memory_space<vmem>>)
    %dma_wait3A_742 = arith.constant 18 : i32
    %dma_wait3A_743 = arith.constant 0 : i32
    %dma_wait3A_744 = tpu.memref_slice %arg14[%dma_wait3A_742, %dma_wait3A_743] : memref<24x384xf32, #tpu.memory_space<vmem>> -> memref<1x384xf32, #tpu.memory_space<vmem>>
    %dma_wait3A_745 = tpu.memref_squeeze %dma_wait3A_744 : memref<1x384xf32, #tpu.memory_space<vmem>> -> memref<384xf32, #tpu.memory_space<vmem>>
    %dma_wait3A_746 = tpu.memref_slice %arg15[%add3A_505] : memref<151552xf32, #tpu.memory_space<vmem_shared>> -> memref<384xf32, #tpu.memory_space<vmem_shared>>
    %dma_wait3A_747 = arith.constant 0 : i32
    %dma_wait3A_748 = tpu.memref_slice %arg14[%dma_wait3A_742, %dma_wait3A_747] : memref<24x384xf32, #tpu.memory_space<vmem>> -> memref<1x384xf32, #tpu.memory_space<vmem>>
    %dma_wait3A_749 = tpu.memref_squeeze %dma_wait3A_748 : memref<1x384xf32, #tpu.memory_space<vmem>> -> memref<384xf32, #tpu.memory_space<vmem>>
    %dma_wait3A_750 = tpu.memref_slice %arg15[%add3A_505] : memref<151552xf32, #tpu.memory_space<vmem_shared>> -> memref<384xf32, #tpu.memory_space<vmem_shared>>
    tpu.wait_dma2 semaphore(%arg16 : memref<!tpu.dma_semaphore, #tpu.memory_space<semaphore_mem>>) src(%dma_wait3A_750 : memref<384xf32, #tpu.memory_space<vmem_shared>>) dst(%dma_wait3A_749 : memref<384xf32, #tpu.memory_space<vmem>>)
    %dma_wait3A_751 = arith.constant 19 : i32
    %dma_wait3A_752 = arith.constant 0 : i32
    %dma_wait3A_753 = tpu.memref_slice %arg14[%dma_wait3A_751, %dma_wait3A_752] : memref<24x384xf32, #tpu.memory_space<vmem>> -> memref<1x384xf32, #tpu.memory_space<vmem>>
    %dma_wait3A_754 = tpu.memref_squeeze %dma_wait3A_753 : memref<1x384xf32, #tpu.memory_space<vmem>> -> memref<384xf32, #tpu.memory_space<vmem>>
    %dma_wait3A_755 = tpu.memref_slice %arg15[%add3A_518] : memref<151552xf32, #tpu.memory_space<vmem_shared>> -> memref<384xf32, #tpu.memory_space<vmem_shared>>
    %dma_wait3A_756 = arith.constant 0 : i32
    %dma_wait3A_757 = tpu.memref_slice %arg14[%dma_wait3A_751, %dma_wait3A_756] : memref<24x384xf32, #tpu.memory_space<vmem>> -> memref<1x384xf32, #tpu.memory_space<vmem>>
    %dma_wait3A_758 = tpu.memref_squeeze %dma_wait3A_757 : memref<1x384xf32, #tpu.memory_space<vmem>> -> memref<384xf32, #tpu.memory_space<vmem>>
    %dma_wait3A_759 = tpu.memref_slice %arg15[%add3A_518] : memref<151552xf32, #tpu.memory_space<vmem_shared>> -> memref<384xf32, #tpu.memory_space<vmem_shared>>
    tpu.wait_dma2 semaphore(%arg16 : memref<!tpu.dma_semaphore, #tpu.memory_space<semaphore_mem>>) src(%dma_wait3A_759 : memref<384xf32, #tpu.memory_space<vmem_shared>>) dst(%dma_wait3A_758 : memref<384xf32, #tpu.memory_space<vmem>>)
    %dma_wait3A_760 = arith.constant 20 : i32
    %dma_wait3A_761 = arith.constant 0 : i32
    %dma_wait3A_762 = tpu.memref_slice %arg14[%dma_wait3A_760, %dma_wait3A_761] : memref<24x384xf32, #tpu.memory_space<vmem>> -> memref<1x384xf32, #tpu.memory_space<vmem>>
    %dma_wait3A_763 = tpu.memref_squeeze %dma_wait3A_762 : memref<1x384xf32, #tpu.memory_space<vmem>> -> memref<384xf32, #tpu.memory_space<vmem>>
    %dma_wait3A_764 = tpu.memref_slice %arg15[%add3A_531] : memref<151552xf32, #tpu.memory_space<vmem_shared>> -> memref<384xf32, #tpu.memory_space<vmem_shared>>
    %dma_wait3A_765 = arith.constant 0 : i32
    %dma_wait3A_766 = tpu.memref_slice %arg14[%dma_wait3A_760, %dma_wait3A_765] : memref<24x384xf32, #tpu.memory_space<vmem>> -> memref<1x384xf32, #tpu.memory_space<vmem>>
    %dma_wait3A_767 = tpu.memref_squeeze %dma_wait3A_766 : memref<1x384xf32, #tpu.memory_space<vmem>> -> memref<384xf32, #tpu.memory_space<vmem>>
    %dma_wait3A_768 = tpu.memref_slice %arg15[%add3A_531] : memref<151552xf32, #tpu.memory_space<vmem_shared>> -> memref<384xf32, #tpu.memory_space<vmem_shared>>
    tpu.wait_dma2 semaphore(%arg16 : memref<!tpu.dma_semaphore, #tpu.memory_space<semaphore_mem>>) src(%dma_wait3A_768 : memref<384xf32, #tpu.memory_space<vmem_shared>>) dst(%dma_wait3A_767 : memref<384xf32, #tpu.memory_space<vmem>>)
    %dma_wait3A_769 = arith.constant 21 : i32
    %dma_wait3A_770 = arith.constant 0 : i32
    %dma_wait3A_771 = tpu.memref_slice %arg14[%dma_wait3A_769, %dma_wait3A_770] : memref<24x384xf32, #tpu.memory_space<vmem>> -> memref<1x384xf32, #tpu.memory_space<vmem>>
    %dma_wait3A_772 = tpu.memref_squeeze %dma_wait3A_771 : memref<1x384xf32, #tpu.memory_space<vmem>> -> memref<384xf32, #tpu.memory_space<vmem>>
    %dma_wait3A_773 = tpu.memref_slice %arg15[%add3A_544] : memref<151552xf32, #tpu.memory_space<vmem_shared>> -> memref<384xf32, #tpu.memory_space<vmem_shared>>
    %dma_wait3A_774 = arith.constant 0 : i32
    %dma_wait3A_775 = tpu.memref_slice %arg14[%dma_wait3A_769, %dma_wait3A_774] : memref<24x384xf32, #tpu.memory_space<vmem>> -> memref<1x384xf32, #tpu.memory_space<vmem>>
    %dma_wait3A_776 = tpu.memref_squeeze %dma_wait3A_775 : memref<1x384xf32, #tpu.memory_space<vmem>> -> memref<384xf32, #tpu.memory_space<vmem>>
    %dma_wait3A_777 = tpu.memref_slice %arg15[%add3A_544] : memref<151552xf32, #tpu.memory_space<vmem_shared>> -> memref<384xf32, #tpu.memory_space<vmem_shared>>
    tpu.wait_dma2 semaphore(%arg16 : memref<!tpu.dma_semaphore, #tpu.memory_space<semaphore_mem>>) src(%dma_wait3A_777 : memref<384xf32, #tpu.memory_space<vmem_shared>>) dst(%dma_wait3A_776 : memref<384xf32, #tpu.memory_space<vmem>>)
    %dma_wait3A_778 = arith.constant 22 : i32
    %dma_wait3A_779 = arith.constant 0 : i32
    %dma_wait3A_780 = tpu.memref_slice %arg14[%dma_wait3A_778, %dma_wait3A_779] : memref<24x384xf32, #tpu.memory_space<vmem>> -> memref<1x384xf32, #tpu.memory_space<vmem>>
    %dma_wait3A_781 = tpu.memref_squeeze %dma_wait3A_780 : memref<1x384xf32, #tpu.memory_space<vmem>> -> memref<384xf32, #tpu.memory_space<vmem>>
    %dma_wait3A_782 = tpu.memref_slice %arg15[%add3A_557] : memref<151552xf32, #tpu.memory_space<vmem_shared>> -> memref<384xf32, #tpu.memory_space<vmem_shared>>
    %dma_wait3A_783 = arith.constant 0 : i32
    %dma_wait3A_784 = tpu.memref_slice %arg14[%dma_wait3A_778, %dma_wait3A_783] : memref<24x384xf32, #tpu.memory_space<vmem>> -> memref<1x384xf32, #tpu.memory_space<vmem>>
    %dma_wait3A_785 = tpu.memref_squeeze %dma_wait3A_784 : memref<1x384xf32, #tpu.memory_space<vmem>> -> memref<384xf32, #tpu.memory_space<vmem>>
    %dma_wait3A_786 = tpu.memref_slice %arg15[%add3A_557] : memref<151552xf32, #tpu.memory_space<vmem_shared>> -> memref<384xf32, #tpu.memory_space<vmem_shared>>
    tpu.wait_dma2 semaphore(%arg16 : memref<!tpu.dma_semaphore, #tpu.memory_space<semaphore_mem>>) src(%dma_wait3A_786 : memref<384xf32, #tpu.memory_space<vmem_shared>>) dst(%dma_wait3A_785 : memref<384xf32, #tpu.memory_space<vmem>>)
    %dma_wait3A_787 = arith.constant 23 : i32
    %dma_wait3A_788 = arith.constant 0 : i32
    %dma_wait3A_789 = tpu.memref_slice %arg14[%dma_wait3A_787, %dma_wait3A_788] : memref<24x384xf32, #tpu.memory_space<vmem>> -> memref<1x384xf32, #tpu.memory_space<vmem>>
    %dma_wait3A_790 = tpu.memref_squeeze %dma_wait3A_789 : memref<1x384xf32, #tpu.memory_space<vmem>> -> memref<384xf32, #tpu.memory_space<vmem>>
    %dma_wait3A_791 = tpu.memref_slice %arg15[%add3A_570] : memref<151552xf32, #tpu.memory_space<vmem_shared>> -> memref<384xf32, #tpu.memory_space<vmem_shared>>
    %dma_wait3A_792 = arith.constant 0 : i32
    %dma_wait3A_793 = tpu.memref_slice %arg14[%dma_wait3A_787, %dma_wait3A_792] : memref<24x384xf32, #tpu.memory_space<vmem>> -> memref<1x384xf32, #tpu.memory_space<vmem>>
    %dma_wait3A_794 = tpu.memref_squeeze %dma_wait3A_793 : memref<1x384xf32, #tpu.memory_space<vmem>> -> memref<384xf32, #tpu.memory_space<vmem>>
    %dma_wait3A_795 = tpu.memref_slice %arg15[%add3A_570] : memref<151552xf32, #tpu.memory_space<vmem_shared>> -> memref<384xf32, #tpu.memory_space<vmem_shared>>
    tpu.wait_dma2 semaphore(%arg16 : memref<!tpu.dma_semaphore, #tpu.memory_space<semaphore_mem>>) src(%dma_wait3A_795 : memref<384xf32, #tpu.memory_space<vmem_shared>>) dst(%dma_wait3A_794 : memref<384xf32, #tpu.memory_space<vmem>>)
    %mul3A_796 = arith.constant 384 : i32
    %mul3A_797 = arith.muli %arg0, %mul3A_796 : i32
    %mul3A_798 = arith.constant 24 : i32
    %mul3A_799 = arith.muli %arg1, %mul3A_798 : i32
    %add3A_800 = arith.addi %mul3A_797, %mul3A_799 : i32
    %multiple_of3A_801 = tpu.assume_multiple %add3A_800, 24 : i32
    "tpu.region"() ({
      %run_scoped3A = tpu.sem_alloc : memref<!tpu.dma_semaphore, #tpu.memory_space<semaphore_mem>>
      %dma_start3A_802 = arith.constant 0 : i32
      %dma_start3A_803 = tpu.memref_slice %arg3[%multiple_of3A_801, %dma_start3A_802] : memref<768x384xf32, #tpu.memory_space<hbm>> -> memref<24x384xf32, #tpu.memory_space<hbm>>
      %dma_start3A_804 = arith.constant 0 : i32
      %dma_start3A_805 = tpu.memref_slice %arg3[%multiple_of3A_801, %dma_start3A_804] : memref<768x384xf32, #tpu.memory_space<hbm>> -> memref<24x384xf32, #tpu.memory_space<hbm>>
      tpu.enqueue_dma source(%arg14 : memref<24x384xf32, #tpu.memory_space<vmem>>) target(%dma_start3A_805 : memref<24x384xf32, #tpu.memory_space<hbm>>) target_semaphore(%run_scoped3A : memref<!tpu.dma_semaphore, #tpu.memory_space<semaphore_mem>>)
      %dma_wait3A_806 = arith.constant 0 : i32
      %dma_wait3A_807 = tpu.memref_slice %arg3[%multiple_of3A_801, %dma_wait3A_806] : memref<768x384xf32, #tpu.memory_space<hbm>> -> memref<24x384xf32, #tpu.memory_space<hbm>>
      %dma_wait3A_808 = arith.constant 0 : i32
      %dma_wait3A_809 = tpu.memref_slice %arg3[%multiple_of3A_801, %dma_wait3A_808] : memref<768x384xf32, #tpu.memory_space<hbm>> -> memref<24x384xf32, #tpu.memory_space<hbm>>
      tpu.wait_dma2 semaphore(%run_scoped3A : memref<!tpu.dma_semaphore, #tpu.memory_space<semaphore_mem>>) src(%arg14 : memref<24x384xf32, #tpu.memory_space<vmem>>) dst(%dma_wait3A_809 : memref<24x384xf32, #tpu.memory_space<hbm>>)
      tpu.yield
    }) : () -> ()
    return
  }
}

module attributes {stable_mosaic.version = 14 : i64} {
  func.func @_bcast_body(%arg0: memref<768x384xf32, #tpu.memory_space<vmem>>, %arg1: memref<2x96x384x384xf32, #tpu.memory_space<hbm>>, %arg2: memref<8x384x384xf32, #tpu.memory_space<vmem>>, %arg3: memref<8x384x384xf32, #tpu.memory_space<vmem>>, %arg4: memref<!tpu.dma_semaphore, #tpu.memory_space<semaphore_mem>>) attributes {dimension_semantics = [], scalar_prefetch = 0 : i64, scratch_operands = 3 : i64, tpu.core_type = #tpu.core_type<tc>} {
    %get3A = arith.constant 0 : index
    %get3A_0 = arith.constant 0 : index
    %get3A_1 = vector.load %arg0[%get3A, %get3A_0] : memref<768x384xf32, #tpu.memory_space<vmem>>, vector<384x384xf32>
    %broadcast_in_dim3A = vector.shape_cast %get3A_1 : vector<384x384xf32> to vector<1x384x384xf32>
    %broadcast_in_dim3A_2 = vector.shape_cast %broadcast_in_dim3A : vector<1x384x384xf32> to vector<1x384x384xf32>
    %broadcast_in_dim3A_3 = vector.broadcast %broadcast_in_dim3A_2 : vector<1x384x384xf32> to vector<8x384x384xf32>
    %swap3A = arith.constant 0 : index
    %swap3A_4 = arith.constant 0 : index
    %swap3A_5 = arith.constant 0 : index
    %swap3A_6 = vector.load %arg2[%swap3A, %swap3A_4, %swap3A_5] : memref<8x384x384xf32, #tpu.memory_space<vmem>>, vector<8x384x384xf32>
    tpu.vector_store %arg2[%swap3A, %swap3A_4, %swap3A_5], %broadcast_in_dim3A_3 {strides = array<i32>} : memref<8x384x384xf32, #tpu.memory_space<vmem>>, vector<8x384x384xf32>,
    %dma_start3A = arith.constant 0 : i32
    %dma_start3A_7 = arith.constant 0 : i32
    %dma_start3A_8 = arith.constant 0 : i32
    %dma_start3A_9 = arith.constant 0 : i32
    %dma_start3A_10 = tpu.memref_slice %arg1[%dma_start3A, %dma_start3A_7, %dma_start3A_8, %dma_start3A_9] : memref<2x96x384x384xf32, #tpu.memory_space<hbm>> -> memref<1x8x384x384xf32, #tpu.memory_space<hbm>>
    %dma_start3A_11 = tpu.memref_squeeze %dma_start3A_10 : memref<1x8x384x384xf32, #tpu.memory_space<hbm>> -> memref<8x384x384xf32, #tpu.memory_space<hbm>>
    tpu.enqueue_dma source(%arg2 : memref<8x384x384xf32, #tpu.memory_space<vmem>>) target(%dma_start3A_11 : memref<8x384x384xf32, #tpu.memory_space<hbm>>) target_semaphore(%arg4 : memref<!tpu.dma_semaphore, #tpu.memory_space<semaphore_mem>>)
    %dma_start3A_12 = arith.constant 0 : i32
    %dma_start3A_13 = arith.constant 8 : i32
    %dma_start3A_14 = arith.constant 0 : i32
    %dma_start3A_15 = arith.constant 0 : i32
    %dma_start3A_16 = tpu.memref_slice %arg1[%dma_start3A_12, %dma_start3A_13, %dma_start3A_14, %dma_start3A_15] : memref<2x96x384x384xf32, #tpu.memory_space<hbm>> -> memref<1x8x384x384xf32, #tpu.memory_space<hbm>>
    %dma_start3A_17 = tpu.memref_squeeze %dma_start3A_16 : memref<1x8x384x384xf32, #tpu.memory_space<hbm>> -> memref<8x384x384xf32, #tpu.memory_space<hbm>>
    tpu.enqueue_dma source(%arg2 : memref<8x384x384xf32, #tpu.memory_space<vmem>>) target(%dma_start3A_17 : memref<8x384x384xf32, #tpu.memory_space<hbm>>) target_semaphore(%arg4 : memref<!tpu.dma_semaphore, #tpu.memory_space<semaphore_mem>>)
    %dma_start3A_18 = arith.constant 0 : i32
    %dma_start3A_19 = arith.constant 16 : i32
    %dma_start3A_20 = arith.constant 0 : i32
    %dma_start3A_21 = arith.constant 0 : i32
    %dma_start3A_22 = tpu.memref_slice %arg1[%dma_start3A_18, %dma_start3A_19, %dma_start3A_20, %dma_start3A_21] : memref<2x96x384x384xf32, #tpu.memory_space<hbm>> -> memref<1x8x384x384xf32, #tpu.memory_space<hbm>>
    %dma_start3A_23 = tpu.memref_squeeze %dma_start3A_22 : memref<1x8x384x384xf32, #tpu.memory_space<hbm>> -> memref<8x384x384xf32, #tpu.memory_space<hbm>>
    tpu.enqueue_dma source(%arg2 : memref<8x384x384xf32, #tpu.memory_space<vmem>>) target(%dma_start3A_23 : memref<8x384x384xf32, #tpu.memory_space<hbm>>) target_semaphore(%arg4 : memref<!tpu.dma_semaphore, #tpu.memory_space<semaphore_mem>>)
    %dma_start3A_24 = arith.constant 0 : i32
    %dma_start3A_25 = arith.constant 24 : i32
    %dma_start3A_26 = arith.constant 0 : i32
    %dma_start3A_27 = arith.constant 0 : i32
    %dma_start3A_28 = tpu.memref_slice %arg1[%dma_start3A_24, %dma_start3A_25, %dma_start3A_26, %dma_start3A_27] : memref<2x96x384x384xf32, #tpu.memory_space<hbm>> -> memref<1x8x384x384xf32, #tpu.memory_space<hbm>>
    %dma_start3A_29 = tpu.memref_squeeze %dma_start3A_28 : memref<1x8x384x384xf32, #tpu.memory_space<hbm>> -> memref<8x384x384xf32, #tpu.memory_space<hbm>>
    tpu.enqueue_dma source(%arg2 : memref<8x384x384xf32, #tpu.memory_space<vmem>>) target(%dma_start3A_29 : memref<8x384x384xf32, #tpu.memory_space<hbm>>) target_semaphore(%arg4 : memref<!tpu.dma_semaphore, #tpu.memory_space<semaphore_mem>>)
    %dma_start3A_30 = arith.constant 0 : i32
    %dma_start3A_31 = arith.constant 32 : i32
    %dma_start3A_32 = arith.constant 0 : i32
    %dma_start3A_33 = arith.constant 0 : i32
    %dma_start3A_34 = tpu.memref_slice %arg1[%dma_start3A_30, %dma_start3A_31, %dma_start3A_32, %dma_start3A_33] : memref<2x96x384x384xf32, #tpu.memory_space<hbm>> -> memref<1x8x384x384xf32, #tpu.memory_space<hbm>>
    %dma_start3A_35 = tpu.memref_squeeze %dma_start3A_34 : memref<1x8x384x384xf32, #tpu.memory_space<hbm>> -> memref<8x384x384xf32, #tpu.memory_space<hbm>>
    tpu.enqueue_dma source(%arg2 : memref<8x384x384xf32, #tpu.memory_space<vmem>>) target(%dma_start3A_35 : memref<8x384x384xf32, #tpu.memory_space<hbm>>) target_semaphore(%arg4 : memref<!tpu.dma_semaphore, #tpu.memory_space<semaphore_mem>>)
    %dma_start3A_36 = arith.constant 0 : i32
    %dma_start3A_37 = arith.constant 40 : i32
    %dma_start3A_38 = arith.constant 0 : i32
    %dma_start3A_39 = arith.constant 0 : i32
    %dma_start3A_40 = tpu.memref_slice %arg1[%dma_start3A_36, %dma_start3A_37, %dma_start3A_38, %dma_start3A_39] : memref<2x96x384x384xf32, #tpu.memory_space<hbm>> -> memref<1x8x384x384xf32, #tpu.memory_space<hbm>>
    %dma_start3A_41 = tpu.memref_squeeze %dma_start3A_40 : memref<1x8x384x384xf32, #tpu.memory_space<hbm>> -> memref<8x384x384xf32, #tpu.memory_space<hbm>>
    tpu.enqueue_dma source(%arg2 : memref<8x384x384xf32, #tpu.memory_space<vmem>>) target(%dma_start3A_41 : memref<8x384x384xf32, #tpu.memory_space<hbm>>) target_semaphore(%arg4 : memref<!tpu.dma_semaphore, #tpu.memory_space<semaphore_mem>>)
    %dma_start3A_42 = arith.constant 0 : i32
    %dma_start3A_43 = arith.constant 48 : i32
    %dma_start3A_44 = arith.constant 0 : i32
    %dma_start3A_45 = arith.constant 0 : i32
    %dma_start3A_46 = tpu.memref_slice %arg1[%dma_start3A_42, %dma_start3A_43, %dma_start3A_44, %dma_start3A_45] : memref<2x96x384x384xf32, #tpu.memory_space<hbm>> -> memref<1x8x384x384xf32, #tpu.memory_space<hbm>>
    %dma_start3A_47 = tpu.memref_squeeze %dma_start3A_46 : memref<1x8x384x384xf32, #tpu.memory_space<hbm>> -> memref<8x384x384xf32, #tpu.memory_space<hbm>>
    tpu.enqueue_dma source(%arg2 : memref<8x384x384xf32, #tpu.memory_space<vmem>>) target(%dma_start3A_47 : memref<8x384x384xf32, #tpu.memory_space<hbm>>) target_semaphore(%arg4 : memref<!tpu.dma_semaphore, #tpu.memory_space<semaphore_mem>>)
    %dma_start3A_48 = arith.constant 0 : i32
    %dma_start3A_49 = arith.constant 56 : i32
    %dma_start3A_50 = arith.constant 0 : i32
    %dma_start3A_51 = arith.constant 0 : i32
    %dma_start3A_52 = tpu.memref_slice %arg1[%dma_start3A_48, %dma_start3A_49, %dma_start3A_50, %dma_start3A_51] : memref<2x96x384x384xf32, #tpu.memory_space<hbm>> -> memref<1x8x384x384xf32, #tpu.memory_space<hbm>>
    %dma_start3A_53 = tpu.memref_squeeze %dma_start3A_52 : memref<1x8x384x384xf32, #tpu.memory_space<hbm>> -> memref<8x384x384xf32, #tpu.memory_space<hbm>>
    tpu.enqueue_dma source(%arg2 : memref<8x384x384xf32, #tpu.memory_space<vmem>>) target(%dma_start3A_53 : memref<8x384x384xf32, #tpu.memory_space<hbm>>) target_semaphore(%arg4 : memref<!tpu.dma_semaphore, #tpu.memory_space<semaphore_mem>>)
    %dma_start3A_54 = arith.constant 0 : i32
    %dma_start3A_55 = arith.constant 64 : i32
    %dma_start3A_56 = arith.constant 0 : i32
    %dma_start3A_57 = arith.constant 0 : i32
    %dma_start3A_58 = tpu.memref_slice %arg1[%dma_start3A_54, %dma_start3A_55, %dma_start3A_56, %dma_start3A_57] : memref<2x96x384x384xf32, #tpu.memory_space<hbm>> -> memref<1x8x384x384xf32, #tpu.memory_space<hbm>>
    %dma_start3A_59 = tpu.memref_squeeze %dma_start3A_58 : memref<1x8x384x384xf32, #tpu.memory_space<hbm>> -> memref<8x384x384xf32, #tpu.memory_space<hbm>>
    tpu.enqueue_dma source(%arg2 : memref<8x384x384xf32, #tpu.memory_space<vmem>>) target(%dma_start3A_59 : memref<8x384x384xf32, #tpu.memory_space<hbm>>) target_semaphore(%arg4 : memref<!tpu.dma_semaphore, #tpu.memory_space<semaphore_mem>>)
    %dma_start3A_60 = arith.constant 0 : i32
    %dma_start3A_61 = arith.constant 72 : i32
    %dma_start3A_62 = arith.constant 0 : i32
    %dma_start3A_63 = arith.constant 0 : i32
    %dma_start3A_64 = tpu.memref_slice %arg1[%dma_start3A_60, %dma_start3A_61, %dma_start3A_62, %dma_start3A_63] : memref<2x96x384x384xf32, #tpu.memory_space<hbm>> -> memref<1x8x384x384xf32, #tpu.memory_space<hbm>>
    %dma_start3A_65 = tpu.memref_squeeze %dma_start3A_64 : memref<1x8x384x384xf32, #tpu.memory_space<hbm>> -> memref<8x384x384xf32, #tpu.memory_space<hbm>>
    tpu.enqueue_dma source(%arg2 : memref<8x384x384xf32, #tpu.memory_space<vmem>>) target(%dma_start3A_65 : memref<8x384x384xf32, #tpu.memory_space<hbm>>) target_semaphore(%arg4 : memref<!tpu.dma_semaphore, #tpu.memory_space<semaphore_mem>>)
    %dma_start3A_66 = arith.constant 0 : i32
    %dma_start3A_67 = arith.constant 80 : i32
    %dma_start3A_68 = arith.constant 0 : i32
    %dma_start3A_69 = arith.constant 0 : i32
    %dma_start3A_70 = tpu.memref_slice %arg1[%dma_start3A_66, %dma_start3A_67, %dma_start3A_68, %dma_start3A_69] : memref<2x96x384x384xf32, #tpu.memory_space<hbm>> -> memref<1x8x384x384xf32, #tpu.memory_space<hbm>>
    %dma_start3A_71 = tpu.memref_squeeze %dma_start3A_70 : memref<1x8x384x384xf32, #tpu.memory_space<hbm>> -> memref<8x384x384xf32, #tpu.memory_space<hbm>>
    tpu.enqueue_dma source(%arg2 : memref<8x384x384xf32, #tpu.memory_space<vmem>>) target(%dma_start3A_71 : memref<8x384x384xf32, #tpu.memory_space<hbm>>) target_semaphore(%arg4 : memref<!tpu.dma_semaphore, #tpu.memory_space<semaphore_mem>>)
    %dma_start3A_72 = arith.constant 0 : i32
    %dma_start3A_73 = arith.constant 88 : i32
    %dma_start3A_74 = arith.constant 0 : i32
    %dma_start3A_75 = arith.constant 0 : i32
    %dma_start3A_76 = tpu.memref_slice %arg1[%dma_start3A_72, %dma_start3A_73, %dma_start3A_74, %dma_start3A_75] : memref<2x96x384x384xf32, #tpu.memory_space<hbm>> -> memref<1x8x384x384xf32, #tpu.memory_space<hbm>>
    %dma_start3A_77 = tpu.memref_squeeze %dma_start3A_76 : memref<1x8x384x384xf32, #tpu.memory_space<hbm>> -> memref<8x384x384xf32, #tpu.memory_space<hbm>>
    tpu.enqueue_dma source(%arg2 : memref<8x384x384xf32, #tpu.memory_space<vmem>>) target(%dma_start3A_77 : memref<8x384x384xf32, #tpu.memory_space<hbm>>) target_semaphore(%arg4 : memref<!tpu.dma_semaphore, #tpu.memory_space<semaphore_mem>>)
    %get3A_78 = arith.constant 384 : index
    %get3A_79 = arith.constant 0 : index
    %get3A_80 = vector.load %arg0[%get3A_78, %get3A_79] : memref<768x384xf32, #tpu.memory_space<vmem>>, vector<384x384xf32>
    %broadcast_in_dim3A_81 = vector.shape_cast %get3A_80 : vector<384x384xf32> to vector<1x384x384xf32>
    %broadcast_in_dim3A_82 = vector.shape_cast %broadcast_in_dim3A_81 : vector<1x384x384xf32> to vector<1x384x384xf32>
    %broadcast_in_dim3A_83 = vector.broadcast %broadcast_in_dim3A_82 : vector<1x384x384xf32> to vector<8x384x384xf32>
    %swap3A_84 = arith.constant 0 : index
    %swap3A_85 = arith.constant 0 : index
    %swap3A_86 = arith.constant 0 : index
    %swap3A_87 = vector.load %arg3[%swap3A_84, %swap3A_85, %swap3A_86] : memref<8x384x384xf32, #tpu.memory_space<vmem>>, vector<8x384x384xf32>
    tpu.vector_store %arg3[%swap3A_84, %swap3A_85, %swap3A_86], %broadcast_in_dim3A_83 {strides = array<i32>} : memref<8x384x384xf32, #tpu.memory_space<vmem>>, vector<8x384x384xf32>,
    %dma_start3A_88 = arith.constant 1 : i32
    %dma_start3A_89 = arith.constant 0 : i32
    %dma_start3A_90 = arith.constant 0 : i32
    %dma_start3A_91 = arith.constant 0 : i32
    %dma_start3A_92 = tpu.memref_slice %arg1[%dma_start3A_88, %dma_start3A_89, %dma_start3A_90, %dma_start3A_91] : memref<2x96x384x384xf32, #tpu.memory_space<hbm>> -> memref<1x8x384x384xf32, #tpu.memory_space<hbm>>
    %dma_start3A_93 = tpu.memref_squeeze %dma_start3A_92 : memref<1x8x384x384xf32, #tpu.memory_space<hbm>> -> memref<8x384x384xf32, #tpu.memory_space<hbm>>
    tpu.enqueue_dma source(%arg3 : memref<8x384x384xf32, #tpu.memory_space<vmem>>) target(%dma_start3A_93 : memref<8x384x384xf32, #tpu.memory_space<hbm>>) target_semaphore(%arg4 : memref<!tpu.dma_semaphore, #tpu.memory_space<semaphore_mem>>)
    %dma_start3A_94 = arith.constant 1 : i32
    %dma_start3A_95 = arith.constant 8 : i32
    %dma_start3A_96 = arith.constant 0 : i32
    %dma_start3A_97 = arith.constant 0 : i32
    %dma_start3A_98 = tpu.memref_slice %arg1[%dma_start3A_94, %dma_start3A_95, %dma_start3A_96, %dma_start3A_97] : memref<2x96x384x384xf32, #tpu.memory_space<hbm>> -> memref<1x8x384x384xf32, #tpu.memory_space<hbm>>
    %dma_start3A_99 = tpu.memref_squeeze %dma_start3A_98 : memref<1x8x384x384xf32, #tpu.memory_space<hbm>> -> memref<8x384x384xf32, #tpu.memory_space<hbm>>
    tpu.enqueue_dma source(%arg3 : memref<8x384x384xf32, #tpu.memory_space<vmem>>) target(%dma_start3A_99 : memref<8x384x384xf32, #tpu.memory_space<hbm>>) target_semaphore(%arg4 : memref<!tpu.dma_semaphore, #tpu.memory_space<semaphore_mem>>)
    %dma_start3A_100 = arith.constant 1 : i32
    %dma_start3A_101 = arith.constant 16 : i32
    %dma_start3A_102 = arith.constant 0 : i32
    %dma_start3A_103 = arith.constant 0 : i32
    %dma_start3A_104 = tpu.memref_slice %arg1[%dma_start3A_100, %dma_start3A_101, %dma_start3A_102, %dma_start3A_103] : memref<2x96x384x384xf32, #tpu.memory_space<hbm>> -> memref<1x8x384x384xf32, #tpu.memory_space<hbm>>
    %dma_start3A_105 = tpu.memref_squeeze %dma_start3A_104 : memref<1x8x384x384xf32, #tpu.memory_space<hbm>> -> memref<8x384x384xf32, #tpu.memory_space<hbm>>
    tpu.enqueue_dma source(%arg3 : memref<8x384x384xf32, #tpu.memory_space<vmem>>) target(%dma_start3A_105 : memref<8x384x384xf32, #tpu.memory_space<hbm>>) target_semaphore(%arg4 : memref<!tpu.dma_semaphore, #tpu.memory_space<semaphore_mem>>)
    %dma_start3A_106 = arith.constant 1 : i32
    %dma_start3A_107 = arith.constant 24 : i32
    %dma_start3A_108 = arith.constant 0 : i32
    %dma_start3A_109 = arith.constant 0 : i32
    %dma_start3A_110 = tpu.memref_slice %arg1[%dma_start3A_106, %dma_start3A_107, %dma_start3A_108, %dma_start3A_109] : memref<2x96x384x384xf32, #tpu.memory_space<hbm>> -> memref<1x8x384x384xf32, #tpu.memory_space<hbm>>
    %dma_start3A_111 = tpu.memref_squeeze %dma_start3A_110 : memref<1x8x384x384xf32, #tpu.memory_space<hbm>> -> memref<8x384x384xf32, #tpu.memory_space<hbm>>
    tpu.enqueue_dma source(%arg3 : memref<8x384x384xf32, #tpu.memory_space<vmem>>) target(%dma_start3A_111 : memref<8x384x384xf32, #tpu.memory_space<hbm>>) target_semaphore(%arg4 : memref<!tpu.dma_semaphore, #tpu.memory_space<semaphore_mem>>)
    %dma_start3A_112 = arith.constant 1 : i32
    %dma_start3A_113 = arith.constant 32 : i32
    %dma_start3A_114 = arith.constant 0 : i32
    %dma_start3A_115 = arith.constant 0 : i32
    %dma_start3A_116 = tpu.memref_slice %arg1[%dma_start3A_112, %dma_start3A_113, %dma_start3A_114, %dma_start3A_115] : memref<2x96x384x384xf32, #tpu.memory_space<hbm>> -> memref<1x8x384x384xf32, #tpu.memory_space<hbm>>
    %dma_start3A_117 = tpu.memref_squeeze %dma_start3A_116 : memref<1x8x384x384xf32, #tpu.memory_space<hbm>> -> memref<8x384x384xf32, #tpu.memory_space<hbm>>
    tpu.enqueue_dma source(%arg3 : memref<8x384x384xf32, #tpu.memory_space<vmem>>) target(%dma_start3A_117 : memref<8x384x384xf32, #tpu.memory_space<hbm>>) target_semaphore(%arg4 : memref<!tpu.dma_semaphore, #tpu.memory_space<semaphore_mem>>)
    %dma_start3A_118 = arith.constant 1 : i32
    %dma_start3A_119 = arith.constant 40 : i32
    %dma_start3A_120 = arith.constant 0 : i32
    %dma_start3A_121 = arith.constant 0 : i32
    %dma_start3A_122 = tpu.memref_slice %arg1[%dma_start3A_118, %dma_start3A_119, %dma_start3A_120, %dma_start3A_121] : memref<2x96x384x384xf32, #tpu.memory_space<hbm>> -> memref<1x8x384x384xf32, #tpu.memory_space<hbm>>
    %dma_start3A_123 = tpu.memref_squeeze %dma_start3A_122 : memref<1x8x384x384xf32, #tpu.memory_space<hbm>> -> memref<8x384x384xf32, #tpu.memory_space<hbm>>
    tpu.enqueue_dma source(%arg3 : memref<8x384x384xf32, #tpu.memory_space<vmem>>) target(%dma_start3A_123 : memref<8x384x384xf32, #tpu.memory_space<hbm>>) target_semaphore(%arg4 : memref<!tpu.dma_semaphore, #tpu.memory_space<semaphore_mem>>)
    %dma_start3A_124 = arith.constant 1 : i32
    %dma_start3A_125 = arith.constant 48 : i32
    %dma_start3A_126 = arith.constant 0 : i32
    %dma_start3A_127 = arith.constant 0 : i32
    %dma_start3A_128 = tpu.memref_slice %arg1[%dma_start3A_124, %dma_start3A_125, %dma_start3A_126, %dma_start3A_127] : memref<2x96x384x384xf32, #tpu.memory_space<hbm>> -> memref<1x8x384x384xf32, #tpu.memory_space<hbm>>
    %dma_start3A_129 = tpu.memref_squeeze %dma_start3A_128 : memref<1x8x384x384xf32, #tpu.memory_space<hbm>> -> memref<8x384x384xf32, #tpu.memory_space<hbm>>
    tpu.enqueue_dma source(%arg3 : memref<8x384x384xf32, #tpu.memory_space<vmem>>) target(%dma_start3A_129 : memref<8x384x384xf32, #tpu.memory_space<hbm>>) target_semaphore(%arg4 : memref<!tpu.dma_semaphore, #tpu.memory_space<semaphore_mem>>)
    %dma_start3A_130 = arith.constant 1 : i32
    %dma_start3A_131 = arith.constant 56 : i32
    %dma_start3A_132 = arith.constant 0 : i32
    %dma_start3A_133 = arith.constant 0 : i32
    %dma_start3A_134 = tpu.memref_slice %arg1[%dma_start3A_130, %dma_start3A_131, %dma_start3A_132, %dma_start3A_133] : memref<2x96x384x384xf32, #tpu.memory_space<hbm>> -> memref<1x8x384x384xf32, #tpu.memory_space<hbm>>
    %dma_start3A_135 = tpu.memref_squeeze %dma_start3A_134 : memref<1x8x384x384xf32, #tpu.memory_space<hbm>> -> memref<8x384x384xf32, #tpu.memory_space<hbm>>
    tpu.enqueue_dma source(%arg3 : memref<8x384x384xf32, #tpu.memory_space<vmem>>) target(%dma_start3A_135 : memref<8x384x384xf32, #tpu.memory_space<hbm>>) target_semaphore(%arg4 : memref<!tpu.dma_semaphore, #tpu.memory_space<semaphore_mem>>)
    %dma_start3A_136 = arith.constant 1 : i32
    %dma_start3A_137 = arith.constant 64 : i32
    %dma_start3A_138 = arith.constant 0 : i32
    %dma_start3A_139 = arith.constant 0 : i32
    %dma_start3A_140 = tpu.memref_slice %arg1[%dma_start3A_136, %dma_start3A_137, %dma_start3A_138, %dma_start3A_139] : memref<2x96x384x384xf32, #tpu.memory_space<hbm>> -> memref<1x8x384x384xf32, #tpu.memory_space<hbm>>
    %dma_start3A_141 = tpu.memref_squeeze %dma_start3A_140 : memref<1x8x384x384xf32, #tpu.memory_space<hbm>> -> memref<8x384x384xf32, #tpu.memory_space<hbm>>
    tpu.enqueue_dma source(%arg3 : memref<8x384x384xf32, #tpu.memory_space<vmem>>) target(%dma_start3A_141 : memref<8x384x384xf32, #tpu.memory_space<hbm>>) target_semaphore(%arg4 : memref<!tpu.dma_semaphore, #tpu.memory_space<semaphore_mem>>)
    %dma_start3A_142 = arith.constant 1 : i32
    %dma_start3A_143 = arith.constant 72 : i32
    %dma_start3A_144 = arith.constant 0 : i32
    %dma_start3A_145 = arith.constant 0 : i32
    %dma_start3A_146 = tpu.memref_slice %arg1[%dma_start3A_142, %dma_start3A_143, %dma_start3A_144, %dma_start3A_145] : memref<2x96x384x384xf32, #tpu.memory_space<hbm>> -> memref<1x8x384x384xf32, #tpu.memory_space<hbm>>
    %dma_start3A_147 = tpu.memref_squeeze %dma_start3A_146 : memref<1x8x384x384xf32, #tpu.memory_space<hbm>> -> memref<8x384x384xf32, #tpu.memory_space<hbm>>
    tpu.enqueue_dma source(%arg3 : memref<8x384x384xf32, #tpu.memory_space<vmem>>) target(%dma_start3A_147 : memref<8x384x384xf32, #tpu.memory_space<hbm>>) target_semaphore(%arg4 : memref<!tpu.dma_semaphore, #tpu.memory_space<semaphore_mem>>)
    %dma_start3A_148 = arith.constant 1 : i32
    %dma_start3A_149 = arith.constant 80 : i32
    %dma_start3A_150 = arith.constant 0 : i32
    %dma_start3A_151 = arith.constant 0 : i32
    %dma_start3A_152 = tpu.memref_slice %arg1[%dma_start3A_148, %dma_start3A_149, %dma_start3A_150, %dma_start3A_151] : memref<2x96x384x384xf32, #tpu.memory_space<hbm>> -> memref<1x8x384x384xf32, #tpu.memory_space<hbm>>
    %dma_start3A_153 = tpu.memref_squeeze %dma_start3A_152 : memref<1x8x384x384xf32, #tpu.memory_space<hbm>> -> memref<8x384x384xf32, #tpu.memory_space<hbm>>
    tpu.enqueue_dma source(%arg3 : memref<8x384x384xf32, #tpu.memory_space<vmem>>) target(%dma_start3A_153 : memref<8x384x384xf32, #tpu.memory_space<hbm>>) target_semaphore(%arg4 : memref<!tpu.dma_semaphore, #tpu.memory_space<semaphore_mem>>)
    %dma_start3A_154 = arith.constant 1 : i32
    %dma_start3A_155 = arith.constant 88 : i32
    %dma_start3A_156 = arith.constant 0 : i32
    %dma_start3A_157 = arith.constant 0 : i32
    %dma_start3A_158 = tpu.memref_slice %arg1[%dma_start3A_154, %dma_start3A_155, %dma_start3A_156, %dma_start3A_157] : memref<2x96x384x384xf32, #tpu.memory_space<hbm>> -> memref<1x8x384x384xf32, #tpu.memory_space<hbm>>
    %dma_start3A_159 = tpu.memref_squeeze %dma_start3A_158 : memref<1x8x384x384xf32, #tpu.memory_space<hbm>> -> memref<8x384x384xf32, #tpu.memory_space<hbm>>
    tpu.enqueue_dma source(%arg3 : memref<8x384x384xf32, #tpu.memory_space<vmem>>) target(%dma_start3A_159 : memref<8x384x384xf32, #tpu.memory_space<hbm>>) target_semaphore(%arg4 : memref<!tpu.dma_semaphore, #tpu.memory_space<semaphore_mem>>)
    %dma_wait3A = arith.constant 0 : i32
    %dma_wait3A_160 = arith.constant 0 : i32
    %dma_wait3A_161 = arith.constant 0 : i32
    %dma_wait3A_162 = arith.constant 0 : i32
    %dma_wait3A_163 = tpu.memref_slice %arg1[%dma_wait3A, %dma_wait3A_160, %dma_wait3A_161, %dma_wait3A_162] : memref<2x96x384x384xf32, #tpu.memory_space<hbm>> -> memref<1x8x384x384xf32, #tpu.memory_space<hbm>>
    %dma_wait3A_164 = tpu.memref_squeeze %dma_wait3A_163 : memref<1x8x384x384xf32, #tpu.memory_space<hbm>> -> memref<8x384x384xf32, #tpu.memory_space<hbm>>
    tpu.wait_dma2 semaphore(%arg4 : memref<!tpu.dma_semaphore, #tpu.memory_space<semaphore_mem>>) src(%arg2 : memref<8x384x384xf32, #tpu.memory_space<vmem>>) dst(%dma_wait3A_164 : memref<8x384x384xf32, #tpu.memory_space<hbm>>)
    %dma_wait3A_165 = arith.constant 0 : i32
    %dma_wait3A_166 = arith.constant 8 : i32
    %dma_wait3A_167 = arith.constant 0 : i32
    %dma_wait3A_168 = arith.constant 0 : i32
    %dma_wait3A_169 = tpu.memref_slice %arg1[%dma_wait3A_165, %dma_wait3A_166, %dma_wait3A_167, %dma_wait3A_168] : memref<2x96x384x384xf32, #tpu.memory_space<hbm>> -> memref<1x8x384x384xf32, #tpu.memory_space<hbm>>
    %dma_wait3A_170 = tpu.memref_squeeze %dma_wait3A_169 : memref<1x8x384x384xf32, #tpu.memory_space<hbm>> -> memref<8x384x384xf32, #tpu.memory_space<hbm>>
    tpu.wait_dma2 semaphore(%arg4 : memref<!tpu.dma_semaphore, #tpu.memory_space<semaphore_mem>>) src(%arg2 : memref<8x384x384xf32, #tpu.memory_space<vmem>>) dst(%dma_wait3A_170 : memref<8x384x384xf32, #tpu.memory_space<hbm>>)
    %dma_wait3A_171 = arith.constant 0 : i32
    %dma_wait3A_172 = arith.constant 16 : i32
    %dma_wait3A_173 = arith.constant 0 : i32
    %dma_wait3A_174 = arith.constant 0 : i32
    %dma_wait3A_175 = tpu.memref_slice %arg1[%dma_wait3A_171, %dma_wait3A_172, %dma_wait3A_173, %dma_wait3A_174] : memref<2x96x384x384xf32, #tpu.memory_space<hbm>> -> memref<1x8x384x384xf32, #tpu.memory_space<hbm>>
    %dma_wait3A_176 = tpu.memref_squeeze %dma_wait3A_175 : memref<1x8x384x384xf32, #tpu.memory_space<hbm>> -> memref<8x384x384xf32, #tpu.memory_space<hbm>>
    tpu.wait_dma2 semaphore(%arg4 : memref<!tpu.dma_semaphore, #tpu.memory_space<semaphore_mem>>) src(%arg2 : memref<8x384x384xf32, #tpu.memory_space<vmem>>) dst(%dma_wait3A_176 : memref<8x384x384xf32, #tpu.memory_space<hbm>>)
    %dma_wait3A_177 = arith.constant 0 : i32
    %dma_wait3A_178 = arith.constant 24 : i32
    %dma_wait3A_179 = arith.constant 0 : i32
    %dma_wait3A_180 = arith.constant 0 : i32
    %dma_wait3A_181 = tpu.memref_slice %arg1[%dma_wait3A_177, %dma_wait3A_178, %dma_wait3A_179, %dma_wait3A_180] : memref<2x96x384x384xf32, #tpu.memory_space<hbm>> -> memref<1x8x384x384xf32, #tpu.memory_space<hbm>>
    %dma_wait3A_182 = tpu.memref_squeeze %dma_wait3A_181 : memref<1x8x384x384xf32, #tpu.memory_space<hbm>> -> memref<8x384x384xf32, #tpu.memory_space<hbm>>
    tpu.wait_dma2 semaphore(%arg4 : memref<!tpu.dma_semaphore, #tpu.memory_space<semaphore_mem>>) src(%arg2 : memref<8x384x384xf32, #tpu.memory_space<vmem>>) dst(%dma_wait3A_182 : memref<8x384x384xf32, #tpu.memory_space<hbm>>)
    %dma_wait3A_183 = arith.constant 0 : i32
    %dma_wait3A_184 = arith.constant 32 : i32
    %dma_wait3A_185 = arith.constant 0 : i32
    %dma_wait3A_186 = arith.constant 0 : i32
    %dma_wait3A_187 = tpu.memref_slice %arg1[%dma_wait3A_183, %dma_wait3A_184, %dma_wait3A_185, %dma_wait3A_186] : memref<2x96x384x384xf32, #tpu.memory_space<hbm>> -> memref<1x8x384x384xf32, #tpu.memory_space<hbm>>
    %dma_wait3A_188 = tpu.memref_squeeze %dma_wait3A_187 : memref<1x8x384x384xf32, #tpu.memory_space<hbm>> -> memref<8x384x384xf32, #tpu.memory_space<hbm>>
    tpu.wait_dma2 semaphore(%arg4 : memref<!tpu.dma_semaphore, #tpu.memory_space<semaphore_mem>>) src(%arg2 : memref<8x384x384xf32, #tpu.memory_space<vmem>>) dst(%dma_wait3A_188 : memref<8x384x384xf32, #tpu.memory_space<hbm>>)
    %dma_wait3A_189 = arith.constant 0 : i32
    %dma_wait3A_190 = arith.constant 40 : i32
    %dma_wait3A_191 = arith.constant 0 : i32
    %dma_wait3A_192 = arith.constant 0 : i32
    %dma_wait3A_193 = tpu.memref_slice %arg1[%dma_wait3A_189, %dma_wait3A_190, %dma_wait3A_191, %dma_wait3A_192] : memref<2x96x384x384xf32, #tpu.memory_space<hbm>> -> memref<1x8x384x384xf32, #tpu.memory_space<hbm>>
    %dma_wait3A_194 = tpu.memref_squeeze %dma_wait3A_193 : memref<1x8x384x384xf32, #tpu.memory_space<hbm>> -> memref<8x384x384xf32, #tpu.memory_space<hbm>>
    tpu.wait_dma2 semaphore(%arg4 : memref<!tpu.dma_semaphore, #tpu.memory_space<semaphore_mem>>) src(%arg2 : memref<8x384x384xf32, #tpu.memory_space<vmem>>) dst(%dma_wait3A_194 : memref<8x384x384xf32, #tpu.memory_space<hbm>>)
    %dma_wait3A_195 = arith.constant 0 : i32
    %dma_wait3A_196 = arith.constant 48 : i32
    %dma_wait3A_197 = arith.constant 0 : i32
    %dma_wait3A_198 = arith.constant 0 : i32
    %dma_wait3A_199 = tpu.memref_slice %arg1[%dma_wait3A_195, %dma_wait3A_196, %dma_wait3A_197, %dma_wait3A_198] : memref<2x96x384x384xf32, #tpu.memory_space<hbm>> -> memref<1x8x384x384xf32, #tpu.memory_space<hbm>>
    %dma_wait3A_200 = tpu.memref_squeeze %dma_wait3A_199 : memref<1x8x384x384xf32, #tpu.memory_space<hbm>> -> memref<8x384x384xf32, #tpu.memory_space<hbm>>
    tpu.wait_dma2 semaphore(%arg4 : memref<!tpu.dma_semaphore, #tpu.memory_space<semaphore_mem>>) src(%arg2 : memref<8x384x384xf32, #tpu.memory_space<vmem>>) dst(%dma_wait3A_200 : memref<8x384x384xf32, #tpu.memory_space<hbm>>)
    %dma_wait3A_201 = arith.constant 0 : i32
    %dma_wait3A_202 = arith.constant 56 : i32
    %dma_wait3A_203 = arith.constant 0 : i32
    %dma_wait3A_204 = arith.constant 0 : i32
    %dma_wait3A_205 = tpu.memref_slice %arg1[%dma_wait3A_201, %dma_wait3A_202, %dma_wait3A_203, %dma_wait3A_204] : memref<2x96x384x384xf32, #tpu.memory_space<hbm>> -> memref<1x8x384x384xf32, #tpu.memory_space<hbm>>
    %dma_wait3A_206 = tpu.memref_squeeze %dma_wait3A_205 : memref<1x8x384x384xf32, #tpu.memory_space<hbm>> -> memref<8x384x384xf32, #tpu.memory_space<hbm>>
    tpu.wait_dma2 semaphore(%arg4 : memref<!tpu.dma_semaphore, #tpu.memory_space<semaphore_mem>>) src(%arg2 : memref<8x384x384xf32, #tpu.memory_space<vmem>>) dst(%dma_wait3A_206 : memref<8x384x384xf32, #tpu.memory_space<hbm>>)
    %dma_wait3A_207 = arith.constant 0 : i32
    %dma_wait3A_208 = arith.constant 64 : i32
    %dma_wait3A_209 = arith.constant 0 : i32
    %dma_wait3A_210 = arith.constant 0 : i32
    %dma_wait3A_211 = tpu.memref_slice %arg1[%dma_wait3A_207, %dma_wait3A_208, %dma_wait3A_209, %dma_wait3A_210] : memref<2x96x384x384xf32, #tpu.memory_space<hbm>> -> memref<1x8x384x384xf32, #tpu.memory_space<hbm>>
    %dma_wait3A_212 = tpu.memref_squeeze %dma_wait3A_211 : memref<1x8x384x384xf32, #tpu.memory_space<hbm>> -> memref<8x384x384xf32, #tpu.memory_space<hbm>>
    tpu.wait_dma2 semaphore(%arg4 : memref<!tpu.dma_semaphore, #tpu.memory_space<semaphore_mem>>) src(%arg2 : memref<8x384x384xf32, #tpu.memory_space<vmem>>) dst(%dma_wait3A_212 : memref<8x384x384xf32, #tpu.memory_space<hbm>>)
    %dma_wait3A_213 = arith.constant 0 : i32
    %dma_wait3A_214 = arith.constant 72 : i32
    %dma_wait3A_215 = arith.constant 0 : i32
    %dma_wait3A_216 = arith.constant 0 : i32
    %dma_wait3A_217 = tpu.memref_slice %arg1[%dma_wait3A_213, %dma_wait3A_214, %dma_wait3A_215, %dma_wait3A_216] : memref<2x96x384x384xf32, #tpu.memory_space<hbm>> -> memref<1x8x384x384xf32, #tpu.memory_space<hbm>>
    %dma_wait3A_218 = tpu.memref_squeeze %dma_wait3A_217 : memref<1x8x384x384xf32, #tpu.memory_space<hbm>> -> memref<8x384x384xf32, #tpu.memory_space<hbm>>
    tpu.wait_dma2 semaphore(%arg4 : memref<!tpu.dma_semaphore, #tpu.memory_space<semaphore_mem>>) src(%arg2 : memref<8x384x384xf32, #tpu.memory_space<vmem>>) dst(%dma_wait3A_218 : memref<8x384x384xf32, #tpu.memory_space<hbm>>)
    %dma_wait3A_219 = arith.constant 0 : i32
    %dma_wait3A_220 = arith.constant 80 : i32
    %dma_wait3A_221 = arith.constant 0 : i32
    %dma_wait3A_222 = arith.constant 0 : i32
    %dma_wait3A_223 = tpu.memref_slice %arg1[%dma_wait3A_219, %dma_wait3A_220, %dma_wait3A_221, %dma_wait3A_222] : memref<2x96x384x384xf32, #tpu.memory_space<hbm>> -> memref<1x8x384x384xf32, #tpu.memory_space<hbm>>
    %dma_wait3A_224 = tpu.memref_squeeze %dma_wait3A_223 : memref<1x8x384x384xf32, #tpu.memory_space<hbm>> -> memref<8x384x384xf32, #tpu.memory_space<hbm>>
    tpu.wait_dma2 semaphore(%arg4 : memref<!tpu.dma_semaphore, #tpu.memory_space<semaphore_mem>>) src(%arg2 : memref<8x384x384xf32, #tpu.memory_space<vmem>>) dst(%dma_wait3A_224 : memref<8x384x384xf32, #tpu.memory_space<hbm>>)
    %dma_wait3A_225 = arith.constant 0 : i32
    %dma_wait3A_226 = arith.constant 88 : i32
    %dma_wait3A_227 = arith.constant 0 : i32
    %dma_wait3A_228 = arith.constant 0 : i32
    %dma_wait3A_229 = tpu.memref_slice %arg1[%dma_wait3A_225, %dma_wait3A_226, %dma_wait3A_227, %dma_wait3A_228] : memref<2x96x384x384xf32, #tpu.memory_space<hbm>> -> memref<1x8x384x384xf32, #tpu.memory_space<hbm>>
    %dma_wait3A_230 = tpu.memref_squeeze %dma_wait3A_229 : memref<1x8x384x384xf32, #tpu.memory_space<hbm>> -> memref<8x384x384xf32, #tpu.memory_space<hbm>>
    tpu.wait_dma2 semaphore(%arg4 : memref<!tpu.dma_semaphore, #tpu.memory_space<semaphore_mem>>) src(%arg2 : memref<8x384x384xf32, #tpu.memory_space<vmem>>) dst(%dma_wait3A_230 : memref<8x384x384xf32, #tpu.memory_space<hbm>>)
    %dma_wait3A_231 = arith.constant 1 : i32
    %dma_wait3A_232 = arith.constant 0 : i32
    %dma_wait3A_233 = arith.constant 0 : i32
    %dma_wait3A_234 = arith.constant 0 : i32
    %dma_wait3A_235 = tpu.memref_slice %arg1[%dma_wait3A_231, %dma_wait3A_232, %dma_wait3A_233, %dma_wait3A_234] : memref<2x96x384x384xf32, #tpu.memory_space<hbm>> -> memref<1x8x384x384xf32, #tpu.memory_space<hbm>>
    %dma_wait3A_236 = tpu.memref_squeeze %dma_wait3A_235 : memref<1x8x384x384xf32, #tpu.memory_space<hbm>> -> memref<8x384x384xf32, #tpu.memory_space<hbm>>
    tpu.wait_dma2 semaphore(%arg4 : memref<!tpu.dma_semaphore, #tpu.memory_space<semaphore_mem>>) src(%arg3 : memref<8x384x384xf32, #tpu.memory_space<vmem>>) dst(%dma_wait3A_236 : memref<8x384x384xf32, #tpu.memory_space<hbm>>)
    %dma_wait3A_237 = arith.constant 1 : i32
    %dma_wait3A_238 = arith.constant 8 : i32
    %dma_wait3A_239 = arith.constant 0 : i32
    %dma_wait3A_240 = arith.constant 0 : i32
    %dma_wait3A_241 = tpu.memref_slice %arg1[%dma_wait3A_237, %dma_wait3A_238, %dma_wait3A_239, %dma_wait3A_240] : memref<2x96x384x384xf32, #tpu.memory_space<hbm>> -> memref<1x8x384x384xf32, #tpu.memory_space<hbm>>
    %dma_wait3A_242 = tpu.memref_squeeze %dma_wait3A_241 : memref<1x8x384x384xf32, #tpu.memory_space<hbm>> -> memref<8x384x384xf32, #tpu.memory_space<hbm>>
    tpu.wait_dma2 semaphore(%arg4 : memref<!tpu.dma_semaphore, #tpu.memory_space<semaphore_mem>>) src(%arg3 : memref<8x384x384xf32, #tpu.memory_space<vmem>>) dst(%dma_wait3A_242 : memref<8x384x384xf32, #tpu.memory_space<hbm>>)
    %dma_wait3A_243 = arith.constant 1 : i32
    %dma_wait3A_244 = arith.constant 16 : i32
    %dma_wait3A_245 = arith.constant 0 : i32
    %dma_wait3A_246 = arith.constant 0 : i32
    %dma_wait3A_247 = tpu.memref_slice %arg1[%dma_wait3A_243, %dma_wait3A_244, %dma_wait3A_245, %dma_wait3A_246] : memref<2x96x384x384xf32, #tpu.memory_space<hbm>> -> memref<1x8x384x384xf32, #tpu.memory_space<hbm>>
    %dma_wait3A_248 = tpu.memref_squeeze %dma_wait3A_247 : memref<1x8x384x384xf32, #tpu.memory_space<hbm>> -> memref<8x384x384xf32, #tpu.memory_space<hbm>>
    tpu.wait_dma2 semaphore(%arg4 : memref<!tpu.dma_semaphore, #tpu.memory_space<semaphore_mem>>) src(%arg3 : memref<8x384x384xf32, #tpu.memory_space<vmem>>) dst(%dma_wait3A_248 : memref<8x384x384xf32, #tpu.memory_space<hbm>>)
    %dma_wait3A_249 = arith.constant 1 : i32
    %dma_wait3A_250 = arith.constant 24 : i32
    %dma_wait3A_251 = arith.constant 0 : i32
    %dma_wait3A_252 = arith.constant 0 : i32
    %dma_wait3A_253 = tpu.memref_slice %arg1[%dma_wait3A_249, %dma_wait3A_250, %dma_wait3A_251, %dma_wait3A_252] : memref<2x96x384x384xf32, #tpu.memory_space<hbm>> -> memref<1x8x384x384xf32, #tpu.memory_space<hbm>>
    %dma_wait3A_254 = tpu.memref_squeeze %dma_wait3A_253 : memref<1x8x384x384xf32, #tpu.memory_space<hbm>> -> memref<8x384x384xf32, #tpu.memory_space<hbm>>
    tpu.wait_dma2 semaphore(%arg4 : memref<!tpu.dma_semaphore, #tpu.memory_space<semaphore_mem>>) src(%arg3 : memref<8x384x384xf32, #tpu.memory_space<vmem>>) dst(%dma_wait3A_254 : memref<8x384x384xf32, #tpu.memory_space<hbm>>)
    %dma_wait3A_255 = arith.constant 1 : i32
    %dma_wait3A_256 = arith.constant 32 : i32
    %dma_wait3A_257 = arith.constant 0 : i32
    %dma_wait3A_258 = arith.constant 0 : i32
    %dma_wait3A_259 = tpu.memref_slice %arg1[%dma_wait3A_255, %dma_wait3A_256, %dma_wait3A_257, %dma_wait3A_258] : memref<2x96x384x384xf32, #tpu.memory_space<hbm>> -> memref<1x8x384x384xf32, #tpu.memory_space<hbm>>
    %dma_wait3A_260 = tpu.memref_squeeze %dma_wait3A_259 : memref<1x8x384x384xf32, #tpu.memory_space<hbm>> -> memref<8x384x384xf32, #tpu.memory_space<hbm>>
    tpu.wait_dma2 semaphore(%arg4 : memref<!tpu.dma_semaphore, #tpu.memory_space<semaphore_mem>>) src(%arg3 : memref<8x384x384xf32, #tpu.memory_space<vmem>>) dst(%dma_wait3A_260 : memref<8x384x384xf32, #tpu.memory_space<hbm>>)
    %dma_wait3A_261 = arith.constant 1 : i32
    %dma_wait3A_262 = arith.constant 40 : i32
    %dma_wait3A_263 = arith.constant 0 : i32
    %dma_wait3A_264 = arith.constant 0 : i32
    %dma_wait3A_265 = tpu.memref_slice %arg1[%dma_wait3A_261, %dma_wait3A_262, %dma_wait3A_263, %dma_wait3A_264] : memref<2x96x384x384xf32, #tpu.memory_space<hbm>> -> memref<1x8x384x384xf32, #tpu.memory_space<hbm>>
    %dma_wait3A_266 = tpu.memref_squeeze %dma_wait3A_265 : memref<1x8x384x384xf32, #tpu.memory_space<hbm>> -> memref<8x384x384xf32, #tpu.memory_space<hbm>>
    tpu.wait_dma2 semaphore(%arg4 : memref<!tpu.dma_semaphore, #tpu.memory_space<semaphore_mem>>) src(%arg3 : memref<8x384x384xf32, #tpu.memory_space<vmem>>) dst(%dma_wait3A_266 : memref<8x384x384xf32, #tpu.memory_space<hbm>>)
    %dma_wait3A_267 = arith.constant 1 : i32
    %dma_wait3A_268 = arith.constant 48 : i32
    %dma_wait3A_269 = arith.constant 0 : i32
    %dma_wait3A_270 = arith.constant 0 : i32
    %dma_wait3A_271 = tpu.memref_slice %arg1[%dma_wait3A_267, %dma_wait3A_268, %dma_wait3A_269, %dma_wait3A_270] : memref<2x96x384x384xf32, #tpu.memory_space<hbm>> -> memref<1x8x384x384xf32, #tpu.memory_space<hbm>>
    %dma_wait3A_272 = tpu.memref_squeeze %dma_wait3A_271 : memref<1x8x384x384xf32, #tpu.memory_space<hbm>> -> memref<8x384x384xf32, #tpu.memory_space<hbm>>
    tpu.wait_dma2 semaphore(%arg4 : memref<!tpu.dma_semaphore, #tpu.memory_space<semaphore_mem>>) src(%arg3 : memref<8x384x384xf32, #tpu.memory_space<vmem>>) dst(%dma_wait3A_272 : memref<8x384x384xf32, #tpu.memory_space<hbm>>)
    %dma_wait3A_273 = arith.constant 1 : i32
    %dma_wait3A_274 = arith.constant 56 : i32
    %dma_wait3A_275 = arith.constant 0 : i32
    %dma_wait3A_276 = arith.constant 0 : i32
    %dma_wait3A_277 = tpu.memref_slice %arg1[%dma_wait3A_273, %dma_wait3A_274, %dma_wait3A_275, %dma_wait3A_276] : memref<2x96x384x384xf32, #tpu.memory_space<hbm>> -> memref<1x8x384x384xf32, #tpu.memory_space<hbm>>
    %dma_wait3A_278 = tpu.memref_squeeze %dma_wait3A_277 : memref<1x8x384x384xf32, #tpu.memory_space<hbm>> -> memref<8x384x384xf32, #tpu.memory_space<hbm>>
    tpu.wait_dma2 semaphore(%arg4 : memref<!tpu.dma_semaphore, #tpu.memory_space<semaphore_mem>>) src(%arg3 : memref<8x384x384xf32, #tpu.memory_space<vmem>>) dst(%dma_wait3A_278 : memref<8x384x384xf32, #tpu.memory_space<hbm>>)
    %dma_wait3A_279 = arith.constant 1 : i32
    %dma_wait3A_280 = arith.constant 64 : i32
    %dma_wait3A_281 = arith.constant 0 : i32
    %dma_wait3A_282 = arith.constant 0 : i32
    %dma_wait3A_283 = tpu.memref_slice %arg1[%dma_wait3A_279, %dma_wait3A_280, %dma_wait3A_281, %dma_wait3A_282] : memref<2x96x384x384xf32, #tpu.memory_space<hbm>> -> memref<1x8x384x384xf32, #tpu.memory_space<hbm>>
    %dma_wait3A_284 = tpu.memref_squeeze %dma_wait3A_283 : memref<1x8x384x384xf32, #tpu.memory_space<hbm>> -> memref<8x384x384xf32, #tpu.memory_space<hbm>>
    tpu.wait_dma2 semaphore(%arg4 : memref<!tpu.dma_semaphore, #tpu.memory_space<semaphore_mem>>) src(%arg3 : memref<8x384x384xf32, #tpu.memory_space<vmem>>) dst(%dma_wait3A_284 : memref<8x384x384xf32, #tpu.memory_space<hbm>>)
    %dma_wait3A_285 = arith.constant 1 : i32
    %dma_wait3A_286 = arith.constant 72 : i32
    %dma_wait3A_287 = arith.constant 0 : i32
    %dma_wait3A_288 = arith.constant 0 : i32
    %dma_wait3A_289 = tpu.memref_slice %arg1[%dma_wait3A_285, %dma_wait3A_286, %dma_wait3A_287, %dma_wait3A_288] : memref<2x96x384x384xf32, #tpu.memory_space<hbm>> -> memref<1x8x384x384xf32, #tpu.memory_space<hbm>>
    %dma_wait3A_290 = tpu.memref_squeeze %dma_wait3A_289 : memref<1x8x384x384xf32, #tpu.memory_space<hbm>> -> memref<8x384x384xf32, #tpu.memory_space<hbm>>
    tpu.wait_dma2 semaphore(%arg4 : memref<!tpu.dma_semaphore, #tpu.memory_space<semaphore_mem>>) src(%arg3 : memref<8x384x384xf32, #tpu.memory_space<vmem>>) dst(%dma_wait3A_290 : memref<8x384x384xf32, #tpu.memory_space<hbm>>)
    %dma_wait3A_291 = arith.constant 1 : i32
    %dma_wait3A_292 = arith.constant 80 : i32
    %dma_wait3A_293 = arith.constant 0 : i32
    %dma_wait3A_294 = arith.constant 0 : i32
    %dma_wait3A_295 = tpu.memref_slice %arg1[%dma_wait3A_291, %dma_wait3A_292, %dma_wait3A_293, %dma_wait3A_294] : memref<2x96x384x384xf32, #tpu.memory_space<hbm>> -> memref<1x8x384x384xf32, #tpu.memory_space<hbm>>
    %dma_wait3A_296 = tpu.memref_squeeze %dma_wait3A_295 : memref<1x8x384x384xf32, #tpu.memory_space<hbm>> -> memref<8x384x384xf32, #tpu.memory_space<hbm>>
    tpu.wait_dma2 semaphore(%arg4 : memref<!tpu.dma_semaphore, #tpu.memory_space<semaphore_mem>>) src(%arg3 : memref<8x384x384xf32, #tpu.memory_space<vmem>>) dst(%dma_wait3A_296 : memref<8x384x384xf32, #tpu.memory_space<hbm>>)
    %dma_wait3A_297 = arith.constant 1 : i32
    %dma_wait3A_298 = arith.constant 88 : i32
    %dma_wait3A_299 = arith.constant 0 : i32
    %dma_wait3A_300 = arith.constant 0 : i32
    %dma_wait3A_301 = tpu.memref_slice %arg1[%dma_wait3A_297, %dma_wait3A_298, %dma_wait3A_299, %dma_wait3A_300] : memref<2x96x384x384xf32, #tpu.memory_space<hbm>> -> memref<1x8x384x384xf32, #tpu.memory_space<hbm>>
    %dma_wait3A_302 = tpu.memref_squeeze %dma_wait3A_301 : memref<1x8x384x384xf32, #tpu.memory_space<hbm>> -> memref<8x384x384xf32, #tpu.memory_space<hbm>>
    tpu.wait_dma2 semaphore(%arg4 : memref<!tpu.dma_semaphore, #tpu.memory_space<semaphore_mem>>) src(%arg3 : memref<8x384x384xf32, #tpu.memory_space<vmem>>) dst(%dma_wait3A_302 : memref<8x384x384xf32, #tpu.memory_space<hbm>>)
    return
  }
}

</mosaic_0001>

<sc_bundles>
// kernel: kernel.4.cloned.1.call-start
scs
__scs_entry_jumppad:
0x0: {  	(pc) =	sbr.rel $0x88, $3  }
0x1: {  	(tag) =	ssettag $0x0;
	lr =	simm.s32 $0x1  }
0x2: {  	[smem:$0x3FA0] =	sst lr;
	_ =	strace $0xD0000000  }
0x3: {  	_ = 	snop  }
0x4: {  	_ = 	snop  }
0x5: {  	_ = 	snop  }
0x6: {  	_ = 	snop  }
0x7: {  	_ = 	snop  }
__scs_overlays_trampoline_lowered:
0x8: {  	[smem:$0x3FAF] =	sst s0  }
0x9: {  	[smem:$0x3FB0] =	sst s1  }
0xa: {  	[smem:$0x3FB1] =	sst s2  }
0xb: {  	[smem:$0x3FB2] =	sst s3  }
0xc: {  	[smem:$0x3FB3] =	sst s4  }
0xd: {  	[smem:$0x3FB4] =	sst s5  }
0xe: {  	[smem:$0x3FB5] =	sst s6  }
0xf: {  	[smem:$0x3FB6] =	sst s7  }
0x10: {  	[smem:$0x3FB7] =	sst s8  }
0x11: {  	[smem:$0x3FB8] =	sst s9;
	s0 =	simm.s32 @!p0 $0x0  }
0x12: {  	s1 =	sld [smem:$0x3F9E];
	s0 =	simm.s32 @p0 $0x1  }
0x13: {  	[smem:$0x3FB9] =	sst s0;
	s0 =	simm.s32 @!p1 $0x0  }
0x14: {  	s2 =	sld [smem:$0x3F9D];
	s0 =	simm.s32 @p1 $0x1  }
0x15: {  	[smem:$0x3FBA] =	sst s0;
	s0 =	simm.s32 @!p2 $0x0  }
0x16: {  	s3 =	sld [smem:$0x3FDB];
	s0 =	simm.s32 @p2 $0x1  }
0x17: {  	s4 =	simm.s32 $0x1BF5;
	[smem:$0x3FBC] =	sst s0  }
0x18: {  	s0 =	sld [smem:$0x3F9F];
	_ =	swait.ge [sflag:s4], $0x0  }
0x19: {  	s7 =	sld [smem:$0x3FA0]  }
0x1a: {  	s8 =	sadd.s32 $0xFFFFE003, lr  }
0x1b: {  	s9 =	sadd.s32 $0xFFFFFEF7, lr;
	s5 =	simm.s32 $0xFFFFFFFF;
	p2 =	slt.u32 s8, $0xFFFFF086  }
0x1c: {  	p1 =	slt.u32 s9, $0xF7A;
	s5 =	simm.s32 @!p2 $0x0  }
0x1d: {  	s5 =	simm.s32 @p1 $0x1;
	p0 =	seq.s32 s7, s2  }
0x1e: {  	s7 =	smul.u32 @!p0 $0xF7A, s2;
	p2 =	seq.s32 @!p0 s5, $0x0  }
0x1f: {  	s9 =	smul.u32 $0xF7A, s1;
	s8 =	simm.s32 @!p0 $0x1BF5;
	p2 =	por !p2, p0  }
0x20: {  	[sflag:s8] =	ssyncset.s32 @!p0 $0xFFFFF086;
	s6 =	sadd.s32 @!p0 s3, s7;
	s7 =	simm.s32 @!p0 $0x108  }
0x21: {  	s3 =	sadd.s32 s3, s9;
	s6 =	sadd.s32 @!p0 $0x88, s6;
	s7 =	simm.s32 @p2 $0x1082  }
0x22: {  	[simem:s7], [sflag:s8] =	dma.local @!p0 [hbm:s6], $0xF7A  }
0x23: {  	s9 =	sor.u32 $0xD0000000, s2;
	s6 =	simm.s32 $0x108;
	_ =	swait.ge @!p0 [sflag:s8], $0x0  }
0x24: {  	s3 =	sadd.s32 $0x88, s3;
	s6 =	simm.s32 @!p1 $0x1082;
	[sflag:s4] =	ssyncset.s32 $0xFFFFF086  }
0x25: {  	[simem:s6], [sflag:s4] =	dma.local [hbm:s3], $0xF7A  }
0x26: {  	[smem:$0x3FA0] =	sst s1;
	(tag) =	ssettag s2;
	_ =	strace s9  }
0x27: {  	s1 =	sld [smem:$0x3FB0]  }
0x28: {  	s2 =	sld [smem:$0x3FB1]  }
0x29: {  	s4 =	sld [smem:$0x3FB3]  }
0x2a: {  	p0 =	seq.s32 s5, $0x0;
	s5 =	sld [smem:$0x3FB4]  }
0x2b: {  	s6 =	sld [smem:$0x3FB5]  }
0x2c: {  	s7 =	sld [smem:$0x3FB6]  }
0x2d: {  	s3 =	simm.s32 $0x108;
	s8 =	sld [smem:$0x3FB7]  }
0x2e: {  	s3 =	simm.s32 @!p0 $0x1082;
	s9 =	sld [smem:$0x3FB8]  }
0x2f: {  	lr =	sadd.s32 s0, s3;
	s0 =	sld [smem:$0x3FAF]  }
0x30: {  	s3 =	sld [smem:$0x3FB2]  }
0x31: {  	[smem:$0x3FBB] =	sst s10  }
0x32: {  	s10 =	sld [smem:$0x3FB9];
	_ =	sdelay $0x3  }
0x33: {  	p0 =	seq.s32 s10, $0x1;
	s10 =	sld [smem:$0x3FBB];
	_ =	sdelay $0x3  }
0x34: {  	[smem:$0x3FBB] =	sst s10  }
0x35: {  	s10 =	sld [smem:$0x3FBA];
	_ =	sdelay $0x3  }
0x36: {  	p1 =	seq.s32 s10, $0x1;
	s10 =	sld [smem:$0x3FBB];
	_ =	sdelay $0x3  }
0x37: {  	[smem:$0x3FBB] =	sst s10  }
0x38: {  	s10 =	sld [smem:$0x3FBC]  }
0x39: {  	_ = 	snop;
	(pc) =	sbr.ind lr, $3  }
0x3a: {  	_ = 	snop  }
0x3b: {  	_ = 	snop  }
0x3c: {  	p2 =	seq.s32 s10, $0x1;
	s10 =	sld [smem:$0x3FBB]  }
0x3d: {  	_ =	shalt  }
0x3e: {  	_ =	shalt  }
0x3f: {  	_ =	shalt  }
0x40: {  	_ =	shalt  }
0x41: {  	_ =	shalt  }
0x42: {  	_ =	shalt  }
0x43: {  	_ =	shalt  }
0x44: {  	_ =	shalt  }
0x45: {  	_ =	shalt  }
0x46: {  	_ =	shalt  }
0x47: {  	_ =	shalt  }
0x48: {  	_ =	shalt  }
0x49: {  	_ =	shalt  }
0x4a: {  	_ =	shalt  }
0x4b: {  	_ =	shalt  }
0x4c: {  	_ =	shalt  }
0x4d: {  	_ =	shalt  }
0x4e: {  	_ =	shalt  }
0x4f: {  	_ =	shalt  }
0x50: {  	_ =	shalt  }
0x51: {  	_ =	shalt  }
0x52: {  	_ =	shalt  }
0x53: {  	_ =	shalt  }
0x54: {  	_ =	shalt  }
0x55: {  	_ =	shalt  }
0x56: {  	_ =	shalt  }
0x57: {  	_ =	shalt  }
0x58: {  	_ =	shalt  }
0x59: {  	_ =	shalt  }
0x5a: {  	_ =	shalt  }
0x5b: {  	_ =	shalt  }
0x5c: {  	_ =	shalt  }
0x5d: {  	_ =	shalt  }
0x5e: {  	_ =	shalt  }
0x5f: {  	_ =	shalt  }
0x60: {  	_ =	shalt  }
0x61: {  	_ =	shalt  }
0x62: {  	_ =	shalt  }
0x63: {  	_ =	shalt  }
0x64: {  	_ =	shalt  }
0x65: {  	_ =	shalt  }
0x66: {  	_ =	shalt  }
0x67: {  	_ =	shalt  }
0x68: {  	_ =	shalt  }
0x69: {  	_ =	shalt  }
0x6a: {  	_ =	shalt  }
0x6b: {  	_ =	shalt  }
0x6c: {  	_ =	shalt  }
0x6d: {  	_ =	shalt  }
0x6e: {  	_ =	shalt  }
0x6f: {  	_ =	shalt  }
0x70: {  	_ =	shalt  }
0x71: {  	_ =	shalt  }
0x72: {  	_ =	shalt  }
0x73: {  	_ =	shalt  }
0x74: {  	_ =	shalt  }
0x75: {  	_ =	shalt  }
0x76: {  	_ =	shalt  }
0x77: {  	_ =	shalt  }
0x78: {  	_ =	shalt  }
0x79: {  	_ =	shalt  }
0x7a: {  	_ =	shalt  }
0x7b: {  	_ =	shalt  }
0x7c: {  	_ =	shalt  }
0x7d: {  	_ =	shalt  }
0x7e: {  	_ =	shalt  }
0x7f: {  	_ =	shalt  }
0x80: {  	_ =	shalt  }
0x81: {  	_ =	shalt  }
0x82: {  	_ =	shalt  }
0x83: {  	_ =	shalt  }
0x84: {  	_ =	shalt  }
0x85: {  	_ =	shalt  }
0x86: {  	_ =	shalt  }
0x87: {  	_ =	shalt  }
.Lfunc_end0:
.L_simem_size_0:
called_computation_lowered:
.L_overlay_start_0:
0x88: {  	s2 =	sld [smem:$0x3FD9]  }
0x89: {  	s3 =	sld [smem:$0x3FFE];
	_ =	sdelay $0x1  }
0x8a: {  	s1 =	srdreg.scid  }
0x8b: {  	s0 =	sand.u32 $0x1, s1  }
0x8c: {  	s17 =	sshll.u32 s0, $0xA;
	s2 =	sadd.s32 s3, s2  }
0x8d: {  	s2 =	sadd.s32 s2, s17  }
0x8e: {  	[smem:$0x3FC7] =	sst s2  }
0x8f: {  	_ = 	snop  }
0x90: {  	s2 =	sld [smem:$0x3FD0];
	(tm) =	ssettm $0x1  }
0x91: {  	s18 =	sld [smem:$0x3FFB];
	_ =	sdelay $0x3  }
0x92: {  	_ =	strace s18  }
0x93: {  	s3 =	sld [smem:$0x3FFC];
	_ =	sdelay $0x3  }
0x94: {  	_ =	strace s3  }
0x95: {  	s3 =	sld [smem:$0x3FFD];
	_ =	sdelay $0x3  }
0x96: {  	_ =	strace s3  }
0x97: {  	_ =	strace $0x8FFFFFFF  }
0x98: {  	s19 =	sld [smem:$0x3FDB];
	_ =	sdelay $0x1  }
0x99: {  	s4 =	simm.s32 $_scs_section_size  }
0x9a: {  	s5 =	simm.s32 $_size__tile_overlayer_lowered;
	s6 =	simm.s32 $_tile_overlayer_lowered  }
0x9b: {  	s22 =	simm.s32 $0x1BFF;
	s21 =	sshll.u32 s6, $0x1;
	s3 =	sadd.s32 s4, s19  }
0x9c: {  	s7 =	simm.s32 $0x0;
	s20 =	sshll.u32 s5, $0x1;
	s5 =	sadd.s32 s21, s3  }
0x9d: {  	[timem:s7], [sflag:s22] =	dma.local [hbm:s5], s20  }
0x9e: {  	_ =	swait.ge [sflag:s22], s20  }
0x9f: {  	s4 =	ssub.s32 $0x0, s20;
	[sflag:s22] =	ssyncset.done $0x0  }
0xa0: {  	[sflag:s22] =	ssyncadd.s32 s4;
	_ =	sdelay $0x1  }
0xa1: {  	s23 =	simm.s32 $0x1B8B  }
0xa2: {  	_ =	swait.ge [sflag:s23], $0x1  }
0xa3: {  	[sflag:s23] =	ssyncset.done $0x0  }
0xa4: {  	s25 =	simm.s32 $0x1B8E;
	s24 =	sld [smem:$0x3FFE];
	[sflag:s23] =	ssyncadd.s32 $0xFFFFFFFF  }
0xa5: {  	s26 =	simm.s32 $execute0_lowered;
	[smem:$0x3FD2] =	sst s25  }
0xa6: {  	s5 =	sshll.u32 s26, $0x1;
	_ =	strace $0x80000046;
	[dreg:$0x1] =	wrdreg $0xFFFFFFFF  }
0xa7: {  	s28 =	simm.s32 $_size_execute0_lowered;
	s3 =	sadd.s32 s3, s5;
	[dreg:$0x0] =	wrdreg $0x0  }
0xa8: {  	s5 =	sshll.u32 s28, $0x1;
	[dreg:$0x2] =	wrdreg s3  }
0xa9: {  	[dreg:$0x3] =	wrdreg s5  }
0xaa: {  	[dreg:$0x4] =	wrdreg $0xC0  }
0xab: {  	_ =	task [dreg:s7], $0x5FFFF  }
0xac: {  	[dreg:$0x1] =	wrdreg $0xFFFFFFFF  }
0xad: {  	[dreg:$0x0] =	wrdreg $0x60  }
0xae: {  	[dreg:$0x2] =	wrdreg s2  }
0xaf: {  	[dreg:$0x3] =	wrdreg s24  }
0xb0: {  	[dreg:$0x4] =	wrdreg $0x1B0000  }
0xb1: {  	[dreg:$0x5] =	wrdreg $0x9  }
0xb2: {  	_ =	task.clear_ibuf [dreg:s7], $0x6FFFF;
	_ =	strace $0x90000046  }
0xb3: {  	s29 =	simm.s32 $0x9;
	_ =	strace $0x80000048  }
0xb4: {  	_ =	swait.ge [sflag:s29], $0x1  }
0xb5: {  	[sflag:s29] =	ssyncadd.s32 $0xFFFFFFFF  }
0xb6: {  	_ =	strace $0x90000048  }
0xb7: {  	_ =	sfence  }
0xb8: {  	s30 =	sld [smem:$0x0];
	_ =	sdelay $0x2  }
0xb9: {  	s31 =	sshll.u32 s1, $0xD;
	s1 =	sshrl.u32 s1, $0x2  }
0xba: {  	s3 =	sand.u32 $0x4000, s31;
	s1 =	sadd.s32 s1, s30  }
0xbb: {  	s0 =	sor.u32 s3, s0;
	s1 =	sshll.u32 s1, $0x11  }
0xbc: {  	s0 =	sor.u32 s1, s0  }
0xbd: {  	s0 =	sadd.s32 $0x8F2B, s0  }
0xbe: {  	[sflag:s0] =	ssyncadd.remote.s32 $0x1  }
0xbf: {  	_ =	sfence.sel $0xFFFF  }
0xc0: {  	[dreg:$0x0] =	wrdreg $0xFFFFFFFF;
	(pc) =	sbr.abs _section_cstart, $3  }
0xc1: {  	[dreg:$0x1] =	wrdreg $0xFFFFFFFF  }
0xc2: {  	_ =	task.clear_ibuf [dreg:s7], $0x2FFFF;
	_ =	strace $0x9FFFFFFF  }
0xc3: {  	(tm) =	ssettm $0x7FFFFFFF  }
tec
execute0_lowered:
.L_overlay_start_1:
0x0: {  	(tag) =	ssettag $0x1  }
0x1: {  	s0 =	srdreg.scid;
	s8 =	stileid.u32  }
0x2: {  	s4 =	rddreg [dreg:$0x0];
	s0 =	sand.u32 $0x1, s0;
	s1 =	smul.u32 $0x18, s8  }
0x3: {  	s5 =	rddreg [dreg:$0x1];
	s3 =	smul.u32 $0x180, s0  }
0x4: {  	s2 =	rddreg [dreg:$0x2];
	s6 =	smul.u32 $0x300, s0  }
0x5: {  	s8 =	smul.u32 $0x9000, s8;
	s0 =	ssub.s32 $0x2, s0;
	s3 =	sadd.s32 s1, s3  }
0x6: {  	s10 =	sshrl.u32 s0, $0x1;
	s1 =	sadd.s32 s1, s6;
	s7 =	sshrl.u32 s3, $0x3  }
0x7: {  	s3 =	simm.s32 $0x0;
	s1 =	sshrl.u32 s1, $0x3;
	s7 =	smul.u32 $0x180, s7  }
0x8: {  	s0 =	ssub.s32 s0, s10;
	[smem:$0x7FF] =	sst s3;
	s1 =	smul.u32 $0x180, s1  }
0x9: {  	s9 =	sshrl.u32 s8, $0x2;
	s0 =	smax.u32 s0, $0x1;
	_ =	strace $0x80000047  }
0xa: {  	[dreg:$0x18] =	wrdreg s0;
	s7 =	sadd.s32 s7, s5;
	s1 =	sadd.s32 s4, s1  }
0xb: {  	s5 =	sadd.s32 s9, s2;
	[dreg:$0x4] =	wrdreg s1;
	s1 =	sadd.s32 $0x4800, s1  }
0xc: {  	s11 =	sadd.s32 $0x180, s5;
	[dreg:$0x5] =	wrdreg s1  }
0xd: {  	s12 =	sadd.s32 $0x300, s5;
	[dreg:$0x6] =	wrdreg s11  }
0xe: {  	s13 =	sadd.s32 $0x480, s5;
	[dreg:$0x7] =	wrdreg s12  }
0xf: {  	s14 =	sadd.s32 $0x600, s5;
	[dreg:$0x8] =	wrdreg s13  }
0x10: {  	s15 =	sadd.s32 $0x780, s5;
	[dreg:$0x9] =	wrdreg s14  }
0x11: {  	s16 =	sadd.s32 $0x900, s5;
	[dreg:$0xa] =	wrdreg s15  }
0x12: {  	s17 =	sadd.s32 $0xA80, s5;
	[dreg:$0xb] =	wrdreg s16  }
0x13: {  	s18 =	sadd.s32 $0xC00, s5;
	[dreg:$0xc] =	wrdreg s17  }
0x14: {  	s19 =	sadd.s32 $0xD80, s5;
	[dreg:$0xd] =	wrdreg s18  }
0x15: {  	s20 =	sadd.s32 $0xF00, s5;
	[dreg:$0xe] =	wrdreg s19  }
0x16: {  	s21 =	sadd.s32 $0x1080, s5;
	[dreg:$0xf] =	wrdreg s20  }
0x17: {  	s22 =	sadd.s32 $0x1200, s5;
	[dreg:$0x10] =	wrdreg s21  }
0x18: {  	s23 =	sadd.s32 $0x1380, s5;
	[dreg:$0x11] =	wrdreg s22  }
0x19: {  	s24 =	sadd.s32 $0x1500, s5;
	[dreg:$0x12] =	wrdreg s23  }
0x1a: {  	s25 =	sadd.s32 $0x1680, s5;
	[dreg:$0x13] =	wrdreg s24  }
0x1b: {  	s26 =	sadd.s32 $0x1800, s5;
	[dreg:$0x14] =	wrdreg s25  }
0x1c: {  	s4 =	sadd.s32 $0x1980, s5;
	[dreg:$0x15] =	wrdreg s26  }
0x1d: {  	s6 =	sadd.s32 $0x600, s7;
	[dreg:$0x16] =	wrdreg s4  }
0x1e: {  	s7 =	sadd.s32 $0x1B00, s5;
	[dreg:$0x17] =	wrdreg s6  }
0x1f: {  	s8 =	sadd.s32 $0x1C80, s5;
	[dreg:$0x19] =	wrdreg s7  }
0x20: {  	s9 =	sadd.s32 $0x1E00, s5;
	[dreg:$0x1a] =	wrdreg s8  }
0x21: {  	s10 =	sadd.s32 $0x1F80, s5;
	[dreg:$0x1b] =	wrdreg s9  }
0x22: {  	[dreg:$0x1c] =	wrdreg s10;
	s11 =	sadd.s32 $0x2100, s5  }
0x23: {  	s12 =	sadd.s32 $0x2280, s5;
	[dreg:$0x1d] =	wrdreg s11  }
0x24: {  	s13 =	sadd.s32 $0x80, s5;
	[dreg:$0x1e] =	wrdreg s12  }
0x25: {  	s14 =	sadd.s32 $0x100, s5;
	[dreg:$0x1f] =	wrdreg s13  }
0x26: {  	s15 =	sadd.s32 $0x200, s5;
	[smem:$0x7DA] =	sst s14  }
0x27: {  	s16 =	sadd.s32 $0x280, s5;
	[smem:$0x7DB] =	sst s15  }
0x28: {  	s17 =	sadd.s32 $0x380, s5;
	[smem:$0x7DC] =	sst s16  }
0x29: {  	s18 =	sadd.s32 $0x400, s5;
	[smem:$0x7DD] =	sst s17  }
0x2a: {  	s19 =	sadd.s32 $0x500, s5;
	[smem:$0x7DE] =	sst s18  }
0x2b: {  	s20 =	sadd.s32 $0x580, s5;
	[smem:$0x7DF] =	sst s19  }
0x2c: {  	s21 =	sadd.s32 $0x680, s5;
	[smem:$0x7E0] =	sst s20  }
0x2d: {  	s22 =	sadd.s32 $0x700, s5;
	[smem:$0x7E1] =	sst s21  }
0x2e: {  	s23 =	sadd.s32 $0x800, s5;
	[smem:$0x7E2] =	sst s22  }
0x2f: {  	s24 =	sadd.s32 $0x880, s5;
	[smem:$0x7E3] =	sst s23  }
0x30: {  	s25 =	sadd.s32 $0x980, s5;
	[smem:$0x7E4] =	sst s24  }
0x31: {  	s26 =	sadd.s32 $0xA00, s5;
	[smem:$0x7E5] =	sst s25  }
0x32: {  	s1 =	sadd.s32 $0xB00, s5;
	[smem:$0x7E6] =	sst s26  }
0x33: {  	s4 =	sadd.s32 $0xB80, s5;
	[smem:$0x7E7] =	sst s1  }
0x34: {  	s6 =	sadd.s32 $0xC80, s5;
	[smem:$0x7E8] =	sst s4  }
0x35: {  	s7 =	sadd.s32 $0xD00, s5;
	[smem:$0x7E9] =	sst s6  }
0x36: {  	s8 =	sadd.s32 $0xE00, s5;
	[smem:$0x7EA] =	sst s7  }
0x37: {  	s9 =	sadd.s32 $0xE80, s5;
	[smem:$0x7EB] =	sst s8  }
0x38: {  	s10 =	sadd.s32 $0xF80, s5;
	[smem:$0x7EC] =	sst s9  }
0x39: {  	[smem:$0x7ED] =	sst s10;
	s11 =	sadd.s32 $0x1000, s5  }
0x3a: {  	s12 =	sadd.s32 $0x1100, s5;
	[smem:$0x7EE] =	sst s11  }
0x3b: {  	s13 =	sadd.s32 $0x1180, s5;
	[smem:$0x7EF] =	sst s12  }
0x3c: {  	s14 =	sadd.s32 $0x1280, s5;
	[smem:$0x7F0] =	sst s13  }
0x3d: {  	s15 =	sadd.s32 $0x1300, s5;
	[smem:$0x7F1] =	sst s14  }
0x3e: {  	s16 =	sadd.s32 $0x1400, s5;
	[smem:$0x7F2] =	sst s15  }
0x3f: {  	s17 =	sadd.s32 $0x1480, s5;
	[smem:$0x7F3] =	sst s16  }
0x40: {  	s18 =	sadd.s32 $0x1580, s5;
	[smem:$0x7F4] =	sst s17  }
0x41: {  	s19 =	sadd.s32 $0x1600, s5;
	[smem:$0x7F5] =	sst s18  }
0x42: {  	s20 =	sadd.s32 $0x1700, s5;
	[smem:$0x7F6] =	sst s19  }
0x43: {  	s21 =	sadd.s32 $0x1780, s5;
	[smem:$0x7F7] =	sst s20  }
0x44: {  	s22 =	sadd.s32 $0x1880, s5;
	[smem:$0x7F8] =	sst s21  }
0x45: {  	s23 =	sadd.s32 $0x1900, s5;
	[smem:$0x7F9] =	sst s22  }
0x46: {  	s28 =	simm.s32 $0x480;
	s24 =	sadd.s32 $0x1A00, s5;
	[smem:$0x7FA] =	sst s23  }
0x47: {  	s29 =	simm.s32 $0xA80;
	s25 =	sadd.s32 $0x1A80, s5;
	[smem:$0x7FB] =	sst s24  }
0x48: {  	s30 =	simm.s32 $0x18C00;
	s26 =	sadd.s32 $0x1B80, s5;
	[smem:$0x7FC] =	sst s25  }
0x49: {  	s31 =	simm.s32 $0x0;
	s4 =	sadd.s32 $0x2180, s5;
	[smem:$0x7FD] =	sst s26  }
0x4a: {  	s15 =	sadd.s32 $0x1C00, s5;
	s16 =	sadd.s32 $0x1D00, s5;
	s17 =	sadd.s32 $0x1D80, s5  }
0x4b: {  	s18 =	sadd.s32 $0x1E80, s5;
	s19 =	sadd.s32 $0x1F00, s5;
	s20 =	sadd.s32 $0x2000, s5  }
0x4c: {  	s21 =	sadd.s32 $0x2080, s5;
	s22 =	sadd.s32 $0x2200, s5;
	s23 =	sadd.s32 $0x2300, s5  }
0x4d: {  	v0 =	vimm.f32 $0.0e+00;
	v1 =	vlaneseq.u32;
	s24 =	sadd.s32 $0x2380, s5;
	s25 =	simm.s32 $0x2;
	s26 =	simm.s32 $0x1  }
.LBB2_1:
0x4e: {  	s0 =	rddreg [dreg:$0x4]  }
0x4f: {  	[tilespmem:s3], [sflag:$0x1] =	stream.linear.gather [hbm4b:s0+s3], $0x2400, $0x38;
	[tilespmem:$0x1D500] =	vst v63  }
0x50: {  	s14 =	rddreg [dreg:$0x5];
	s1 =	simm.s32 $0x2400  }
0x51: {  	[tilespmem:s1], [sflag:$0x1] =	stream.linear.gather [hbm4b:s14+s3], $0x2400, $0x38;
	[tilespmem:$0x1D500] =	vst v63  }
0x52: {  	s0 =	simm.s32 $0x40;
	s1 =	simm.s32 $0x0  }
.LBB2_2:
0x53: {  	p0 =	sne.s32 s0, $0x8FC0;
	[tilespmem:s1+$0x16800] =	vst v0;
	s1 =	smov.u32 s0;
	s0 =	sadd.s32 $0x40, s0  }
.Ltmp0:
0x54: {  	(pc) =	sbr.rel @p0 .LBB2_2-.Ltmp0, $2  }
0x55: {  	_ =	sdelay $0x2  }
0x56: {  	s1 =	sshra.s32 s1, $0x2  }
0x57: {  	[tilespmem:s1+$0x16800] =	vst v0;
	s0 =	simm.s32 $0x16800;
	s6 =	simm.s32 $0x0  }
0x58: {  	[spmem:s5] =	stream.linear.scatter [tilespmem:s0], [sflag:$0x2], $0x2400, $0x38;
	[tilespmem:$0x1D500] =	vst v63  }
0x59: {  	s13 =	smul.u32 $0xAB, s6  }
0x5a: {  	_ =	swait.ge [sflag:s25], $0x2400  }
0x5b: {  	[sflag:s25] =	ssyncset.done $0x0;
	s14 =	sshrl.u32 s13, $0xC  }
0x5c: {  	[sflag:s25] =	ssyncadd.s32 $0xFFFFDC00;
	s1 =	sand.u32 $0xF, s14  }
0x5d: {  	[bflag:$0x0] =	sbarrier.arrive $0xFFFF;
	s1 =	smul.u32 $0x18, s1  }
0x5e: {  	_ =	swait.ge [sflag:s26], $0x2400  }
0x5f: {  	s0 =	sshrl.u32 s13, $0x5;
	[sflag:s26] =	ssyncset.done $0x0;
	s1 =	ssub.s32 $0x0, s1  }
0x60: {  	s0 =	sand.u32 $0x780, s0;
	[sflag:s26] =	ssyncadd.s32 $0xFFFFDC00;
	s7 =	sshll.u32 s1, $0x7  }
0x61: {  	s1 =	sshll.u32 s1, $0x4;
	_ =	swait.ge [sflag:s26], $0x2400;
	s7 =	sand.u32 $0xC00, s7  }
0x62: {  	s1 =	sand.u32 $0x70, s1;
	[sflag:s26] =	ssyncset.done $0x0;
	s0 =	sadd.s32 s0, s7  }
0x63: {  	[sflag:s26] =	ssyncadd.s32 $0xFFFFDC00;
	s0 =	sor.u32 s1, s0  }
0x64: {  	v2 =	vld [tilespmem:s0+$0x0]  }
0x65: {  	v3 =	vld [tilespmem:s0+$0x2400];
	_ =	sdelay $0x3  }
0x66: {  	v2 =	vmul.f32 $1.920000000e+02, v2  }
0x67: {  	v3 =	vmul.f32 $1.920000000e+02, v3  }
0x68: {  	v2 =	vadd.f32 $1.930000000e+02, v2  }
0x69: {  	v3 =	vadd.f32 $1.930000000e+02, v3  }
0x6a: {  	v2 =	vmax.f32 v2, $0.0e+00  }
0x6b: {  	v3 =	vmax.f32 v3, $0.0e+00;
	v4 =	vmin.f32 v2, $3.850000000e+02  }
0x6c: {  	v3 =	vmin.f32 v3, $3.850000000e+02;
	v2 =	vtrunc.f32 v4  }
0x6d: {  	v5 =	vtrunc.f32 v3;
	v7 =	vcvt.f32.s32 v2  }
0x6e: {  	v6 =	vcvt.f32.s32 v5  }
0x6f: {  	v5 =	vcvt.s32.f32 v7  }
0x70: {  	v8 =	vcvt.s32.f32 v6;
	v9 =	vmul.u32 $0x180, v7;
	v10 =	vadd.s32 $0xFFFFFFFF, v7  }
0x71: {  	vm0 =	vlt.s32 v7, $0x180;
	v7 =	vadd.s32 $0xFFFFFFFF, v6;
	vm1 =	vlt.u32 v10, $0x180  }
0x72: {  	s7 =	simm.s32 $0x1;
	s1 =	simm.s32 $0x24000;
	vm2 =	vlt.u32 v7, $0x180;
	v4 =	vsub.f32 v4, v5;
	v5 =	vsub.f32 v3, v8  }
0x73: {  	s9 =	smul.u32 $0xAB, s7;
	v2 =	vor.u32 s1, v1;
	v3 =	vadd.s32 v6, v9;
	vm3 =	vmand vm1, vm2  }
0x74: {  	s8 =	simm.s32 $0x80;
	s0 =	simm.s32 $0x40;
	v9 =	vadd.s32 $0xFFFFFE7F, v3;
	v7 =	vsub.f32 $1.000000000e+00, v4;
	v8 =	vsub.f32 $1.000000000e+00, v5  }
.LBB2_4:
0x75: {  	p0 =	sne.s32 s8, $0x11C0;
	s10 =	sshrl.u32 s9, $0xC;
	v9 =	vsel vm3, v9, v2;
	s11 =	sshra.s32 s6, $0x2;
	vm2 =	vmand vm0, vm2;
	v10 =	vadd.s32 $0xFFFFFFFF, v3  }
0x76: {  	vm3 =	vlt.s32 v6, $0x180;
	s6 =	smov.u32 s0;
	s0 =	smov.u32 s8;
	s10 =	sand.u32 $0xF, s10;
	[tilespmem:s11+$0x4800] =	vst v9;
	v6 =	vsel vm2, v10, v2;
	v9 =	vmul.f32 v8, v7  }
0x77: {  	vm1 =	vmand vm1, vm3;
	v10 =	vadd.s32 $0xFFFFFE80, v3;
	s10 =	smul.u32 $0x18, s10;
	[tilespmem:s11+$0x9000] =	vst v6;
	v6 =	vmul.f32 v8, v4  }
0x78: {  	v7 =	vmul.f32 v5, v7;
	v8 =	vsel vm1, v10, v2;
	v4 =	vmul.f32 v5, v4;
	[tilespmem:s11+$0xD800] =	vst v9  }
0x79: {  	vm0 =	vmand vm0, vm3;
	s10 =	ssub.s32 s7, s10;
	[tilespmem:s11+$0x6C00] =	vst v8  }
0x7a: {  	s9 =	sshrl.u32 s9, $0x5;
	v2 =	vsel vm0, v3, v2;
	s12 =	sshll.u32 s10, $0x7;
	[tilespmem:s11+$0x12000] =	vst v6  }
0x7b: {  	s9 =	sand.u32 $0x780, s9;
	s10 =	sshll.u32 s10, $0x4;
	s12 =	sand.u32 $0xC00, s12;
	[tilespmem:s11+$0xFC00] =	vst v7  }
0x7c: {  	s10 =	sand.u32 $0x70, s10;
	s9 =	sadd.s32 s9, s12;
	[tilespmem:s11+$0x14400] =	vst v4  }
0x7d: {  	s9 =	sor.u32 s10, s9;
	[tilespmem:s11+$0xB400] =	vst v2  }
0x7e: {  	v2 =	vld [tilespmem:s9+$0x0]  }
0x7f: {  	v3 =	vld [tilespmem:s9+$0x2400];
	_ =	sdelay $0x4  }
0x80: {  	v2 =	vmul.f32 $1.920000000e+02, v2;
	v3 =	vmul.f32 $1.920000000e+02, v3;
	_ =	sdelay $0x1  }
0x81: {  	v2 =	vadd.f32 $1.930000000e+02, v2;
	v3 =	vadd.f32 $1.930000000e+02, v3;
	_ =	sdelay $0x1  }
0x82: {  	v2 =	vmax.f32 v2, $0.0e+00;
	v3 =	vmax.f32 v3, $0.0e+00  }
0x83: {  	v4 =	vmin.f32 v2, $3.850000000e+02;
	v3 =	vmin.f32 v3, $3.850000000e+02  }
0x84: {  	v2 =	vtrunc.f32 v4;
	v5 =	vtrunc.f32 v3  }
0x85: {  	s1 =	sadd.s32 $0x10, s1;
	v7 =	vcvt.f32.s32 v2;
	v6 =	vcvt.f32.s32 v5  }
0x86: {  	v2 =	vor.u32 s1, v1  }
.Ltmp1:
0x87: {  	v5 =	vcvt.s32.f32 v7;
	v9 =	vmul.u32 $0x180, v7;
	v8 =	vcvt.s32.f32 v6;
	(pc) =	sbr.rel @p0 .LBB2_4-.Ltmp1, $4  }
0x88: {  	v10 =	vadd.s32 $0xFFFFFFFF, v7;
	vm0 =	vlt.s32 v7, $0x180;
	v7 =	vadd.s32 $0xFFFFFFFF, v6  }
0x89: {  	s7 =	sadd.s32 $0x1, s7;
	v4 =	vsub.f32 v4, v5;
	v5 =	vsub.f32 v3, v8;
	v3 =	vadd.s32 v6, v9  }
0x8a: {  	s9 =	smul.u32 $0xAB, s7;
	vm1 =	vlt.u32 v10, $0x180;
	vm2 =	vlt.u32 v7, $0x180;
	v9 =	vadd.s32 $0xFFFFFE7F, v3  }
0x8b: {  	s8 =	sadd.s32 $0x40, s8;
	vm3 =	vmand vm1, vm2;
	v7 =	vsub.f32 $1.000000000e+00, v4;
	v8 =	vsub.f32 $1.000000000e+00, v5  }
0x8c: {  	s8 =	sshrl.u32 s9, $0xC;
	v9 =	vsel vm3, v9, v2;
	s6 =	sshra.s32 s6, $0x2;
	vm2 =	vmand vm0, vm2;
	v10 =	vadd.s32 $0xFFFFFFFF, v3  }
0x8d: {  	vm3 =	vlt.s32 v6, $0x180;
	s8 =	sand.u32 $0xF, s8;
	[tilespmem:s6+$0x4800] =	vst v9;
	v6 =	vsel vm2, v10, v2;
	v54 =	vmul.f32 v8, v7  }
0x8e: {  	v55 =	vadd.s32 $0xFFFFFE80, v3;
	vm1 =	vmand vm1, vm3;
	s8 =	smul.u32 $0x18, s8;
	[tilespmem:s6+$0x9000] =	vst v6  }
0x8f: {  	v7 =	vmul.f32 v5, v7;
	v6 =	vmul.f32 v8, v4;
	v8 =	vsel vm1, v55, v2;
	[tilespmem:s6+$0xD800] =	vst v54  }
0x90: {  	vm0 =	vmand vm0, vm3;
	[tilespmem:s6+$0x6C00] =	vst v8;
	s7 =	ssub.s32 s7, s8  }
0x91: {  	s10 =	sshrl.u32 s9, $0x5;
	v2 =	vsel vm0, v3, v2;
	[tilespmem:s6+$0xFC00] =	vst v7;
	s8 =	sshll.u32 s7, $0x7  }
0x92: {  	s9 =	sand.u32 $0x780, s10;
	v4 =	vmul.f32 v5, v4;
	[tilespmem:s6+$0xB400] =	vst v2;
	s7 =	sshll.u32 s7, $0x4;
	s8 =	sand.u32 $0xC00, s8  }
0x93: {  	[tilespmem:s6+$0x12000] =	vst v6;
	s7 =	sand.u32 $0x70, s7;
	s8 =	sadd.s32 s9, s8  }
0x94: {  	[tilespmem:s6+$0x14400] =	vst v4;
	s7 =	sor.u32 s7, s8  }
0x95: {  	v2 =	vld [tilespmem:s7+$0x0]  }
0x96: {  	v3 =	vld [tilespmem:s7+$0x2400];
	_ =	sdelay $0x4  }
0x97: {  	v2 =	vmul.f32 $1.920000000e+02, v2;
	v3 =	vmul.f32 $1.920000000e+02, v3;
	_ =	sdelay $0x1  }
0x98: {  	v2 =	vadd.f32 $1.930000000e+02, v2;
	v3 =	vadd.f32 $1.930000000e+02, v3;
	_ =	sdelay $0x1  }
0x99: {  	v2 =	vmax.f32 v2, $0.0e+00;
	v3 =	vmax.f32 v3, $0.0e+00  }
0x9a: {  	v2 =	vmin.f32 v2, $3.850000000e+02;
	v3 =	vmin.f32 v3, $3.850000000e+02  }
0x9b: {  	v4 =	vtrunc.f32 v2;
	v5 =	vtrunc.f32 v3  }
0x9c: {  	v4 =	vcvt.f32.s32 v4;
	v5 =	vcvt.f32.s32 v5;
	_ =	sdelay $0x1  }
0x9d: {  	v7 =	vcvt.s32.f32 v4;
	v8 =	vcvt.s32.f32 v5;
	v56 =	vmul.u32 $0x180, v4  }
0x9e: {  	s1 =	sadd.s32 $0x10, s1;
	v57 =	vadd.s32 $0xFFFFFFFF, v4;
	vm0 =	vlt.s32 v4, $0x180;
	v4 =	vadd.s32 $0xFFFFFFFF, v5  }
0x9f: {  	v6 =	vor.u32 s1, v1;
	vm1 =	vlt.u32 v57, $0x180;
	vm2 =	vlt.u32 v4, $0x180  }
0xa0: {  	v2 =	vsub.f32 v2, v7;
	v3 =	vsub.f32 v3, v8;
	v7 =	vadd.s32 v5, v56  }
0xa1: {  	vm3 =	vmand vm1, vm2;
	vm2 =	vmand vm0, vm2;
	v8 =	vadd.s32 $0xFFFFFE7F, v7  }
0xa2: {  	v59 =	vadd.s32 $0xFFFFFFFF, v7;
	v60 =	vadd.s32 $0xFFFFFE80, v7;
	v4 =	vsub.f32 $1.000000000e+00, v2  }
0xa3: {  	s0 =	sshra.s32 s0, $0x2;
	v58 =	vsub.f32 $1.000000000e+00, v3;
	v8 =	vsel vm3, v8, v6;
	vm3 =	vlt.s32 v5, $0x180  }
0xa4: {  	v5 =	vsel vm2, v59, v6;
	[tilespmem:s0+$0x4800] =	vst v8;
	vm1 =	vmand vm1, vm3;
	vm0 =	vmand vm0, vm3  }
0xa5: {  	[tilespmem:s0+$0x9000] =	vst v5;
	v8 =	vmul.f32 v58, v4;
	v5 =	vmul.f32 v58, v2;
	v61 =	vsel vm1, v60, v6  }
0xa6: {  	v4 =	vmul.f32 v3, v4;
	v2 =	vmul.f32 v3, v2;
	v3 =	vsel vm0, v7, v6;
	[tilespmem:s0+$0x6C00] =	vst v61  }
0xa7: {  	[tilespmem:s0+$0xB400] =	vst v3  }
0xa8: {  	[tilespmem:s0+$0xD800] =	vst v8  }
0xa9: {  	[tilespmem:s0+$0x12000] =	vst v5  }
0xaa: {  	s11 =	simm.s32 $0x4800;
	s12 =	simm.s32 $0xD800;
	s8 =	simm.s32 $0x48;
	[tilespmem:s0+$0xFC00] =	vst v4  }
0xab: {  	s13 =	simm.s32 $0x6C00;
	s14 =	simm.s32 $0xFC00;
	[tilespmem:s0+$0x14400] =	vst v2;
	s0 =	smul.u32 $0xAB, s8  }
0xac: {  	[spmem:s2] =	stream.indirect.scatter.add.f32 [tilespmem:s12], [sflag:$0x1], $0x1, s11, s28, $0xb8;
	[tilespmem:$0x1D500] =	vst v63  }
0xad: {  	s10 =	simm.s32 $0x14400;
	s6 =	simm.s32 $0x9000;
	s11 =	sshrl.u32 s0, $0xC  }
0xae: {  	[spmem:s2] =	stream.indirect.scatter.add.f32 [tilespmem:s14], [sflag:$0x1], $0x1, s13, s28, $0xb8;
	[tilespmem:$0x1D500] =	vst v63  }
0xaf: {  	s9 =	simm.s32 $0xB400;
	s7 =	simm.s32 $0x12000;
	s1 =	sand.u32 $0xF, s11  }
0xb0: {  	s12 =	smul.u32 $0x18, s1;
	s13 =	sshrl.u32 s1, $0x3;
	s1 =	sadd.s32 $0x18, s1  }
0xb1: {  	[spmem:s2] =	stream.indirect.scatter.add.f32 [tilespmem:s7], [sflag:$0x1], $0x1, s6, s28, $0xb8;
	[tilespmem:$0x1D500] =	vst v63  }
0xb2: {  	s7 =	smul.u32 $0x3000, s13;
	s1 =	sshrl.u32 s1, $0x3;
	s6 =	ssub.s32 $0x48, s12  }
0xb3: {  	[spmem:s2] =	stream.indirect.scatter.add.f32 [tilespmem:s10], [sflag:$0x1], $0x1, s9, s28, $0xb8;
	[tilespmem:$0x1D500] =	vst v63  }
0xb4: {  	s0 =	sshrl.u32 s0, $0x5;
	s1 =	smul.u32 $0x3000, s1;
	s14 =	sshll.u32 s6, $0x7  }
0xb5: {  	s0 =	sand.u32 $0x380, s0;
	s7 =	sshrl.u32 s7, $0x2;
	s8 =	sand.u32 $0xC00, s14  }
0xb6: {  	s6 =	sshll.u32 s6, $0x4;
	s1 =	sshrl.u32 s1, $0x2;
	s7 =	sadd.s32 s8, s7  }
0xb7: {  	s6 =	sand.u32 $0x70, s6;
	s1 =	sadd.s32 s8, s1;
	s7 =	sor.u32 s0, s7  }
0xb8: {  	s0 =	sor.u32 s0, s1;
	s7 =	sor.u32 s6, s7  }
0xb9: {  	s0 =	sor.u32 s6, s0;
	v2 =	vld [tilespmem:s7+$0x0]  }
0xba: {  	v3 =	vld [tilespmem:s0+$0x0];
	_ =	sdelay $0x4  }
0xbb: {  	v2 =	vmul.f32 $1.920000000e+02, v2;
	v3 =	vmul.f32 $1.920000000e+02, v3;
	_ =	sdelay $0x1  }
0xbc: {  	v2 =	vadd.f32 $1.930000000e+02, v2;
	v3 =	vadd.f32 $1.930000000e+02, v3;
	_ =	sdelay $0x1  }
0xbd: {  	v2 =	vmax.f32 v2, $0.0e+00;
	v3 =	vmax.f32 v3, $0.0e+00  }
0xbe: {  	v4 =	vmin.f32 v2, $3.850000000e+02;
	v3 =	vmin.f32 v3, $3.850000000e+02  }
0xbf: {  	v2 =	vtrunc.f32 v4;
	v5 =	vtrunc.f32 v3  }
0xc0: {  	s0 =	simm.s32 $0x24480;
	v7 =	vcvt.f32.s32 v2;
	v6 =	vcvt.f32.s32 v5  }
0xc1: {  	v2 =	vor.u32 s0, v1  }
0xc2: {  	v5 =	vcvt.s32.f32 v7;
	v8 =	vcvt.s32.f32 v6;
	v62 =	vmul.u32 $0x180, v7  }
0xc3: {  	s6 =	simm.s32 $0x49;
	v63 =	vadd.s32 $0xFFFFFFFF, v7;
	vm0 =	vlt.s32 v7, $0x180;
	v11 =	vadd.s32 $0xFFFFFFFF, v6  }
0xc4: {  	s9 =	smul.u32 $0xAB, s6;
	v4 =	vsub.f32 v4, v5;
	v5 =	vsub.f32 v3, v8;
	v3 =	vadd.s32 v6, v62  }
0xc5: {  	s8 =	simm.s32 $0x1280;
	s1 =	simm.s32 $0x1240;
	s7 =	simm.s32 $0x1200;
	vm1 =	vlt.u32 v63, $0x180;
	vm2 =	vlt.u32 v11, $0x180;
	v7 =	vadd.s32 $0xFFFFFE7F, v3  }
.LBB2_6:
0xc6: {  	p0 =	sne.s32 s8, $0x3BC0;
	s10 =	sshrl.u32 s9, $0xC;
	vm3 =	vmand vm1, vm2;
	v8 =	vsub.f32 $1.000000000e+00, v4;
	v9 =	vsub.f32 $1.000000000e+00, v5  }
0xc7: {  	s11 =	sshra.s32 s7, $0x2;
	vm2 =	vmand vm0, vm2;
	v10 =	vadd.s32 $0xFFFFFFFF, v3;
	s7 =	smov.u32 s1;
	s10 =	sand.u32 $0xF, s10;
	v7 =	vsel vm3, v7, v2  }
0xc8: {  	s1 =	smov.u32 s8;
	vm3 =	vlt.s32 v6, $0x180;
	v6 =	vsel vm2, v10, v2;
	s12 =	smul.u32 $0x18, s10;
	[tilespmem:s11+$0x4800] =	vst v7;
	v7 =	vmul.f32 v9, v8  }
0xc9: {  	v10 =	vadd.s32 $0xFFFFFE80, v3;
	s13 =	sshrl.u32 s10, $0x3;
	s10 =	sadd.s32 $0x18, s10;
	vm1 =	vmand vm1, vm3;
	[tilespmem:s11+$0x9000] =	vst v6;
	v6 =	vmul.f32 v9, v4  }
0xca: {  	s13 =	smul.u32 $0x3000, s13;
	s10 =	sshrl.u32 s10, $0x3;
	v9 =	vsel vm1, v10, v2;
	v4 =	vmul.f32 v5, v4;
	s12 =	ssub.s32 s6, s12;
	[tilespmem:s11+$0xD800] =	vst v7;
	v7 =	vmul.f32 v5, v8  }
0xcb: {  	s9 =	sshrl.u32 s9, $0x5;
	vm0 =	vmand vm0, vm3;
	s10 =	smul.u32 $0x3000, s10;
	s14 =	sshll.u32 s12, $0x7;
	[tilespmem:s11+$0x6C00] =	vst v9  }
0xcc: {  	s9 =	sand.u32 $0x380, s9;
	v2 =	vsel vm0, v3, v2;
	s13 =	sshrl.u32 s13, $0x2;
	s14 =	sand.u32 $0xC00, s14;
	[tilespmem:s11+$0x12000] =	vst v6  }
0xcd: {  	s12 =	sshll.u32 s12, $0x4;
	s10 =	sshrl.u32 s10, $0x2;
	s13 =	sadd.s32 s14, s13;
	[tilespmem:s11+$0xFC00] =	vst v7  }
0xce: {  	s12 =	sand.u32 $0x70, s12;
	s10 =	sadd.s32 s14, s10;
	s13 =	sor.u32 s9, s13;
	[tilespmem:s11+$0x14400] =	vst v4  }
0xcf: {  	s9 =	sor.u32 s9, s10;
	s13 =	sor.u32 s12, s13;
	[tilespmem:s11+$0xB400] =	vst v2  }
0xd0: {  	s9 =	sor.u32 s12, s9;
	v2 =	vld [tilespmem:s13+$0x0]  }
0xd1: {  	v3 =	vld [tilespmem:s9+$0x0];
	_ =	sdelay $0x4  }
0xd2: {  	v2 =	vmul.f32 $1.920000000e+02, v2;
	v3 =	vmul.f32 $1.920000000e+02, v3;
	_ =	sdelay $0x1  }
0xd3: {  	v2 =	vadd.f32 $1.930000000e+02, v2;
	v3 =	vadd.f32 $1.930000000e+02, v3;
	_ =	sdelay $0x1  }
0xd4: {  	v2 =	vmax.f32 v2, $0.0e+00;
	v3 =	vmax.f32 v3, $0.0e+00  }
0xd5: {  	v4 =	vmin.f32 v2, $3.850000000e+02;
	v3 =	vmin.f32 v3, $3.850000000e+02  }
0xd6: {  	v2 =	vtrunc.f32 v4;
	v5 =	vtrunc.f32 v3  }
0xd7: {  	s0 =	sadd.s32 $0x10, s0;
	v7 =	vcvt.f32.s32 v2;
	v6 =	vcvt.f32.s32 v5  }
.Ltmp2:
0xd8: {  	v2 =	vor.u32 s0, v1;
	(pc) =	sbr.rel @p0 .LBB2_6-.Ltmp2, $4  }
0xd9: {  	v5 =	vcvt.s32.f32 v7;
	v9 =	vmul.u32 $0x180, v7;
	v8 =	vcvt.s32.f32 v6  }
0xda: {  	s6 =	sadd.s32 $0x1, s6;
	v10 =	vadd.s32 $0xFFFFFFFF, v7;
	vm0 =	vlt.s32 v7, $0x180;
	v11 =	vadd.s32 $0xFFFFFFFF, v6  }
0xdb: {  	s9 =	smul.u32 $0xAB, s6;
	v4 =	vsub.f32 v4, v5;
	v5 =	vsub.f32 v3, v8;
	v3 =	vadd.s32 v6, v9  }
0xdc: {  	s8 =	sadd.s32 $0x40, s8;
	vm1 =	vlt.u32 v10, $0x180;
	vm2 =	vlt.u32 v11, $0x180;
	v7 =	vadd.s32 $0xFFFFFE7F, v3  }
0xdd: {  	s8 =	sshrl.u32 s9, $0xC;
	vm3 =	vmand vm1, vm2;
	v8 =	vsub.f32 $1.000000000e+00, v4;
	v9 =	vsub.f32 $1.000000000e+00, v5  }
0xde: {  	s7 =	sshra.s32 s7, $0x2;
	vm2 =	vmand vm0, vm2;
	v10 =	vadd.s32 $0xFFFFFFFF, v3;
	s8 =	sand.u32 $0xF, s8;
	v7 =	vsel vm3, v7, v2  }
0xdf: {  	vm3 =	vlt.s32 v6, $0x180;
	v6 =	vsel vm2, v10, v2;
	s10 =	smul.u32 $0x18, s8;
	[tilespmem:s7+$0x4800] =	vst v7;
	v7 =	vmul.f32 v9, v8  }
0xe0: {  	v10 =	vadd.s32 $0xFFFFFE80, v3;
	s11 =	sshrl.u32 s8, $0x3;
	s8 =	sadd.s32 $0x18, s8;
	vm1 =	vmand vm1, vm3;
	[tilespmem:s7+$0x9000] =	vst v6  }
0xe1: {  	v6 =	vmul.f32 v9, v4;
	s12 =	smul.u32 $0x3000, s11;
	s8 =	sshrl.u32 s8, $0x3;
	v9 =	vsel vm1, v10, v2;
	s6 =	ssub.s32 s6, s10;
	[tilespmem:s7+$0xD800] =	vst v7  }
0xe2: {  	s14 =	sshrl.u32 s9, $0x5;
	v4 =	vmul.f32 v5, v4;
	s8 =	smul.u32 $0x3000, s8;
	[tilespmem:s7+$0x6C00] =	vst v9;
	s13 =	sshll.u32 s6, $0x7  }
0xe3: {  	s9 =	sand.u32 $0x380, s14;
	vm0 =	vmand vm0, vm3;
	[tilespmem:s7+$0x12000] =	vst v6;
	s10 =	sshrl.u32 s12, $0x2;
	s11 =	sand.u32 $0xC00, s13  }
0xe4: {  	v2 =	vsel vm0, v3, v2;
	v7 =	vmul.f32 v5, v8;
	[tilespmem:s7+$0x14400] =	vst v4;
	s6 =	sshll.u32 s6, $0x4;
	s8 =	sshrl.u32 s8, $0x2;
	s10 =	sadd.s32 s11, s10  }
0xe5: {  	[tilespmem:s7+$0xB400] =	vst v2;
	s6 =	sand.u32 $0x70, s6;
	s8 =	sadd.s32 s11, s8;
	s10 =	sor.u32 s9, s10  }
0xe6: {  	[tilespmem:s7+$0xFC00] =	vst v7;
	s8 =	sor.u32 s9, s8;
	s10 =	sor.u32 s6, s10  }
0xe7: {  	s6 =	sor.u32 s6, s8;
	v2 =	vld [tilespmem:s10+$0x0]  }
0xe8: {  	v3 =	vld [tilespmem:s6+$0x0];
	_ =	sdelay $0x4  }
0xe9: {  	v2 =	vmul.f32 $1.920000000e+02, v2;
	v3 =	vmul.f32 $1.920000000e+02, v3;
	_ =	sdelay $0x1  }
0xea: {  	v2 =	vadd.f32 $1.930000000e+02, v2;
	v3 =	vadd.f32 $1.930000000e+02, v3;
	_ =	sdelay $0x1  }
0xeb: {  	v2 =	vmax.f32 v2, $0.0e+00;
	v3 =	vmax.f32 v3, $0.0e+00  }
0xec: {  	v2 =	vmin.f32 v2, $3.850000000e+02;
	v3 =	vmin.f32 v3, $3.850000000e+02  }
0xed: {  	v4 =	vtrunc.f32 v2;
	v5 =	vtrunc.f32 v3  }
0xee: {  	v4 =	vcvt.f32.s32 v4;
	v5 =	vcvt.f32.s32 v5;
	_ =	sdelay $0x1  }
0xef: {  	v7 =	vcvt.s32.f32 v4;
	v8 =	vcvt.s32.f32 v5;
	v9 =	vmul.u32 $0x180, v4  }
0xf0: {  	s0 =	sadd.s32 $0x10, s0;
	v10 =	vadd.s32 $0xFFFFFFFF, v4;
	vm0 =	vlt.s32 v4, $0x180;
	v4 =	vadd.s32 $0xFFFFFFFF, v5  }
0xf1: {  	v6 =	vor.u32 s0, v1;
	vm1 =	vlt.u32 v10, $0x180;
	vm2 =	vlt.u32 v4, $0x180  }
0xf2: {  	v2 =	vsub.f32 v2, v7;
	v3 =	vsub.f32 v3, v8;
	v7 =	vadd.s32 v5, v9  }
0xf3: {  	vm3 =	vmand vm1, vm2;
	vm2 =	vmand vm0, vm2;
	v8 =	vadd.s32 $0xFFFFFE7F, v7  }
0xf4: {  	v10 =	vadd.s32 $0xFFFFFFFF, v7;
	v4 =	vsub.f32 $1.000000000e+00, v2;
	v9 =	vsub.f32 $1.000000000e+00, v3  }
0xf5: {  	s10 =	sshra.s32 s1, $0x2;
	v8 =	vsel vm3, v8, v6;
	vm3 =	vlt.s32 v5, $0x180;
	v5 =	vsel vm2, v10, v6  }
0xf6: {  	v10 =	vadd.s32 $0xFFFFFE80, v7;
	[tilespmem:s10+$0x4800] =	vst v8;
	vm1 =	vmand vm1, vm3;
	vm0 =	vmand vm0, vm3  }
0xf7: {  	[tilespmem:s10+$0x9000] =	vst v5;
	v8 =	vmul.f32 v9, v4;
	v5 =	vmul.f32 v9, v2;
	v9 =	vsel vm1, v10, v6  }
0xf8: {  	v4 =	vmul.f32 v3, v4;
	v2 =	vmul.f32 v3, v2;
	v3 =	vsel vm0, v7, v6;
	[tilespmem:s10+$0x6C00] =	vst v9  }
0xf9: {  	[tilespmem:s10+$0xB400] =	vst v3  }
0xfa: {  	[tilespmem:s10+$0xD800] =	vst v8  }
0xfb: {  	[tilespmem:s10+$0x12000] =	vst v5  }
0xfc: {  	s14 =	simm.s32 $0x10080;
	s7 =	simm.s32 $0xF0;
	[tilespmem:s10+$0xFC00] =	vst v4  }
0xfd: {  	s12 =	simm.s32 $0xDC80;
	s11 =	simm.s32 $0x4C80;
	s0 =	smul.u32 $0xAAAB, s7;
	[tilespmem:s10+$0x14400] =	vst v2  }
0xfe: {  	[spmem:s2] =	stream.indirect.scatter.add.f32 [tilespmem:s12], [sflag:$0x1], $0x1, s11, s29, $0xb8;
	[tilespmem:$0x1D500] =	vst v63  }
0xff: {  	s13 =	simm.s32 $0x7080;
	s9 =	simm.s32 $0x14880;
	s10 =	sshrl.u32 s0, $0x14  }
0x100: {  	[spmem:s2] =	stream.indirect.scatter.add.f32 [tilespmem:s14], [sflag:$0x1], $0x1, s13, s29, $0xb8;
	[tilespmem:$0x1D500] =	vst v63  }
0x101: {  	s1 =	simm.s32 $0x9480;
	s6 =	simm.s32 $0x12480;
	s11 =	smul.u32 $0x18, s10  }
0x102: {  	[spmem:s2] =	stream.indirect.scatter.add.f32 [tilespmem:s6], [sflag:$0x1], $0x1, s1, s29, $0xb8;
	[tilespmem:$0x1D500] =	vst v63  }
0x103: {  	s8 =	simm.s32 $0xB880;
	s12 =	sshrl.u32 s0, $0x17;
	s1 =	sadd.s32 $0x18, s10  }
0x104: {  	s7 =	smul.u32 $0x3000, s12;
	s6 =	ssub.s32 $0xF0, s11;
	s1 =	sshrl.u32 s1, $0x3  }
0x105: {  	[spmem:s2] =	stream.indirect.scatter.add.f32 [tilespmem:s9], [sflag:$0x1], $0x1, s8, s29, $0xb8;
	[tilespmem:$0x1D500] =	vst v63  }
0x106: {  	s0 =	sshrl.u32 s0, $0xD;
	s13 =	sshll.u32 s6, $0x7;
	s1 =	smul.u32 $0x3000, s1  }
0x107: {  	s0 =	sand.u32 $0x380, s0;
	s7 =	sshrl.u32 s7, $0x2;
	s8 =	sand.u32 $0xC00, s13  }
0x108: {  	s6 =	sshll.u32 s6, $0x4;
	s7 =	sadd.s32 s8, s7;
	s1 =	sshrl.u32 s1, $0x2  }
0x109: {  	s6 =	sand.u32 $0x70, s6;
	s7 =	sor.u32 s0, s7;
	s1 =	sadd.s32 s8, s1  }
0x10a: {  	s7 =	sor.u32 s6, s7;
	s0 =	sor.u32 s0, s1  }
0x10b: {  	v2 =	vld [tilespmem:s7+$0x0];
	s0 =	sor.u32 s6, s0  }
0x10c: {  	v3 =	vld [tilespmem:s0+$0x0];
	_ =	sdelay $0x3  }
0x10d: {  	v2 =	vmul.f32 $1.920000000e+02, v2  }
0x10e: {  	v3 =	vmul.f32 $1.920000000e+02, v3  }
0x10f: {  	v2 =	vadd.f32 $1.930000000e+02, v2  }
0x110: {  	v3 =	vadd.f32 $1.930000000e+02, v3  }
0x111: {  	v2 =	vmax.f32 v2, $0.0e+00  }
0x112: {  	v4 =	vmin.f32 v2, $3.850000000e+02;
	v3 =	vmax.f32 v3, $0.0e+00  }
0x113: {  	v2 =	vtrunc.f32 v4;
	v3 =	vmin.f32 v3, $3.850000000e+02  }
0x114: {  	v7 =	vcvt.f32.s32 v2;
	v5 =	vtrunc.f32 v3  }
0x115: {  	v6 =	vcvt.f32.s32 v5  }
0x116: {  	v5 =	vcvt.s32.f32 v7  }
0x117: {  	s1 =	simm.s32 $0xF00;
	v9 =	vmul.u32 $0x180, v7;
	v10 =	vadd.s32 $0xFFFFFFFF, v7;
	v8 =	vcvt.s32.f32 v6  }
0x118: {  	s14 =	sand.u32 $0xFF0, s1;
	vm0 =	vlt.s32 v7, $0x180;
	vm1 =	vlt.u32 v10, $0x180;
	v7 =	vadd.s32 $0xFFFFFFFF, v6  }
0x119: {  	s6 =	simm.s32 $0xF1;
	s0 =	sor.u32 $0x24000, s14;
	v4 =	vsub.f32 v4, v5;
	vm2 =	vlt.u32 v7, $0x180;
	v5 =	vsub.f32 v3, v8  }
0x11a: {  	s9 =	smul.u32 $0xAAAB, s6;
	v2 =	vor.u32 s0, v1;
	v3 =	vadd.s32 v6, v9;
	vm3 =	vmand vm1, vm2  }
0x11b: {  	s8 =	simm.s32 $0x3C80;
	s7 =	simm.s32 $0x3C00;
	s0 =	simm.s32 $0x3C40;
	v7 =	vsub.f32 $1.000000000e+00, v4;
	v9 =	vadd.s32 $0xFFFFFE7F, v3;
	v8 =	vsub.f32 $1.000000000e+00, v5  }
.LBB2_8:
0x11c: {  	p0 =	sne.s32 s8, $0x65C0;
	s10 =	sshrl.u32 s9, $0x14;
	v9 =	vsel vm3, v9, v2;
	s11 =	sshra.s32 s7, $0x2;
	vm2 =	vmand vm0, vm2;
	v10 =	vadd.s32 $0xFFFFFFFF, v3  }
0x11d: {  	vm3 =	vlt.s32 v6, $0x180;
	s7 =	smov.u32 s0;
	s0 =	smov.u32 s8;
	s12 =	smul.u32 $0x18, s10;
	[tilespmem:s11+$0x4800] =	vst v9;
	v6 =	vsel vm2, v10, v2;
	v9 =	vmul.f32 v8, v7  }
0x11e: {  	s13 =	sshrl.u32 s9, $0x17;
	s10 =	sadd.s32 $0x18, s10;
	vm1 =	vmand vm1, vm3;
	v10 =	vadd.s32 $0xFFFFFE80, v3;
	[tilespmem:s11+$0x9000] =	vst v6;
	v6 =	vmul.f32 v8, v4  }
0x11f: {  	s13 =	smul.u32 $0x3000, s13;
	v7 =	vmul.f32 v5, v7;
	s10 =	sshrl.u32 s10, $0x3;
	v8 =	vsel vm1, v10, v2;
	v4 =	vmul.f32 v5, v4;
	s12 =	ssub.s32 s6, s12;
	[tilespmem:s11+$0xD800] =	vst v9  }
0x120: {  	s9 =	sshrl.u32 s9, $0xD;
	vm0 =	vmand vm0, vm3;
	s10 =	smul.u32 $0x3000, s10;
	s14 =	sshll.u32 s12, $0x7;
	[tilespmem:s11+$0x6C00] =	vst v8  }
0x121: {  	s9 =	sand.u32 $0x380, s9;
	v2 =	vsel vm0, v3, v2;
	s13 =	sshrl.u32 s13, $0x2;
	s14 =	sand.u32 $0xC00, s14;
	[tilespmem:s11+$0x12000] =	vst v6  }
0x122: {  	s12 =	sshll.u32 s12, $0x4;
	s10 =	sshrl.u32 s10, $0x2;
	s13 =	sadd.s32 s14, s13;
	[tilespmem:s11+$0xFC00] =	vst v7  }
0x123: {  	s12 =	sand.u32 $0x70, s12;
	s10 =	sadd.s32 s14, s10;
	s13 =	sor.u32 s9, s13;
	[tilespmem:s11+$0x14400] =	vst v4  }
0x124: {  	s9 =	sor.u32 s9, s10;
	s13 =	sor.u32 s12, s13;
	[tilespmem:s11+$0xB400] =	vst v2  }
0x125: {  	s9 =	sor.u32 s12, s9;
	v2 =	vld [tilespmem:s13+$0x0]  }
0x126: {  	v3 =	vld [tilespmem:s9+$0x0];
	_ =	sdelay $0x4  }
0x127: {  	v2 =	vmul.f32 $1.920000000e+02, v2;
	v3 =	vmul.f32 $1.920000000e+02, v3;
	_ =	sdelay $0x1  }
0x128: {  	v2 =	vadd.f32 $1.930000000e+02, v2;
	v3 =	vadd.f32 $1.930000000e+02, v3;
	_ =	sdelay $0x1  }
0x129: {  	v2 =	vmax.f32 v2, $0.0e+00;
	v3 =	vmax.f32 v3, $0.0e+00  }
0x12a: {  	s1 =	sadd.s32 $0x10, s1;
	v4 =	vmin.f32 v2, $3.850000000e+02;
	v3 =	vmin.f32 v3, $3.850000000e+02  }
0x12b: {  	s9 =	sand.u32 $0xFF0, s1;
	v2 =	vtrunc.f32 v4;
	v5 =	vtrunc.f32 v3  }
0x12c: {  	s9 =	sor.u32 $0x24000, s9;
	v7 =	vcvt.f32.s32 v2;
	v6 =	vcvt.f32.s32 v5  }
0x12d: {  	v2 =	vor.u32 s9, v1  }
.Ltmp3:
0x12e: {  	v5 =	vcvt.s32.f32 v7;
	v9 =	vmul.u32 $0x180, v7;
	v8 =	vcvt.s32.f32 v6;
	(pc) =	sbr.rel @p0 .LBB2_8-.Ltmp3, $4  }
0x12f: {  	v10 =	vadd.s32 $0xFFFFFFFF, v7;
	vm0 =	vlt.s32 v7, $0x180;
	v7 =	vadd.s32 $0xFFFFFFFF, v6  }
0x130: {  	s6 =	sadd.s32 $0x1, s6;
	v4 =	vsub.f32 v4, v5;
	v5 =	vsub.f32 v3, v8;
	v3 =	vadd.s32 v6, v9  }
0x131: {  	s9 =	smul.u32 $0xAAAB, s6;
	vm1 =	vlt.u32 v10, $0x180;
	vm2 =	vlt.u32 v7, $0x180;
	v9 =	vadd.s32 $0xFFFFFE7F, v3  }
0x132: {  	s8 =	sadd.s32 $0x40, s8;
	vm3 =	vmand vm1, vm2;
	v7 =	vsub.f32 $1.000000000e+00, v4;
	v8 =	vsub.f32 $1.000000000e+00, v5  }
0x133: {  	s8 =	sshrl.u32 s9, $0x14;
	v9 =	vsel vm3, v9, v2;
	s7 =	sshra.s32 s7, $0x2;
	vm2 =	vmand vm0, vm2;
	v10 =	vadd.s32 $0xFFFFFFFF, v3  }
0x134: {  	vm3 =	vlt.s32 v6, $0x180;
	s10 =	smul.u32 $0x18, s8;
	[tilespmem:s7+$0x4800] =	vst v9;
	v6 =	vsel vm2, v10, v2;
	v9 =	vmul.f32 v8, v7  }
0x135: {  	s11 =	sshrl.u32 s9, $0x17;
	s8 =	sadd.s32 $0x18, s8;
	vm1 =	vmand vm1, vm3;
	v10 =	vadd.s32 $0xFFFFFE80, v3;
	[tilespmem:s7+$0x9000] =	vst v6  }
0x136: {  	s12 =	smul.u32 $0x3000, s11;
	v7 =	vmul.f32 v5, v7;
	v6 =	vmul.f32 v8, v4;
	s8 =	sshrl.u32 s8, $0x3;
	v8 =	vsel vm1, v10, v2;
	s6 =	ssub.s32 s6, s10;
	[tilespmem:s7+$0xD800] =	vst v9  }
0x137: {  	s14 =	sshrl.u32 s9, $0xD;
	vm0 =	vmand vm0, vm3;
	s8 =	smul.u32 $0x3000, s8;
	[tilespmem:s7+$0x6C00] =	vst v8;
	s13 =	sshll.u32 s6, $0x7  }
0x138: {  	s9 =	sand.u32 $0x380, s14;
	v2 =	vsel vm0, v3, v2;
	s10 =	sshrl.u32 s12, $0x2;
	[tilespmem:s7+$0xFC00] =	vst v7;
	s11 =	sand.u32 $0xC00, s13  }
0x139: {  	v4 =	vmul.f32 v5, v4;
	[tilespmem:s7+$0xB400] =	vst v2;
	s6 =	sshll.u32 s6, $0x4;
	s8 =	sshrl.u32 s8, $0x2;
	s10 =	sadd.s32 s11, s10  }
0x13a: {  	[tilespmem:s7+$0x12000] =	vst v6;
	s6 =	sand.u32 $0x70, s6;
	s8 =	sadd.s32 s11, s8;
	s10 =	sor.u32 s9, s10  }
0x13b: {  	[tilespmem:s7+$0x14400] =	vst v4;
	s8 =	sor.u32 s9, s8;
	s10 =	sor.u32 s6, s10  }
0x13c: {  	s6 =	sor.u32 s6, s8;
	v2 =	vld [tilespmem:s10+$0x0]  }
0x13d: {  	v3 =	vld [tilespmem:s6+$0x0];
	_ =	sdelay $0x4  }
0x13e: {  	v2 =	vmul.f32 $1.920000000e+02, v2;
	v3 =	vmul.f32 $1.920000000e+02, v3;
	_ =	sdelay $0x1  }
0x13f: {  	v2 =	vadd.f32 $1.930000000e+02, v2;
	v3 =	vadd.f32 $1.930000000e+02, v3;
	_ =	sdelay $0x1  }
0x140: {  	v2 =	vmax.f32 v2, $0.0e+00;
	v3 =	vmax.f32 v3, $0.0e+00  }
0x141: {  	v2 =	vmin.f32 v2, $3.850000000e+02;
	v3 =	vmin.f32 v3, $3.850000000e+02  }
0x142: {  	v4 =	vtrunc.f32 v2;
	v5 =	vtrunc.f32 v3  }
0x143: {  	v4 =	vcvt.f32.s32 v4;
	v5 =	vcvt.f32.s32 v5  }
0x144: {  	s1 =	sadd.s32 $0x10, s1  }
0x145: {  	s1 =	sand.u32 $0xFF0, s1;
	v7 =	vcvt.s32.f32 v4;
	v8 =	vcvt.s32.f32 v5;
	v9 =	vmul.u32 $0x180, v4  }
0x146: {  	s1 =	sor.u32 $0x24000, s1;
	v10 =	vadd.s32 $0xFFFFFFFF, v4;
	vm0 =	vlt.s32 v4, $0x180;
	v4 =	vadd.s32 $0xFFFFFFFF, v5  }
0x147: {  	v6 =	vor.u32 s1, v1;
	vm1 =	vlt.u32 v10, $0x180;
	vm2 =	vlt.u32 v4, $0x180  }
0x148: {  	v2 =	vsub.f32 v2, v7;
	v3 =	vsub.f32 v3, v8;
	v7 =	vadd.s32 v5, v9  }
0x149: {  	vm3 =	vmand vm1, vm2;
	vm2 =	vmand vm0, vm2;
	v8 =	vadd.s32 $0xFFFFFE7F, v7  }
0x14a: {  	v10 =	vadd.s32 $0xFFFFFFFF, v7;
	v4 =	vsub.f32 $1.000000000e+00, v2;
	v9 =	vsub.f32 $1.000000000e+00, v3  }
0x14b: {  	s0 =	sshra.s32 s0, $0x2;
	v8 =	vsel vm3, v8, v6;
	vm3 =	vlt.s32 v5, $0x180;
	v5 =	vsel vm2, v10, v6  }
0x14c: {  	v10 =	vadd.s32 $0xFFFFFE80, v7;
	[tilespmem:s0+$0x4800] =	vst v8;
	vm1 =	vmand vm1, vm3;
	vm0 =	vmand vm0, vm3  }
0x14d: {  	[tilespmem:s0+$0x9000] =	vst v5;
	v8 =	vmul.f32 v9, v4;
	v5 =	vmul.f32 v9, v2;
	v9 =	vsel vm1, v10, v6  }
0x14e: {  	v4 =	vmul.f32 v3, v4;
	v2 =	vmul.f32 v3, v2;
	v3 =	vsel vm0, v7, v6;
	[tilespmem:s0+$0x6C00] =	vst v9  }
0x14f: {  	[tilespmem:s0+$0xB400] =	vst v3  }
0x150: {  	[tilespmem:s0+$0xD800] =	vst v8  }
0x151: {  	[tilespmem:s0+$0x12000] =	vst v5  }
0x152: {  	s14 =	simm.s32 $0x10B00;
	s7 =	simm.s32 $0x198;
	[tilespmem:s0+$0xFC00] =	vst v4  }
0x153: {  	s12 =	simm.s32 $0xE700;
	s11 =	simm.s32 $0x5700;
	[tilespmem:s0+$0x14400] =	vst v2;
	s0 =	smul.u32 $0xAAAB, s7  }
0x154: {  	[spmem:s2] =	stream.indirect.scatter.add.f32 [tilespmem:s12], [sflag:$0x1], $0x1, s11, s29, $0xb8;
	[tilespmem:$0x1D500] =	vst v63  }
0x155: {  	s1 =	simm.s32 $0x9F00;
	s13 =	simm.s32 $0x7B00;
	s10 =	sshrl.u32 s0, $0x14  }
0x156: {  	[spmem:s2] =	stream.indirect.scatter.add.f32 [tilespmem:s14], [sflag:$0x1], $0x1, s13, s29, $0xb8;
	[tilespmem:$0x1D500] =	vst v63  }
0x157: {  	s9 =	simm.s32 $0x15300;
	s6 =	simm.s32 $0x12F00;
	s11 =	smul.u32 $0x18, s10  }
0x158: {  	[spmem:s2] =	stream.indirect.scatter.add.f32 [tilespmem:s6], [sflag:$0x1], $0x1, s1, s29, $0xb8;
	[tilespmem:$0x1D500] =	vst v63  }
0x159: {  	s8 =	simm.s32 $0xC300;
	s12 =	sshrl.u32 s0, $0x17;
	s1 =	sadd.s32 $0x18, s10  }
0x15a: {  	s7 =	smul.u32 $0x3000, s12;
	s6 =	ssub.s32 $0x198, s11;
	s1 =	sshrl.u32 s1, $0x3  }
0x15b: {  	[spmem:s2] =	stream.indirect.scatter.add.f32 [tilespmem:s9], [sflag:$0x1], $0x1, s8, s29, $0xb8;
	[tilespmem:$0x1D500] =	vst v63  }
0x15c: {  	s0 =	sshrl.u32 s0, $0xD;
	s13 =	sshll.u32 s6, $0x7;
	s1 =	smul.u32 $0x3000, s1  }
0x15d: {  	s0 =	sand.u32 $0x380, s0;
	s7 =	sshrl.u32 s7, $0x2;
	s8 =	sand.u32 $0xC00, s13  }
0x15e: {  	s6 =	sshll.u32 s6, $0x4;
	s7 =	sadd.s32 s8, s7;
	s1 =	sshrl.u32 s1, $0x2  }
0x15f: {  	s6 =	sand.u32 $0x70, s6;
	s7 =	sor.u32 s0, s7;
	s1 =	sadd.s32 s8, s1  }
0x160: {  	s7 =	sor.u32 s6, s7;
	s0 =	sor.u32 s0, s1  }
0x161: {  	v2 =	vld [tilespmem:s7+$0x0];
	s0 =	sor.u32 s6, s0  }
0x162: {  	v3 =	vld [tilespmem:s0+$0x0];
	_ =	sdelay $0x3  }
0x163: {  	v2 =	vmul.f32 $1.920000000e+02, v2  }
0x164: {  	v3 =	vmul.f32 $1.920000000e+02, v3  }
0x165: {  	v2 =	vadd.f32 $1.930000000e+02, v2  }
0x166: {  	v3 =	vadd.f32 $1.930000000e+02, v3  }
0x167: {  	v2 =	vmax.f32 v2, $0.0e+00  }
0x168: {  	v4 =	vmin.f32 v2, $3.850000000e+02;
	v3 =	vmax.f32 v3, $0.0e+00  }
0x169: {  	v2 =	vtrunc.f32 v4;
	v3 =	vmin.f32 v3, $3.850000000e+02  }
0x16a: {  	v7 =	vcvt.f32.s32 v2;
	v5 =	vtrunc.f32 v3  }
0x16b: {  	v6 =	vcvt.f32.s32 v5  }
0x16c: {  	v5 =	vcvt.s32.f32 v7  }
0x16d: {  	s1 =	simm.s32 $0x1980;
	v9 =	vmul.u32 $0x180, v7;
	v10 =	vadd.s32 $0xFFFFFFFF, v7;
	v8 =	vcvt.s32.f32 v6  }
0x16e: {  	s14 =	sand.u32 $0xFF0, s1;
	vm0 =	vlt.s32 v7, $0x180;
	vm1 =	vlt.u32 v10, $0x180;
	v7 =	vadd.s32 $0xFFFFFFFF, v6  }
0x16f: {  	s6 =	simm.s32 $0x199;
	s0 =	sor.u32 $0x24000, s14;
	v4 =	vsub.f32 v4, v5;
	vm2 =	vlt.u32 v7, $0x180;
	v5 =	vsub.f32 v3, v8  }
0x170: {  	s9 =	smul.u32 $0xAAAB, s6;
	v2 =	vor.u32 s0, v1;
	v3 =	vadd.s32 v6, v9;
	vm3 =	vmand vm1, vm2  }
0x171: {  	s8 =	simm.s32 $0x6680;
	s7 =	simm.s32 $0x6600;
	s0 =	simm.s32 $0x6640;
	v7 =	vsub.f32 $1.000000000e+00, v4;
	v9 =	vadd.s32 $0xFFFFFE7F, v3;
	v8 =	vsub.f32 $1.000000000e+00, v5  }
.LBB2_10:
0x172: {  	p0 =	sne.s32 s8, $0x8FC0;
	s10 =	sshrl.u32 s9, $0x14;
	v9 =	vsel vm3, v9, v2;
	s11 =	sshra.s32 s7, $0x2;
	vm2 =	vmand vm0, vm2;
	v10 =	vadd.s32 $0xFFFFFFFF, v3  }
0x173: {  	vm3 =	vlt.s32 v6, $0x180;
	s7 =	smov.u32 s0;
	s0 =	smov.u32 s8;
	s12 =	smul.u32 $0x18, s10;
	[tilespmem:s11+$0x4800] =	vst v9;
	v6 =	vsel vm2, v10, v2;
	v9 =	vmul.f32 v8, v7  }
0x174: {  	s13 =	sshrl.u32 s9, $0x17;
	s10 =	sadd.s32 $0x18, s10;
	vm1 =	vmand vm1, vm3;
	v10 =	vadd.s32 $0xFFFFFE80, v3;
	[tilespmem:s11+$0x9000] =	vst v6;
	v6 =	vmul.f32 v8, v4  }
0x175: {  	s13 =	smul.u32 $0x3000, s13;
	v7 =	vmul.f32 v5, v7;
	s10 =	sshrl.u32 s10, $0x3;
	v8 =	vsel vm1, v10, v2;
	v4 =	vmul.f32 v5, v4;
	s12 =	ssub.s32 s6, s12;
	[tilespmem:s11+$0xD800] =	vst v9  }
0x176: {  	s9 =	sshrl.u32 s9, $0xD;
	vm0 =	vmand vm0, vm3;
	s10 =	smul.u32 $0x3000, s10;
	s14 =	sshll.u32 s12, $0x7;
	[tilespmem:s11+$0x6C00] =	vst v8  }
0x177: {  	s9 =	sand.u32 $0x380, s9;
	v2 =	vsel vm0, v3, v2;
	s13 =	sshrl.u32 s13, $0x2;
	s14 =	sand.u32 $0xC00, s14;
	[tilespmem:s11+$0x12000] =	vst v6  }
0x178: {  	s12 =	sshll.u32 s12, $0x4;
	s10 =	sshrl.u32 s10, $0x2;
	s13 =	sadd.s32 s14, s13;
	[tilespmem:s11+$0xFC00] =	vst v7  }
0x179: {  	s12 =	sand.u32 $0x70, s12;
	s10 =	sadd.s32 s14, s10;
	s13 =	sor.u32 s9, s13;
	[tilespmem:s11+$0x14400] =	vst v4  }
0x17a: {  	s9 =	sor.u32 s9, s10;
	s13 =	sor.u32 s12, s13;
	[tilespmem:s11+$0xB400] =	vst v2  }
0x17b: {  	s9 =	sor.u32 s12, s9;
	v2 =	vld [tilespmem:s13+$0x0]  }
0x17c: {  	v3 =	vld [tilespmem:s9+$0x0];
	_ =	sdelay $0x4  }
0x17d: {  	v2 =	vmul.f32 $1.920000000e+02, v2;
	v3 =	vmul.f32 $1.920000000e+02, v3;
	_ =	sdelay $0x1  }
0x17e: {  	v2 =	vadd.f32 $1.930000000e+02, v2;
	v3 =	vadd.f32 $1.930000000e+02, v3;
	_ =	sdelay $0x1  }
0x17f: {  	v2 =	vmax.f32 v2, $0.0e+00;
	v3 =	vmax.f32 v3, $0.0e+00  }
0x180: {  	s1 =	sadd.s32 $0x10, s1;
	v4 =	vmin.f32 v2, $3.850000000e+02;
	v3 =	vmin.f32 v3, $3.850000000e+02  }
0x181: {  	s9 =	sand.u32 $0xFF0, s1;
	v2 =	vtrunc.f32 v4;
	v5 =	vtrunc.f32 v3  }
0x182: {  	s9 =	sor.u32 $0x24000, s9;
	v7 =	vcvt.f32.s32 v2;
	v6 =	vcvt.f32.s32 v5  }
0x183: {  	v2 =	vor.u32 s9, v1  }
.Ltmp4:
0x184: {  	v5 =	vcvt.s32.f32 v7;
	v9 =	vmul.u32 $0x180, v7;
	v8 =	vcvt.s32.f32 v6;
	(pc) =	sbr.rel @p0 .LBB2_10-.Ltmp4, $4  }
0x185: {  	v10 =	vadd.s32 $0xFFFFFFFF, v7;
	vm0 =	vlt.s32 v7, $0x180;
	v7 =	vadd.s32 $0xFFFFFFFF, v6  }
0x186: {  	s6 =	sadd.s32 $0x1, s6;
	v4 =	vsub.f32 v4, v5;
	v5 =	vsub.f32 v3, v8;
	v3 =	vadd.s32 v6, v9  }
0x187: {  	s9 =	smul.u32 $0xAAAB, s6;
	vm1 =	vlt.u32 v10, $0x180;
	vm2 =	vlt.u32 v7, $0x180;
	v9 =	vadd.s32 $0xFFFFFE7F, v3  }
0x188: {  	s8 =	sadd.s32 $0x40, s8;
	vm3 =	vmand vm1, vm2;
	v7 =	vsub.f32 $1.000000000e+00, v4;
	v8 =	vsub.f32 $1.000000000e+00, v5  }
0x189: {  	s8 =	sshrl.u32 s9, $0x14;
	v9 =	vsel vm3, v9, v2;
	s7 =	sshra.s32 s7, $0x2;
	vm2 =	vmand vm0, vm2;
	v10 =	vadd.s32 $0xFFFFFFFF, v3  }
0x18a: {  	v45 =	vmul.f32 v5, v4;
	s10 =	smul.u32 $0x18, s8;
	[tilespmem:s7+$0x4800] =	vst v9;
	v39 =	vsel vm2, v10, v2  }
0x18b: {  	vm9 =	vlt.s32 v6, $0x180;
	s11 =	sshrl.u32 s9, $0x17;
	v40 =	vmul.f32 v8, v7;
	s8 =	sadd.s32 $0x18, s8;
	[tilespmem:s7+$0x9000] =	vst v39  }
0x18c: {  	v41 =	vadd.s32 $0xFFFFFE80, v3;
	vm1 =	vmand vm1, vm9;
	s12 =	smul.u32 $0x3000, s11;
	s8 =	sshrl.u32 s8, $0x3;
	[tilespmem:s7+$0x14400] =	vst v45;
	s6 =	ssub.s32 s6, s10  }
0x18d: {  	s14 =	sshrl.u32 s9, $0xD;
	v42 =	vmul.f32 v8, v4;
	v43 =	vsel vm1, v41, v2;
	[tilespmem:s7+$0xD800] =	vst v40;
	s8 =	smul.u32 $0x3000, s8;
	s13 =	sshll.u32 s6, $0x7  }
0x18e: {  	v44 =	vmul.f32 v5, v7;
	s9 =	sand.u32 $0x380, s14;
	[tilespmem:s7+$0x6C00] =	vst v43;
	s10 =	sshrl.u32 s12, $0x2;
	s11 =	sand.u32 $0xC00, s13  }
0x18f: {  	vm10 =	vmand vm0, vm9;
	[tilespmem:s7+$0x12000] =	vst v42;
	s6 =	sshll.u32 s6, $0x4;
	s8 =	sshrl.u32 s8, $0x2;
	s10 =	sadd.s32 s11, s10  }
0x190: {  	v2 =	vsel vm10, v3, v2;
	[tilespmem:s7+$0xFC00] =	vst v44;
	s6 =	sand.u32 $0x70, s6;
	s8 =	sadd.s32 s11, s8;
	s10 =	sor.u32 s9, s10  }
0x191: {  	[tilespmem:s7+$0xB400] =	vst v2;
	s8 =	sor.u32 s9, s8;
	s12 =	sor.u32 s6, s10  }
0x192: {  	s6 =	sor.u32 s6, s8;
	v2 =	vld [tilespmem:s12+$0x0]  }
0x193: {  	v3 =	vld [tilespmem:s6+$0x0];
	_ =	sdelay $0x4  }
0x194: {  	v2 =	vmul.f32 $1.920000000e+02, v2;
	v3 =	vmul.f32 $1.920000000e+02, v3;
	_ =	sdelay $0x1  }
0x195: {  	v2 =	vadd.f32 $1.930000000e+02, v2;
	v3 =	vadd.f32 $1.930000000e+02, v3;
	_ =	sdelay $0x1  }
0x196: {  	v2 =	vmax.f32 v2, $0.0e+00;
	v3 =	vmax.f32 v3, $0.0e+00  }
0x197: {  	v2 =	vmin.f32 v2, $3.850000000e+02;
	v3 =	vmin.f32 v3, $3.850000000e+02  }
0x198: {  	s1 =	sadd.s32 $0x10, s1;
	v46 =	vtrunc.f32 v2;
	v47 =	vtrunc.f32 v3  }
0x199: {  	s1 =	sand.u32 $0xFF0, s1;
	v4 =	vcvt.f32.s32 v46;
	v5 =	vcvt.f32.s32 v47  }
0x19a: {  	s1 =	sor.u32 $0x24000, s1  }
0x19b: {  	v48 =	vor.u32 s1, v1;
	v49 =	vcvt.s32.f32 v4;
	v50 =	vcvt.s32.f32 v5  }
0x19c: {  	v51 =	vmul.u32 $0x180, v4;
	v52 =	vadd.s32 $0xFFFFFFFF, v4;
	vm11 =	vlt.s32 v4, $0x180  }
0x19d: {  	v53 =	vadd.s32 $0xFFFFFFFF, v5;
	vm15 =	vlt.s32 v5, $0x180;
	vm12 =	vlt.u32 v52, $0x180  }
0x19e: {  	vm13 =	vlt.u32 v53, $0x180;
	vm0 =	vmand vm11, vm15;
	v2 =	vsub.f32 v2, v49  }
0x19f: {  	v3 =	vsub.f32 v3, v50;
	v54 =	vadd.s32 v5, v51;
	vm14 =	vmand vm12, vm13  }
0x1a0: {  	vm2 =	vmand vm11, vm13;
	v55 =	vadd.s32 $0xFFFFFE7F, v54;
	v58 =	vadd.s32 $0xFFFFFFFF, v54  }
0x1a1: {  	s0 =	sshra.s32 s0, $0x2;
	v56 =	vsub.f32 $1.000000000e+00, v2;
	v57 =	vsub.f32 $1.000000000e+00, v3;
	v8 =	vsel vm14, v55, v48  }
0x1a2: {  	vm1 =	vmand vm12, vm15;
	v61 =	vadd.s32 $0xFFFFFE80, v54;
	v59 =	vsel vm2, v58, v48;
	[tilespmem:s0+$0x4800] =	vst v8  }
0x1a3: {  	v63 =	vsel vm1, v61, v48;
	[tilespmem:s0+$0x9000] =	vst v59;
	v60 =	vmul.f32 v57, v56;
	v62 =	vmul.f32 v57, v2  }
0x1a4: {  	[tilespmem:s0+$0x6C00] =	vst v63;
	v4 =	vmul.f32 v3, v56;
	v2 =	vmul.f32 v3, v2;
	v3 =	vsel vm0, v54, v48  }
0x1a5: {  	[tilespmem:s0+$0xB400] =	vst v3  }
0x1a6: {  	[tilespmem:s0+$0xD800] =	vst v60  }
0x1a7: {  	[tilespmem:s0+$0x12000] =	vst v62  }
0x1a8: {  	[tilespmem:s0+$0xFC00] =	vst v4  }
0x1a9: {  	s14 =	simm.s32 $0xF180;
	s13 =	simm.s32 $0x6180;
	[tilespmem:s0+$0x14400] =	vst v2  }
0x1aa: {  	[spmem:s2] =	stream.indirect.scatter.add.f32 [tilespmem:s14], [sflag:$0x1], $0x1, s13, s29, $0xb8;
	[tilespmem:$0x1D500] =	vst v63  }
0x1ab: {  	s1 =	simm.s32 $0x8580;
	s6 =	simm.s32 $0x11580  }
0x1ac: {  	[spmem:s2] =	stream.indirect.scatter.add.f32 [tilespmem:s6], [sflag:$0x1], $0x1, s1, s29, $0xb8;
	[tilespmem:$0x1D500] =	vst v63  }
0x1ad: {  	s7 =	simm.s32 $0xA980;
	s8 =	simm.s32 $0x13980  }
0x1ae: {  	[spmem:s2] =	stream.indirect.scatter.add.f32 [tilespmem:s8], [sflag:$0x1], $0x1, s7, s29, $0xb8;
	[tilespmem:$0x1D500] =	vst v63  }
0x1af: {  	s9 =	simm.s32 $0xCD80;
	s10 =	simm.s32 $0x15D80  }
0x1b0: {  	[spmem:s2] =	stream.indirect.scatter.add.f32 [tilespmem:s10], [sflag:$0x1], $0x1, s9, s29, $0xb8;
	[tilespmem:$0x1D500] =	vst v63  }
0x1b1: {  	_ =	swait.ge [sflag:s26], $0x480  }
0x1b2: {  	[sflag:s26] =	ssyncset.done $0x0  }
0x1b3: {  	[sflag:s26] =	ssyncadd.s32 $0xFFFFFB80  }
0x1b4: {  	_ =	swait.ge [sflag:s26], $0x480  }
0x1b5: {  	[sflag:s26] =	ssyncset.done $0x0  }
0x1b6: {  	[sflag:s26] =	ssyncadd.s32 $0xFFFFFB80  }
0x1b7: {  	_ =	swait.ge [sflag:s26], $0x480  }
0x1b8: {  	[sflag:s26] =	ssyncset.done $0x0  }
0x1b9: {  	[sflag:s26] =	ssyncadd.s32 $0xFFFFFB80  }
0x1ba: {  	_ =	swait.ge [sflag:s26], $0x480  }
0x1bb: {  	[sflag:s26] =	ssyncset.done $0x0  }
0x1bc: {  	[sflag:s26] =	ssyncadd.s32 $0xFFFFFB80  }
0x1bd: {  	_ =	swait.ge [sflag:s26], $0xA80  }
0x1be: {  	[sflag:s26] =	ssyncset.done $0x0  }
0x1bf: {  	[sflag:s26] =	ssyncadd.s32 $0xFFFFF580  }
0x1c0: {  	_ =	swait.ge [sflag:s26], $0xA80  }
0x1c1: {  	[sflag:s26] =	ssyncset.done $0x0  }
0x1c2: {  	[sflag:s26] =	ssyncadd.s32 $0xFFFFF580  }
0x1c3: {  	_ =	swait.ge [sflag:s26], $0xA80  }
0x1c4: {  	[sflag:s26] =	ssyncset.done $0x0  }
0x1c5: {  	[sflag:s26] =	ssyncadd.s32 $0xFFFFF580  }
0x1c6: {  	_ =	swait.ge [sflag:s26], $0xA80  }
0x1c7: {  	[sflag:s26] =	ssyncset.done $0x0  }
0x1c8: {  	[sflag:s26] =	ssyncadd.s32 $0xFFFFF580  }
0x1c9: {  	_ =	swait.ge [sflag:s26], $0xA80  }
0x1ca: {  	[sflag:s26] =	ssyncset.done $0x0  }
0x1cb: {  	[sflag:s26] =	ssyncadd.s32 $0xFFFFF580  }
0x1cc: {  	_ =	swait.ge [sflag:s26], $0xA80  }
0x1cd: {  	[sflag:s26] =	ssyncset.done $0x0  }
0x1ce: {  	[sflag:s26] =	ssyncadd.s32 $0xFFFFF580  }
0x1cf: {  	_ =	swait.ge [sflag:s26], $0xA80  }
0x1d0: {  	[sflag:s26] =	ssyncset.done $0x0  }
0x1d1: {  	[sflag:s26] =	ssyncadd.s32 $0xFFFFF580  }
0x1d2: {  	_ =	swait.ge [sflag:s26], $0xA80  }
0x1d3: {  	[sflag:s26] =	ssyncset.done $0x0  }
0x1d4: {  	[sflag:s26] =	ssyncadd.s32 $0xFFFFF580  }
0x1d5: {  	_ =	swait.ge [sflag:s26], $0xA80  }
0x1d6: {  	[sflag:s26] =	ssyncset.done $0x0  }
0x1d7: {  	[sflag:s26] =	ssyncadd.s32 $0xFFFFF580  }
0x1d8: {  	_ =	swait.ge [sflag:s26], $0xA80  }
0x1d9: {  	[sflag:s26] =	ssyncset.done $0x0  }
0x1da: {  	[sflag:s26] =	ssyncadd.s32 $0xFFFFF580  }
0x1db: {  	_ =	swait.ge [sflag:s26], $0xA80  }
0x1dc: {  	[sflag:s26] =	ssyncset.done $0x0  }
0x1dd: {  	[sflag:s26] =	ssyncadd.s32 $0xFFFFF580  }
0x1de: {  	_ =	swait.ge [sflag:s26], $0xA80  }
0x1df: {  	[sflag:s26] =	ssyncset.done $0x0  }
0x1e0: {  	[sflag:s26] =	ssyncadd.s32 $0xFFFFF580  }
0x1e1: {  	[bflag:$0x0] =	sbarrier.arrive $0xFFFF  }
0x1e2: {  	[tilespmem:s30], [sflag:$0x1] =	stream.linear.gather [spmem:s5], $0x80, $0x38;
	[tilespmem:$0x1D500] =	vst v63  }
0x1e3: {  	s11 =	rddreg [dreg:$0x1f]  }
0x1e4: {  	s12 =	simm.s32 $0x19000;
	s13 =	sld [smem:$0x7DA]  }
0x1e5: {  	[tilespmem:s12], [sflag:$0x1] =	stream.linear.gather [spmem:s11], $0x80, $0x38;
	[tilespmem:$0x1D500] =	vst v63  }
0x1e6: {  	s14 =	simm.s32 $0x19400;
	s1 =	rddreg [dreg:$0x6]  }
0x1e7: {  	[tilespmem:s14], [sflag:$0x1] =	stream.linear.gather [spmem:s13], $0x80, $0x38;
	[tilespmem:$0x1D500] =	vst v63  }
0x1e8: {  	s6 =	simm.s32 $0x18C80;
	s7 =	sld [smem:$0x7DB]  }
0x1e9: {  	[tilespmem:s6], [sflag:$0x1] =	stream.linear.gather [spmem:s1], $0x80, $0x38;
	[tilespmem:$0x1D500] =	vst v63  }
0x1ea: {  	s8 =	simm.s32 $0x19080;
	s9 =	sld [smem:$0x7DC]  }
0x1eb: {  	[tilespmem:s8], [sflag:$0x1] =	stream.linear.gather [spmem:s7], $0x80, $0x38;
	[tilespmem:$0x1D500] =	vst v63  }
0x1ec: {  	s10 =	simm.s32 $0x19480;
	s11 =	rddreg [dreg:$0x7]  }
0x1ed: {  	[tilespmem:s10], [sflag:$0x1] =	stream.linear.gather [spmem:s9], $0x80, $0x38;
	[tilespmem:$0x1D500] =	vst v63  }
0x1ee: {  	s12 =	simm.s32 $0x18D00;
	s13 =	sld [smem:$0x7DD]  }
0x1ef: {  	[tilespmem:s12], [sflag:$0x1] =	stream.linear.gather [spmem:s11], $0x80, $0x38;
	[tilespmem:$0x1D500] =	vst v63  }
0x1f0: {  	s14 =	simm.s32 $0x19100;
	s1 =	sld [smem:$0x7DE]  }
0x1f1: {  	[tilespmem:s14], [sflag:$0x1] =	stream.linear.gather [spmem:s13], $0x80, $0x38;
	[tilespmem:$0x1D500] =	vst v63  }
0x1f2: {  	s6 =	simm.s32 $0x19500;
	s7 =	rddreg [dreg:$0x8]  }
0x1f3: {  	[tilespmem:s6], [sflag:$0x1] =	stream.linear.gather [spmem:s1], $0x80, $0x38;
	[tilespmem:$0x1D500] =	vst v63  }
0x1f4: {  	s8 =	simm.s32 $0x18D80;
	s9 =	sld [smem:$0x7DF]  }
0x1f5: {  	[tilespmem:s8], [sflag:$0x1] =	stream.linear.gather [spmem:s7], $0x80, $0x38;
	[tilespmem:$0x1D500] =	vst v63  }
0x1f6: {  	s10 =	simm.s32 $0x19180;
	s11 =	sld [smem:$0x7E0]  }
0x1f7: {  	[tilespmem:s10], [sflag:$0x1] =	stream.linear.gather [spmem:s9], $0x80, $0x38;
	[tilespmem:$0x1D500] =	vst v63  }
0x1f8: {  	s12 =	simm.s32 $0x19580;
	s13 =	rddreg [dreg:$0x9]  }
0x1f9: {  	[tilespmem:s12], [sflag:$0x1] =	stream.linear.gather [spmem:s11], $0x80, $0x38;
	[tilespmem:$0x1D500] =	vst v63  }
0x1fa: {  	s14 =	simm.s32 $0x18E00;
	s1 =	sld [smem:$0x7E1]  }
0x1fb: {  	[tilespmem:s14], [sflag:$0x1] =	stream.linear.gather [spmem:s13], $0x80, $0x38;
	[tilespmem:$0x1D500] =	vst v63  }
0x1fc: {  	s6 =	simm.s32 $0x19200;
	s7 =	sld [smem:$0x7E2]  }
0x1fd: {  	[tilespmem:s6], [sflag:$0x1] =	stream.linear.gather [spmem:s1], $0x80, $0x38;
	[tilespmem:$0x1D500] =	vst v63  }
0x1fe: {  	s8 =	simm.s32 $0x19600;
	s9 =	rddreg [dreg:$0xa]  }
0x1ff: {  	[tilespmem:s8], [sflag:$0x1] =	stream.linear.gather [spmem:s7], $0x80, $0x38;
	[tilespmem:$0x1D500] =	vst v63  }
0x200: {  	s10 =	simm.s32 $0x18E80;
	s11 =	sld [smem:$0x7E3]  }
0x201: {  	[tilespmem:s10], [sflag:$0x1] =	stream.linear.gather [spmem:s9], $0x80, $0x38;
	[tilespmem:$0x1D500] =	vst v63  }
0x202: {  	s12 =	simm.s32 $0x19280;
	s13 =	sld [smem:$0x7E4]  }
0x203: {  	[tilespmem:s12], [sflag:$0x1] =	stream.linear.gather [spmem:s11], $0x80, $0x38;
	[tilespmem:$0x1D500] =	vst v63  }
0x204: {  	s14 =	simm.s32 $0x19680;
	s1 =	rddreg [dreg:$0xb]  }
0x205: {  	[tilespmem:s14], [sflag:$0x1] =	stream.linear.gather [spmem:s13], $0x80, $0x38;
	[tilespmem:$0x1D500] =	vst v63  }
0x206: {  	s6 =	simm.s32 $0x18F00;
	s7 =	sld [smem:$0x7E5]  }
0x207: {  	[tilespmem:s6], [sflag:$0x1] =	stream.linear.gather [spmem:s1], $0x80, $0x38;
	[tilespmem:$0x1D500] =	vst v63  }
0x208: {  	s8 =	simm.s32 $0x19300;
	s9 =	sld [smem:$0x7E6]  }
0x209: {  	[tilespmem:s8], [sflag:$0x1] =	stream.linear.gather [spmem:s7], $0x80, $0x38;
	[tilespmem:$0x1D500] =	vst v63  }
0x20a: {  	s10 =	simm.s32 $0x19700;
	s11 =	rddreg [dreg:$0xc]  }
0x20b: {  	[tilespmem:s10], [sflag:$0x1] =	stream.linear.gather [spmem:s9], $0x80, $0x38;
	[tilespmem:$0x1D500] =	vst v63  }
0x20c: {  	s12 =	simm.s32 $0x18F80;
	s13 =	sld [smem:$0x7E7]  }
0x20d: {  	[tilespmem:s12], [sflag:$0x1] =	stream.linear.gather [spmem:s11], $0x80, $0x38;
	[tilespmem:$0x1D500] =	vst v63  }
0x20e: {  	s14 =	simm.s32 $0x19380;
	s1 =	sld [smem:$0x7E8]  }
0x20f: {  	[tilespmem:s14], [sflag:$0x1] =	stream.linear.gather [spmem:s13], $0x80, $0x38;
	[tilespmem:$0x1D500] =	vst v63  }
0x210: {  	s6 =	simm.s32 $0x19780;
	s7 =	rddreg [dreg:$0xd]  }
0x211: {  	[tilespmem:s6], [sflag:$0x1] =	stream.linear.gather [spmem:s1], $0x80, $0x38;
	[tilespmem:$0x1D500] =	vst v63  }
0x212: {  	s8 =	simm.s32 $0x19800;
	s9 =	sld [smem:$0x7E9]  }
0x213: {  	[tilespmem:s8], [sflag:$0x1] =	stream.linear.gather [spmem:s7], $0x80, $0x38;
	[tilespmem:$0x1D500] =	vst v63  }
0x214: {  	s10 =	simm.s32 $0x19C00;
	s11 =	sld [smem:$0x7EA]  }
0x215: {  	[tilespmem:s10], [sflag:$0x1] =	stream.linear.gather [spmem:s9], $0x80, $0x38;
	[tilespmem:$0x1D500] =	vst v63  }
0x216: {  	s12 =	simm.s32 $0x1A000;
	s13 =	rddreg [dreg:$0xe]  }
0x217: {  	[tilespmem:s12], [sflag:$0x1] =	stream.linear.gather [spmem:s11], $0x80, $0x38;
	[tilespmem:$0x1D500] =	vst v63  }
0x218: {  	s14 =	simm.s32 $0x19880;
	s1 =	sld [smem:$0x7EB]  }
0x219: {  	[tilespmem:s14], [sflag:$0x1] =	stream.linear.gather [spmem:s13], $0x80, $0x38;
	[tilespmem:$0x1D500] =	vst v63  }
0x21a: {  	s6 =	simm.s32 $0x19C80;
	s7 =	sld [smem:$0x7EC]  }
0x21b: {  	[tilespmem:s6], [sflag:$0x1] =	stream.linear.gather [spmem:s1], $0x80, $0x38;
	[tilespmem:$0x1D500] =	vst v63  }
0x21c: {  	s8 =	simm.s32 $0x1A080;
	s9 =	rddreg [dreg:$0xf]  }
0x21d: {  	[tilespmem:s8], [sflag:$0x1] =	stream.linear.gather [spmem:s7], $0x80, $0x38;
	[tilespmem:$0x1D500] =	vst v63  }
0x21e: {  	s10 =	simm.s32 $0x19900;
	s11 =	sld [smem:$0x7ED]  }
0x21f: {  	[tilespmem:s10], [sflag:$0x1] =	stream.linear.gather [spmem:s9], $0x80, $0x38;
	[tilespmem:$0x1D500] =	vst v63  }
0x220: {  	s12 =	simm.s32 $0x19D00;
	s13 =	sld [smem:$0x7EE]  }
0x221: {  	[tilespmem:s12], [sflag:$0x1] =	stream.linear.gather [spmem:s11], $0x80, $0x38;
	[tilespmem:$0x1D500] =	vst v63  }
0x222: {  	s14 =	simm.s32 $0x1A100;
	s1 =	rddreg [dreg:$0x10]  }
0x223: {  	[tilespmem:s14], [sflag:$0x1] =	stream.linear.gather [spmem:s13], $0x80, $0x38;
	[tilespmem:$0x1D500] =	vst v63  }
0x224: {  	s6 =	simm.s32 $0x19980;
	s7 =	sld [smem:$0x7EF]  }
0x225: {  	[tilespmem:s6], [sflag:$0x1] =	stream.linear.gather [spmem:s1], $0x80, $0x38;
	[tilespmem:$0x1D500] =	vst v63  }
0x226: {  	s8 =	simm.s32 $0x19D80;
	s9 =	sld [smem:$0x7F0]  }
0x227: {  	[tilespmem:s8], [sflag:$0x1] =	stream.linear.gather [spmem:s7], $0x80, $0x38;
	[tilespmem:$0x1D500] =	vst v63  }
0x228: {  	s10 =	simm.s32 $0x1A180;
	s11 =	rddreg [dreg:$0x11]  }
0x229: {  	[tilespmem:s10], [sflag:$0x1] =	stream.linear.gather [spmem:s9], $0x80, $0x38;
	[tilespmem:$0x1D500] =	vst v63  }
0x22a: {  	s12 =	simm.s32 $0x19A00;
	s13 =	sld [smem:$0x7F1]  }
0x22b: {  	[tilespmem:s12], [sflag:$0x1] =	stream.linear.gather [spmem:s11], $0x80, $0x38;
	[tilespmem:$0x1D500] =	vst v63  }
0x22c: {  	s14 =	simm.s32 $0x19E00;
	s1 =	sld [smem:$0x7F2]  }
0x22d: {  	[tilespmem:s14], [sflag:$0x1] =	stream.linear.gather [spmem:s13], $0x80, $0x38;
	[tilespmem:$0x1D500] =	vst v63  }
0x22e: {  	s6 =	simm.s32 $0x1A200;
	s7 =	rddreg [dreg:$0x12]  }
0x22f: {  	[tilespmem:s6], [sflag:$0x1] =	stream.linear.gather [spmem:s1], $0x80, $0x38;
	[tilespmem:$0x1D500] =	vst v63  }
0x230: {  	s8 =	simm.s32 $0x19A80;
	s9 =	sld [smem:$0x7F3]  }
0x231: {  	[tilespmem:s8], [sflag:$0x1] =	stream.linear.gather [spmem:s7], $0x80, $0x38;
	[tilespmem:$0x1D500] =	vst v63  }
0x232: {  	s10 =	simm.s32 $0x19E80;
	s11 =	sld [smem:$0x7F4]  }
0x233: {  	[tilespmem:s10], [sflag:$0x1] =	stream.linear.gather [spmem:s9], $0x80, $0x38;
	[tilespmem:$0x1D500] =	vst v63  }
0x234: {  	s12 =	simm.s32 $0x1A280;
	s13 =	rddreg [dreg:$0x13]  }
0x235: {  	[tilespmem:s12], [sflag:$0x1] =	stream.linear.gather [spmem:s11], $0x80, $0x38;
	[tilespmem:$0x1D500] =	vst v63  }
0x236: {  	s14 =	simm.s32 $0x19B00;
	s1 =	sld [smem:$0x7F5]  }
0x237: {  	[tilespmem:s14], [sflag:$0x1] =	stream.linear.gather [spmem:s13], $0x80, $0x38;
	[tilespmem:$0x1D500] =	vst v63  }
0x238: {  	s6 =	simm.s32 $0x19F00;
	s7 =	sld [smem:$0x7F6]  }
0x239: {  	[tilespmem:s6], [sflag:$0x1] =	stream.linear.gather [spmem:s1], $0x80, $0x38;
	[tilespmem:$0x1D500] =	vst v63  }
0x23a: {  	s8 =	simm.s32 $0x1A300;
	s9 =	rddreg [dreg:$0x14]  }
0x23b: {  	[tilespmem:s8], [sflag:$0x1] =	stream.linear.gather [spmem:s7], $0x80, $0x38;
	[tilespmem:$0x1D500] =	vst v63  }
0x23c: {  	s10 =	simm.s32 $0x19B80;
	s11 =	sld [smem:$0x7F7]  }
0x23d: {  	[tilespmem:s10], [sflag:$0x1] =	stream.linear.gather [spmem:s9], $0x80, $0x38;
	[tilespmem:$0x1D500] =	vst v63  }
0x23e: {  	s12 =	simm.s32 $0x19F80;
	s13 =	sld [smem:$0x7F8]  }
0x23f: {  	[tilespmem:s12], [sflag:$0x1] =	stream.linear.gather [spmem:s11], $0x80, $0x38;
	[tilespmem:$0x1D500] =	vst v63  }
0x240: {  	s14 =	simm.s32 $0x1A380;
	s1 =	rddreg [dreg:$0x15]  }
0x241: {  	[tilespmem:s14], [sflag:$0x1] =	stream.linear.gather [spmem:s13], $0x80, $0x38;
	[tilespmem:$0x1D500] =	vst v63  }
0x242: {  	s6 =	simm.s32 $0x1A400;
	s7 =	sld [smem:$0x7F9]  }
0x243: {  	[tilespmem:s6], [sflag:$0x1] =	stream.linear.gather [spmem:s1], $0x80, $0x38;
	[tilespmem:$0x1D500] =	vst v63  }
0x244: {  	s8 =	simm.s32 $0x1A800;
	s9 =	sld [smem:$0x7FA]  }
0x245: {  	[tilespmem:s8], [sflag:$0x1] =	stream.linear.gather [spmem:s7], $0x80, $0x38;
	[tilespmem:$0x1D500] =	vst v63  }
0x246: {  	s10 =	simm.s32 $0x1AC00;
	s11 =	rddreg [dreg:$0x16]  }
0x247: {  	[tilespmem:s10], [sflag:$0x1] =	stream.linear.gather [spmem:s9], $0x80, $0x38;
	[tilespmem:$0x1D500] =	vst v63  }
0x248: {  	s12 =	simm.s32 $0x1A480;
	s13 =	sld [smem:$0x7FB]  }
0x249: {  	[tilespmem:s12], [sflag:$0x1] =	stream.linear.gather [spmem:s11], $0x80, $0x38;
	[tilespmem:$0x1D500] =	vst v63  }
0x24a: {  	s14 =	simm.s32 $0x1A880;
	s6 =	sld [smem:$0x7FC]  }
0x24b: {  	[tilespmem:s14], [sflag:$0x1] =	stream.linear.gather [spmem:s13], $0x80, $0x38;
	[tilespmem:$0x1D500] =	vst v63  }
0x24c: {  	s7 =	simm.s32 $0x1AC80;
	s8 =	rddreg [dreg:$0x19]  }
0x24d: {  	[tilespmem:s7], [sflag:$0x1] =	stream.linear.gather [spmem:s6], $0x80, $0x38;
	[tilespmem:$0x1D500] =	vst v63  }
0x24e: {  	s9 =	simm.s32 $0x1A500;
	s10 =	sld [smem:$0x7FD]  }
0x24f: {  	[tilespmem:s9], [sflag:$0x1] =	stream.linear.gather [spmem:s8], $0x80, $0x38;
	[tilespmem:$0x1D500] =	vst v63  }
0x250: {  	s11 =	simm.s32 $0x1A900  }
0x251: {  	[tilespmem:s11], [sflag:$0x1] =	stream.linear.gather [spmem:s10], $0x80, $0x38;
	[tilespmem:$0x1D500] =	vst v63  }
0x252: {  	s12 =	simm.s32 $0x1AD00  }
0x253: {  	[tilespmem:s12], [sflag:$0x1] =	stream.linear.gather [spmem:s15], $0x80, $0x38;
	[tilespmem:$0x1D500] =	vst v63  }
0x254: {  	s13 =	rddreg [dreg:$0x1a];
	s14 =	simm.s32 $0x1A580  }
0x255: {  	[tilespmem:s14], [sflag:$0x1] =	stream.linear.gather [spmem:s13], $0x80, $0x38;
	[tilespmem:$0x1D500] =	vst v63  }
0x256: {  	s1 =	simm.s32 $0x1A980  }
0x257: {  	[tilespmem:s1], [sflag:$0x1] =	stream.linear.gather [spmem:s16], $0x80, $0x38;
	[tilespmem:$0x1D500] =	vst v63  }
0x258: {  	s6 =	simm.s32 $0x1AD80  }
0x259: {  	[tilespmem:s6], [sflag:$0x1] =	stream.linear.gather [spmem:s17], $0x80, $0x38;
	[tilespmem:$0x1D500] =	vst v63  }
0x25a: {  	s7 =	rddreg [dreg:$0x1b];
	s8 =	simm.s32 $0x1A600  }
0x25b: {  	[tilespmem:s8], [sflag:$0x1] =	stream.linear.gather [spmem:s7], $0x80, $0x38;
	[tilespmem:$0x1D500] =	vst v63  }
0x25c: {  	s9 =	simm.s32 $0x1AA00  }
0x25d: {  	[tilespmem:s9], [sflag:$0x1] =	stream.linear.gather [spmem:s18], $0x80, $0x38;
	[tilespmem:$0x1D500] =	vst v63  }
0x25e: {  	s10 =	simm.s32 $0x1AE00  }
0x25f: {  	[tilespmem:s10], [sflag:$0x1] =	stream.linear.gather [spmem:s19], $0x80, $0x38;
	[tilespmem:$0x1D500] =	vst v63  }
0x260: {  	s11 =	rddreg [dreg:$0x1c];
	s12 =	simm.s32 $0x1A680  }
0x261: {  	[tilespmem:s12], [sflag:$0x1] =	stream.linear.gather [spmem:s11], $0x80, $0x38;
	[tilespmem:$0x1D500] =	vst v63  }
0x262: {  	s13 =	simm.s32 $0x1AA80  }
0x263: {  	[tilespmem:s13], [sflag:$0x1] =	stream.linear.gather [spmem:s20], $0x80, $0x38;
	[tilespmem:$0x1D500] =	vst v63  }
0x264: {  	s14 =	simm.s32 $0x1AE80  }
0x265: {  	[tilespmem:s14], [sflag:$0x1] =	stream.linear.gather [spmem:s21], $0x80, $0x38;
	[tilespmem:$0x1D500] =	vst v63  }
0x266: {  	s1 =	rddreg [dreg:$0x1d];
	s6 =	simm.s32 $0x1A700  }
0x267: {  	[tilespmem:s6], [sflag:$0x1] =	stream.linear.gather [spmem:s1], $0x80, $0x38;
	[tilespmem:$0x1D500] =	vst v63  }
0x268: {  	s7 =	simm.s32 $0x1AB00  }
0x269: {  	[tilespmem:s7], [sflag:$0x1] =	stream.linear.gather [spmem:s4], $0x80, $0x38;
	[tilespmem:$0x1D500] =	vst v63  }
0x26a: {  	s8 =	simm.s32 $0x1AF00  }
0x26b: {  	[tilespmem:s8], [sflag:$0x1] =	stream.linear.gather [spmem:s22], $0x80, $0x38;
	[tilespmem:$0x1D500] =	vst v63  }
0x26c: {  	s9 =	rddreg [dreg:$0x1e];
	s10 =	simm.s32 $0x1A780  }
0x26d: {  	[tilespmem:s10], [sflag:$0x1] =	stream.linear.gather [spmem:s9], $0x80, $0x38;
	[tilespmem:$0x1D500] =	vst v63  }
0x26e: {  	s11 =	simm.s32 $0x1AB80  }
0x26f: {  	[tilespmem:s11], [sflag:$0x1] =	stream.linear.gather [spmem:s23], $0x80, $0x38;
	[tilespmem:$0x1D500] =	vst v63  }
0x270: {  	s12 =	simm.s32 $0x1AF80  }
0x271: {  	[tilespmem:s12], [sflag:$0x1] =	stream.linear.gather [spmem:s24], $0x80, $0x38;
	[tilespmem:$0x1D500] =	vst v63  }
0x272: {  	_ =	swait.ge [sflag:s26], $0x180  }
0x273: {  	[sflag:s26] =	ssyncset.done $0x0  }
0x274: {  	[sflag:s26] =	ssyncadd.s32 $0xFFFFFE80  }
0x275: {  	_ =	swait.ge [sflag:s26], $0x180  }
0x276: {  	[sflag:s26] =	ssyncset.done $0x0  }
0x277: {  	[sflag:s26] =	ssyncadd.s32 $0xFFFFFE80  }
0x278: {  	_ =	swait.ge [sflag:s26], $0x180  }
0x279: {  	[sflag:s26] =	ssyncset.done $0x0  }
0x27a: {  	[sflag:s26] =	ssyncadd.s32 $0xFFFFFE80  }
0x27b: {  	_ =	swait.ge [sflag:s26], $0x180  }
0x27c: {  	[sflag:s26] =	ssyncset.done $0x0  }
0x27d: {  	[sflag:s26] =	ssyncadd.s32 $0xFFFFFE80  }
0x27e: {  	_ =	swait.ge [sflag:s26], $0x180  }
0x27f: {  	[sflag:s26] =	ssyncset.done $0x0  }
0x280: {  	[sflag:s26] =	ssyncadd.s32 $0xFFFFFE80  }
0x281: {  	_ =	swait.ge [sflag:s26], $0x180  }
0x282: {  	[sflag:s26] =	ssyncset.done $0x0  }
0x283: {  	[sflag:s26] =	ssyncadd.s32 $0xFFFFFE80  }
0x284: {  	_ =	swait.ge [sflag:s26], $0x180  }
0x285: {  	[sflag:s26] =	ssyncset.done $0x0  }
0x286: {  	[sflag:s26] =	ssyncadd.s32 $0xFFFFFE80  }
0x287: {  	_ =	swait.ge [sflag:s26], $0x180  }
0x288: {  	[sflag:s26] =	ssyncset.done $0x0  }
0x289: {  	[sflag:s26] =	ssyncadd.s32 $0xFFFFFE80  }
0x28a: {  	_ =	swait.ge [sflag:s26], $0x180  }
0x28b: {  	[sflag:s26] =	ssyncset.done $0x0  }
0x28c: {  	[sflag:s26] =	ssyncadd.s32 $0xFFFFFE80  }
0x28d: {  	_ =	swait.ge [sflag:s26], $0x180  }
0x28e: {  	[sflag:s26] =	ssyncset.done $0x0  }
0x28f: {  	[sflag:s26] =	ssyncadd.s32 $0xFFFFFE80  }
0x290: {  	_ =	swait.ge [sflag:s26], $0x180  }
0x291: {  	[sflag:s26] =	ssyncset.done $0x0  }
0x292: {  	[sflag:s26] =	ssyncadd.s32 $0xFFFFFE80  }
0x293: {  	_ =	swait.ge [sflag:s26], $0x180  }
0x294: {  	[sflag:s26] =	ssyncset.done $0x0  }
0x295: {  	[sflag:s26] =	ssyncadd.s32 $0xFFFFFE80  }
0x296: {  	_ =	swait.ge [sflag:s26], $0x180  }
0x297: {  	[sflag:s26] =	ssyncset.done $0x0  }
0x298: {  	[sflag:s26] =	ssyncadd.s32 $0xFFFFFE80  }
0x299: {  	_ =	swait.ge [sflag:s26], $0x180  }
0x29a: {  	[sflag:s26] =	ssyncset.done $0x0  }
0x29b: {  	[sflag:s26] =	ssyncadd.s32 $0xFFFFFE80  }
0x29c: {  	_ =	swait.ge [sflag:s26], $0x180  }
0x29d: {  	[sflag:s26] =	ssyncset.done $0x0  }
0x29e: {  	[sflag:s26] =	ssyncadd.s32 $0xFFFFFE80  }
0x29f: {  	_ =	swait.ge [sflag:s26], $0x180  }
0x2a0: {  	[sflag:s26] =	ssyncset.done $0x0  }
0x2a1: {  	[sflag:s26] =	ssyncadd.s32 $0xFFFFFE80  }
0x2a2: {  	_ =	swait.ge [sflag:s26], $0x180  }
0x2a3: {  	[sflag:s26] =	ssyncset.done $0x0  }
0x2a4: {  	[sflag:s26] =	ssyncadd.s32 $0xFFFFFE80  }
0x2a5: {  	_ =	swait.ge [sflag:s26], $0x180  }
0x2a6: {  	[sflag:s26] =	ssyncset.done $0x0  }
0x2a7: {  	[sflag:s26] =	ssyncadd.s32 $0xFFFFFE80  }
0x2a8: {  	_ =	swait.ge [sflag:s26], $0x180  }
0x2a9: {  	[sflag:s26] =	ssyncset.done $0x0  }
0x2aa: {  	[sflag:s26] =	ssyncadd.s32 $0xFFFFFE80  }
0x2ab: {  	_ =	swait.ge [sflag:s26], $0x180  }
0x2ac: {  	[sflag:s26] =	ssyncset.done $0x0  }
0x2ad: {  	[sflag:s26] =	ssyncadd.s32 $0xFFFFFE80  }
0x2ae: {  	_ =	swait.ge [sflag:s26], $0x180  }
0x2af: {  	[sflag:s26] =	ssyncset.done $0x0  }
0x2b0: {  	[sflag:s26] =	ssyncadd.s32 $0xFFFFFE80  }
0x2b1: {  	_ =	swait.ge [sflag:s26], $0x180  }
0x2b2: {  	[sflag:s26] =	ssyncset.done $0x0  }
0x2b3: {  	[sflag:s26] =	ssyncadd.s32 $0xFFFFFE80  }
0x2b4: {  	_ =	swait.ge [sflag:s26], $0x180  }
0x2b5: {  	[sflag:s26] =	ssyncset.done $0x0  }
0x2b6: {  	[sflag:s26] =	ssyncadd.s32 $0xFFFFFE80  }
0x2b7: {  	_ =	swait.ge [sflag:s26], $0x180  }
0x2b8: {  	[sflag:s26] =	ssyncset.done $0x0  }
0x2b9: {  	s13 =	rddreg [dreg:$0x17];
	[sflag:s26] =	ssyncadd.s32 $0xFFFFFE80  }
0x2ba: {  	[hbm4b:s13+s3] =	stream.linear.scatter [tilespmem:s30], [sflag:$0x2], $0x2400, $0x38;
	[tilespmem:$0x1D500] =	vst v63  }
0x2bb: {  	_ =	swait.ge [sflag:s25], $0x2400  }
0x2bc: {  	s31 =	sadd.s32 $0x1, s31;
	s14 =	rddreg [dreg:$0x18]  }
0x2bd: {  	p0 =	sne.s32 s31, s14  }
.Ltmp5:
0x2be: {  	_ = 	snop;
	(pc) =	sbr.rel @p0 .LBB2_1-.Ltmp5, $3  }
0x2bf: {  	_ =	sdelay $0x1  }
0x2c0: {  	[sflag:s25] =	ssyncset.done $0x0  }
0x2c1: {  	[sflag:s25] =	ssyncadd.s32 $0xFFFFDC00  }
0x2c2: {  	_ =	sfence.sel $0x180000  }
0x2c3: {  	[bflag:$0x0] =	sbarrier.arrive $0xFFFF  }
0x2c4: {  	_ =	strace $0x90000047  }
0x2c5: {  	s0 =	stileid.u32;
	[bflag:$0x2] =	sbarrier.arrive $0xFFFF  }
0x2c6: {  	p0 =	sne.s32 s0, $0x0;
	s0 =	rddreg [dreg:$0x3]  }
0x2c7: {  	s0 =	sadd.s32 @!p0 $0x100000, s0  }
0x2c8: {  	[sflag:s0] =	ssyncadd.tile.s32 @!p0 $0x1;
	_ =	shalt  }
.Lfunc_end2:
_tile_overlayer_lowered:
.L_overlay_start_2:
0x2c9: {  	(tag) =	ssettag $0x2  }
0x2ca: {  	s0 =	rddreg [dreg:$0x0];
	s2 =	stileid.u32  }
0x2cb: {  	s1 =	rddreg [dreg:$0x1];
	p0 =	sne.s32 s2, $0x0  }
0x2cc: {  	s3 =	rddreg [dreg:$0x2];
	[bflag:$0x3] =	sbarrier.arrive $0xFFFF;
	s2 =	simm.s32 @!p0 $0x1C02  }
0x2cd: {  	[timem:s3], [sflag:s2] =	dma.local @!p0 [hbm:s0], s1  }
0x2ce: {  	s0 =	simm.s32 @!p0 $0x2  }
0x2cf: {  	_ =	swait.ge @!p0 [sflag:s0], s1  }
0x2d0: {  	s1 =	ssub.s32 @!p0 $0x0, s1;
	[sflag:s0] =	ssyncset.done @!p0 $0x0  }
0x2d1: {  	[sflag:s0] =	ssyncadd.s32 @!p0 s1  }
0x2d2: {  	[bflag:$0x3] =	sbarrier.arrive $0xFFFF  }
0x2d3: {  	_ =	shalt  }

</sc_bundles>
